<compile_context>
chip_gen: v7x
topology: tpu7x:2x2x1
jax: 0.10.2.dev20260603
libtpu: 0.0.44.dev20260713+nightly
codegen_flags: <defaults>
</compile_context>

<pallas_src>
import functools

import jax
import jax.numpy as jnp
from jax import lax
from jax.experimental import pallas as pl
from jax.experimental.pallas import tpu as pltpu
from jax.experimental.pallas import tpu_sc as plsc

N = 10000
D = 128
H = 4
C = 32
E = 320000

NC = 2
NS = 16
NW = NC * NS
EPW = E // NW
K = 80
NBLK = EPW // K
ROW = 144
AW = 16
RPT = 624
TAIL = N - NS * RPT

_SQRT2 = 1.4142135623730951


def _pre_body(x_ref, w_ref, a_ref, xp_ref, av_ref, as_ref, ad_ref):
    xp = jnp.dot(x_ref[...], w_ref[...], preferred_element_type=jnp.float32)
    xp_ref[...] = xp
    av = jnp.dot(xp, a_ref[...], preferred_element_type=jnp.float32)
    av_ref[...] = av
    zpad = jnp.zeros((av.shape[0], AW - H), jnp.float32)
    as_ref[...] = jnp.concatenate([av[:, :H], zpad], axis=1)
    ad_ref[...] = jnp.concatenate([av[:, H:], zpad], axis=1)


def _tc_pre(x, W, A):
    RB = 1000
    return pl.pallas_call(
        _pre_body,
        grid=(N // RB,),
        in_specs=[
            pl.BlockSpec((RB, D), lambda i: (i, 0)),
            pl.BlockSpec((D, D), lambda i: (0, 0)),
            pl.BlockSpec((D, 2 * H), lambda i: (0, 0)),
        ],
        out_specs=[
            pl.BlockSpec((RB, D), lambda i: (i, 0)),
            pl.BlockSpec((RB, 2 * H), lambda i: (i, 0)),
            pl.BlockSpec((RB, AW), lambda i: (i, 0)),
            pl.BlockSpec((RB, AW), lambda i: (i, 0)),
        ],
        out_shape=[
            jax.ShapeDtypeStruct((N, D), jnp.float32),
            jax.ShapeDtypeStruct((N, 2 * H), jnp.float32),
            jax.ShapeDtypeStruct((N, AW), jnp.float32),
            jax.ShapeDtypeStruct((N, AW), jnp.float32),
        ],
    )(x, W, A)


def _sc_body(xp_hbm, as_hbm, ad_hbm, src_hbm, dst_hbm, out_hbm,
             src_v0, dst_v0, gs_v0, gd_v0, rows_v0,
             src_v1, dst_v1, gs_v1, gd_v1, rows_v1,
             sbuf_v, acc_sh,
             sa1, sa2, sa3, sb1, sb2, sb3):
    cid = lax.axis_index("c")
    sid = lax.axis_index("s")
    wid = cid * NS + sid
    base_e = wid * EPW
    slots = ((src_v0, dst_v0, gs_v0, gd_v0, rows_v0, sa1, sa2, sa3),
             (src_v1, dst_v1, gs_v1, gd_v1, rows_v1, sb1, sb2, sb3))

    def _zrow(j, _):
        for cc in range(ROW // 16):
            sbuf_v[j, pl.ds(cc * 16, 16)] = jnp.zeros((16,), jnp.float32)
        return 0
    lax.fori_loop(0, K, _zrow, 0)

    def _zacc(i, _):
        pltpu.sync_copy(sbuf_v.at[pl.ds(0, 48)],
                        acc_sh.at[pl.ds(sid * RPT + i * 48, 48)])
        return 0
    lax.fori_loop(0, RPT // 48, _zacc, 0)

    @pl.when(sid == NS - 1)
    def _ztail():
        pltpu.sync_copy(sbuf_v.at[pl.ds(0, TAIL)],
                        acc_sh.at[pl.ds(NS * RPT, TAIL)])
    plsc.subcore_barrier()

    lane = lax.broadcasted_iota(jnp.int32, (16,), 0)
    headmask = jnp.where(lane < H, 1.0, 0.0).astype(jnp.float32)

    def _issue(i, slot):
        srcv, dstv, gsv, gdv, rowsv, s1, s2, s3 = slot
        eb = base_e + i * K
        pltpu.sync_copy(src_hbm.at[pl.ds(eb, K)], srcv)
        pltpu.sync_copy(dst_hbm.at[pl.ds(eb, K)], dstv)
        pltpu.async_copy(xp_hbm.at[srcv], rowsv, s1)
        pltpu.async_copy(as_hbm.at[srcv], gsv, s2)
        pltpu.async_copy(ad_hbm.at[dstv], gdv, s3)

    def _finish_compute(slot):
        srcv, dstv, gsv, gdv, rowsv, s1, s2, s3 = slot
        pltpu.make_async_copy(xp_hbm.at[srcv], rowsv, s1).wait()
        pltpu.make_async_copy(as_hbm.at[srcv], gsv, s2).wait()
        pltpu.make_async_copy(ad_hbm.at[dstv], gdv, s3).wait()

        @plsc.parallel_loop(0, K, 1, unroll=4)
        def _edge(j):
            al = gsv[j, pl.ds(0, AW)] + gdv[j, pl.ds(0, AW)]
            al = jnp.maximum(al, 0.2 * al)
            w = jnp.exp(al)
            sbuf_v[j, pl.ds(D, 16)] = w * headmask
            for c8 in range(D // 16):
                wsc = w[c8 // 2]
                v = rowsv[j, pl.ds(c8 * 16, 16)]
                sbuf_v[j, pl.ds(c8 * 16, 16)] = v * wsc

        pltpu.sync_copy(sbuf_v, acc_sh.at[dstv], add=True)

    _issue(0, slots[0])

    def _pair(p, _):
        i0 = 2 * p
        _issue(i0 + 1, slots[1])
        _finish_compute(slots[0])
        _issue(i0 + 2, slots[0])
        _finish_compute(slots[1])
        return 0
    lax.fori_loop(0, (NBLK - 1) // 2, _pair, 0)
    _finish_compute(slots[0])
    plsc.subcore_barrier()

    pltpu.sync_copy(acc_sh.at[pl.ds(sid * RPT, RPT)],
                    out_hbm.at[cid, pl.ds(sid * RPT, RPT)])

    @pl.when(sid == NS - 1)
    def _ftail():
        pltpu.sync_copy(acc_sh.at[pl.ds(NS * RPT, TAIL)],
                        out_hbm.at[cid, pl.ds(NS * RPT, TAIL)])


def _sc_scatter(xp, asrc_t, adst_t, src, dst):
    mesh = plsc.VectorSubcoreMesh(core_axis_name="c", subcore_axis_name="s")
    f = functools.partial(
        pl.kernel,
        out_type=jax.ShapeDtypeStruct((NC, N, ROW), jnp.float32),
        mesh=mesh,
        compiler_params=pltpu.CompilerParams(needs_layout_passes=False,
                                             use_tc_tiling_on_sc=False),
        scratch_types=[
            pltpu.VMEM((K,), jnp.int32),
            pltpu.VMEM((K,), jnp.int32),
            pltpu.VMEM((K, AW), jnp.float32),
            pltpu.VMEM((K, AW), jnp.float32),
            pltpu.VMEM((K, D), jnp.float32),
            pltpu.VMEM((K,), jnp.int32),
            pltpu.VMEM((K,), jnp.int32),
            pltpu.VMEM((K, AW), jnp.float32),
            pltpu.VMEM((K, AW), jnp.float32),
            pltpu.VMEM((K, D), jnp.float32),
            pltpu.VMEM((K, ROW), jnp.float32),
            pltpu.VMEM_SHARED((N, ROW), jnp.float32),
            pltpu.SemaphoreType.DMA,
            pltpu.SemaphoreType.DMA,
            pltpu.SemaphoreType.DMA,
            pltpu.SemaphoreType.DMA,
            pltpu.SemaphoreType.DMA,
            pltpu.SemaphoreType.DMA,
        ],
    )(_sc_body)
    return f(xp, asrc_t, adst_t, src, dst)


def _post_body(acc_ref, xp_ref, av_ref, bias_ref, lns_ref, lnb_ref, o_ref):
    xp = xp_ref[...]
    av = av_ref[...]
    accs = acc_ref[0] + acc_ref[1]
    pieces = []
    for h in range(H):
        a_self = av[:, h:h + 1] + av[:, H + h:H + h + 1]
        w_self = jnp.exp(jnp.maximum(a_self, 0.2 * a_self))
        den = accs[:, D + h:D + h + 1] + w_self
        numh = accs[:, C * h:C * h + C] + xp[:, C * h:C * h + C] * w_self
        pieces.append(numh / den)
    hv = jnp.concatenate(pieces, axis=1) + bias_ref[...]
    hv = jnp.sqrt(hv * hv + 1e-12)
    mu = jnp.mean(hv, axis=1, keepdims=True)
    var = jnp.mean((hv - mu) ** 2, axis=1, keepdims=True)
    hv = (hv - mu) * lax.rsqrt(var + 1e-5) * lns_ref[...] + lnb_ref[...]
    o_ref[...] = hv * 0.5 * (1.0 + lax.erf(hv / _SQRT2))


def _tc_post(acc, xp, av, bias, ln_scale, ln_bias):
    RB = 1000
    return pl.pallas_call(
        _post_body,
        grid=(N // RB,),
        in_specs=[
            pl.BlockSpec((NC, RB, ROW), lambda i: (0, i, 0)),
            pl.BlockSpec((RB, D), lambda i: (i, 0)),
            pl.BlockSpec((RB, 2 * H), lambda i: (i, 0)),
            pl.BlockSpec((1, D), lambda i: (0, 0)),
            pl.BlockSpec((1, D), lambda i: (0, 0)),
            pl.BlockSpec((1, D), lambda i: (0, 0)),
        ],
        out_specs=pl.BlockSpec((RB, D), lambda i: (i, 0)),
        out_shape=jax.ShapeDtypeStruct((N, D), jnp.float32),
    )(acc, xp, av, bias, ln_scale, ln_bias)


def kernel(x, edge_index, W, att_src, att_dst, bias, phase, ln_scale, ln_bias):
    del phase
    src = edge_index[0].astype(jnp.int32)
    dst = edge_index[1].astype(jnp.int32)
    eye = jnp.eye(H, dtype=jnp.float32)
    A_src = (att_src[:, :, None] * eye[:, None, :]).reshape(H * C, H)
    A_dst = (att_dst[:, :, None] * eye[:, None, :]).reshape(H * C, H)
    A = jnp.concatenate([A_src, A_dst], axis=1)

    xp, av, asrc_t, adst_t = _tc_pre(x, W, A)
    acc = _sc_scatter(xp, asrc_t, adst_t, src, dst)
    out = _tc_post(acc, xp, av, bias.reshape(1, D),
                   ln_scale.reshape(1, D), ln_bias.reshape(1, D))
    return out

# --- scband reference (transcript-rebuilt; emitter-appended) ---
"""Pipeline reference for scband-complex-gatlayer-70282844832247 (READ-ONLY COPY).

The authoritative reference and input builder live on the scoring server;
editing this copy changes nothing except your own understanding.
"""

import jax, jax.numpy as jnp
import numpy as np

N_NODES = 10000
IN_DIM = 128
OUT_DIM = 128
HEADS = 4
C = OUT_DIM // HEADS  # 32


def setup_inputs(seed: int = 0) -> dict:
    key = jax.random.key(seed)
    ks = jax.random.split(key, 10)
    x = jax.random.normal(ks[0], (N_NODES, IN_DIM), dtype=jnp.float32)
    edge_index = jax.random.randint(ks[1], (2, 320000), 0, N_NODES, dtype=jnp.int64)
    # GATConv params (concat=True -> lin: in_dim -> heads * C = out_dim)
    W = jax.random.normal(ks[2], (IN_DIM, HEADS * C), dtype=jnp.float32) * (1.0 / np.sqrt(IN_DIM))
    att_src = jax.random.normal(ks[3], (HEADS, C), dtype=jnp.float32) * 0.1
    att_dst = jax.random.normal(ks[4], (HEADS, C), dtype=jnp.float32) * 0.1
    bias = jnp.zeros((OUT_DIM,), dtype=jnp.float32)
    # ComplexGATLayer params
    phase = jax.random.normal(ks[5], (OUT_DIM,), dtype=jnp.float32) * 0.02
    ln_scale = jnp.ones((OUT_DIM,), dtype=jnp.float32)
    ln_bias = jnp.zeros((OUT_DIM,), dtype=jnp.float32)
    return {"x": x, "edge_index": edge_index, "W": W, "att_src": att_src,
            "att_dst": att_dst, "bias": bias, "phase": phase,
            "ln_scale": ln_scale, "ln_bias": ln_bias}


def reference(x, edge_index, W, att_src, att_dst, bias, phase, ln_scale, ln_bias):
    N = x.shape[0]
    # PyG GATConv default: add self-loops
    loop = jnp.arange(N, dtype=edge_index.dtype)
    src = jnp.concatenate([edge_index[0], loop])
    dst = jnp.concatenate([edge_index[1], loop])
    xp = (x @ W).reshape(N, HEADS, C)
    a_src = (xp * att_src[None]).sum(-1)  # [N, H]
    a_dst = (xp * att_dst[None]).sum(-1)  # [N, H]
    alpha = a_src[src] + a_dst[dst]       # [E, H]
    alpha = jax.nn.leaky_relu(alpha, negative_slope=0.2)
    amax = jax.ops.segment_max(alpha, dst, num_segments=N)  # every node has a self-loop
    alpha = jnp.exp(alpha - amax[dst])
    denom = jax.ops.segment_sum(alpha, dst, num_segments=N)
    alpha = alpha / (denom[dst] + 1e-16)
    msg = xp[src] * alpha[:, :, None]     # [E, H, C]
    out = jax.ops.segment_sum(msg, dst, num_segments=N)  # [N, H, C]
    h = out.reshape(N, HEADS * C) + bias
    # complex phase modulation (magnitude)
    h_real = h * jnp.cos(phase)
    h_imag = h * jnp.sin(phase)
    h = jnp.sqrt(h_real ** 2 + h_imag ** 2 + 1e-12)
    # LayerNorm
    mu = h.mean(-1, keepdims=True)
    var = h.var(-1, keepdims=True)
    h = (h - mu) / jnp.sqrt(var + 1e-5) * ln_scale + ln_bias
    # GELU (torch default = exact erf)
    h = jax.nn.gelu(h, approximate=False)
    # dropout p=0.0 -> identity
    return h

if __name__ == "__main__":
    import jax
    _d = setup_inputs()
    print(jax.jit(kernel)(*tuple(_d.values())))

</pallas_src>

<mosaic_0001>
#map = affine_map<(d0, d1) -> (0, 0)>
#map1 = affine_map<(d0, d1) -> (0)>
#map2 = affine_map<(d0, d1) -> (0, 0, 0)>
module attributes {stable_mosaic.version = 14 : i64} {
  func.func @_sc_body(%arg0: i32, %arg1: i32, %arg2: memref<10000x128xf32, #tpu.memory_space<hbm>>, %arg3: memref<10000x16xf32, #tpu.memory_space<hbm>>, %arg4: memref<10000x16xf32, #tpu.memory_space<hbm>>, %arg5: memref<320000xi32, #tpu.memory_space<hbm>>, %arg6: memref<320000xi32, #tpu.memory_space<hbm>>, %arg7: memref<2x10000x144xf32, #tpu.memory_space<hbm>>, %arg8: memref<80xi32, #tpu.memory_space<vmem>>, %arg9: memref<80xi32, #tpu.memory_space<vmem>>, %arg10: memref<80x16xf32, #tpu.memory_space<vmem>>, %arg11: memref<80x16xf32, #tpu.memory_space<vmem>>, %arg12: memref<80x128xf32, #tpu.memory_space<vmem>>, %arg13: memref<80xi32, #tpu.memory_space<vmem>>, %arg14: memref<80xi32, #tpu.memory_space<vmem>>, %arg15: memref<80x16xf32, #tpu.memory_space<vmem>>, %arg16: memref<80x16xf32, #tpu.memory_space<vmem>>, %arg17: memref<80x128xf32, #tpu.memory_space<vmem>>, %arg18: memref<80x144xf32, #tpu.memory_space<vmem>>, %arg19: memref<10000x144xf32, #tpu.memory_space<vmem_shared>>, %arg20: memref<!tpu.dma_semaphore, #tpu.memory_space<semaphore_mem>>, %arg21: memref<!tpu.dma_semaphore, #tpu.memory_space<semaphore_mem>>, %arg22: memref<!tpu.dma_semaphore, #tpu.memory_space<semaphore_mem>>, %arg23: memref<!tpu.dma_semaphore, #tpu.memory_space<semaphore_mem>>, %arg24: memref<!tpu.dma_semaphore, #tpu.memory_space<semaphore_mem>>, %arg25: memref<!tpu.dma_semaphore, #tpu.memory_space<semaphore_mem>>) attributes {dimension_semantics = [#tpu.dimension_semantics<core_parallel>, #tpu.dimension_semantics<subcore_parallel>], iteration_bounds = array<i64: 2, 16>, scalar_prefetch = 0 : i64, scratch_operands = 18 : i64, tpu.core_type = #tpu.core_type<sc_vector_subcore>, window_params = [{transform_indices = #map}, {transform_indices = #map}, {transform_indices = #map}, {transform_indices = #map1}, {transform_indices = #map1}, {transform_indices = #map2}]} {
    %mul3A = arith.constant 16 : i32
    %mul3A_0 = arith.muli %arg0, %mul3A : i32
    %add3A = arith.addi %mul3A_0, %arg1 : i32
    %mul3A_1 = arith.constant 10000 : i32
    %mul3A_2 = arith.muli %add3A, %mul3A_1 : i32
    %scan3A = arith.constant 0 : i32
    %scan3A_3 = arith.constant 0 : i32
    %scan3A_4 = arith.constant 80 : i32
    %scan3A_5 = arith.addi %scan3A_3, %scan3A_4 : i32
    %scan3A_6 = arith.constant 1 : i32
    %scan3A_7 = scf.for %scan3A_59 = %scan3A_3 to %scan3A_5 step %scan3A_6 iter_args(%scan3A_60 = %scan3A) -> (i32)  : i32 {
      %broadcast_in_dim3A_61 = arith.constant 0.000000e+00 : f32
      %broadcast_in_dim3A_62 = vector.broadcast %broadcast_in_dim3A_61 : f32 to vector<16xf32>
      %swap3A = arith.index_cast %scan3A_59 : i32 to index
      %swap3A_63 = arith.constant 0 : index
      %swap3A_64 = tpu.vector_load %arg18[%swap3A, %swap3A_63] {strides = array<i32>} : memref<80x144xf32, #tpu.memory_space<vmem>>, vector<16xf32>,
      tpu.vector_store %arg18[%swap3A, %swap3A_63], %broadcast_in_dim3A_62 {strides = array<i32>} : memref<80x144xf32, #tpu.memory_space<vmem>>, vector<16xf32>,
      %broadcast_in_dim3A_65 = arith.constant 0.000000e+00 : f32
      %broadcast_in_dim3A_66 = vector.broadcast %broadcast_in_dim3A_65 : f32 to vector<16xf32>
      %swap3A_67 = arith.index_cast %scan3A_59 : i32 to index
      %swap3A_68 = arith.constant 16 : index
      %swap3A_69 = tpu.vector_load %arg18[%swap3A_67, %swap3A_68] {strides = array<i32>} : memref<80x144xf32, #tpu.memory_space<vmem>>, vector<16xf32>,
      tpu.vector_store %arg18[%swap3A_67, %swap3A_68], %broadcast_in_dim3A_66 {strides = array<i32>} : memref<80x144xf32, #tpu.memory_space<vmem>>, vector<16xf32>,
      %broadcast_in_dim3A_70 = arith.constant 0.000000e+00 : f32
      %broadcast_in_dim3A_71 = vector.broadcast %broadcast_in_dim3A_70 : f32 to vector<16xf32>
      %swap3A_72 = arith.index_cast %scan3A_59 : i32 to index
      %swap3A_73 = arith.constant 32 : index
      %swap3A_74 = tpu.vector_load %arg18[%swap3A_72, %swap3A_73] {strides = array<i32>} : memref<80x144xf32, #tpu.memory_space<vmem>>, vector<16xf32>,
      tpu.vector_store %arg18[%swap3A_72, %swap3A_73], %broadcast_in_dim3A_71 {strides = array<i32>} : memref<80x144xf32, #tpu.memory_space<vmem>>, vector<16xf32>,
      %broadcast_in_dim3A_75 = arith.constant 0.000000e+00 : f32
      %broadcast_in_dim3A_76 = vector.broadcast %broadcast_in_dim3A_75 : f32 to vector<16xf32>
      %swap3A_77 = arith.index_cast %scan3A_59 : i32 to index
      %swap3A_78 = arith.constant 48 : index
      %swap3A_79 = tpu.vector_load %arg18[%swap3A_77, %swap3A_78] {strides = array<i32>} : memref<80x144xf32, #tpu.memory_space<vmem>>, vector<16xf32>,
      tpu.vector_store %arg18[%swap3A_77, %swap3A_78], %broadcast_in_dim3A_76 {strides = array<i32>} : memref<80x144xf32, #tpu.memory_space<vmem>>, vector<16xf32>,
      %broadcast_in_dim3A_80 = arith.constant 0.000000e+00 : f32
      %broadcast_in_dim3A_81 = vector.broadcast %broadcast_in_dim3A_80 : f32 to vector<16xf32>
      %swap3A_82 = arith.index_cast %scan3A_59 : i32 to index
      %swap3A_83 = arith.constant 64 : index
      %swap3A_84 = tpu.vector_load %arg18[%swap3A_82, %swap3A_83] {strides = array<i32>} : memref<80x144xf32, #tpu.memory_space<vmem>>, vector<16xf32>,
      tpu.vector_store %arg18[%swap3A_82, %swap3A_83], %broadcast_in_dim3A_81 {strides = array<i32>} : memref<80x144xf32, #tpu.memory_space<vmem>>, vector<16xf32>,
      %broadcast_in_dim3A_85 = arith.constant 0.000000e+00 : f32
      %broadcast_in_dim3A_86 = vector.broadcast %broadcast_in_dim3A_85 : f32 to vector<16xf32>
      %swap3A_87 = arith.index_cast %scan3A_59 : i32 to index
      %swap3A_88 = arith.constant 80 : index
      %swap3A_89 = tpu.vector_load %arg18[%swap3A_87, %swap3A_88] {strides = array<i32>} : memref<80x144xf32, #tpu.memory_space<vmem>>, vector<16xf32>,
      tpu.vector_store %arg18[%swap3A_87, %swap3A_88], %broadcast_in_dim3A_86 {strides = array<i32>} : memref<80x144xf32, #tpu.memory_space<vmem>>, vector<16xf32>,
      %broadcast_in_dim3A_90 = arith.constant 0.000000e+00 : f32
      %broadcast_in_dim3A_91 = vector.broadcast %broadcast_in_dim3A_90 : f32 to vector<16xf32>
      %swap3A_92 = arith.index_cast %scan3A_59 : i32 to index
      %swap3A_93 = arith.constant 96 : index
      %swap3A_94 = tpu.vector_load %arg18[%swap3A_92, %swap3A_93] {strides = array<i32>} : memref<80x144xf32, #tpu.memory_space<vmem>>, vector<16xf32>,
      tpu.vector_store %arg18[%swap3A_92, %swap3A_93], %broadcast_in_dim3A_91 {strides = array<i32>} : memref<80x144xf32, #tpu.memory_space<vmem>>, vector<16xf32>,
      %broadcast_in_dim3A_95 = arith.constant 0.000000e+00 : f32
      %broadcast_in_dim3A_96 = vector.broadcast %broadcast_in_dim3A_95 : f32 to vector<16xf32>
      %swap3A_97 = arith.index_cast %scan3A_59 : i32 to index
      %swap3A_98 = arith.constant 112 : index
      %swap3A_99 = tpu.vector_load %arg18[%swap3A_97, %swap3A_98] {strides = array<i32>} : memref<80x144xf32, #tpu.memory_space<vmem>>, vector<16xf32>,
      tpu.vector_store %arg18[%swap3A_97, %swap3A_98], %broadcast_in_dim3A_96 {strides = array<i32>} : memref<80x144xf32, #tpu.memory_space<vmem>>, vector<16xf32>,
      %broadcast_in_dim3A_100 = arith.constant 0.000000e+00 : f32
      %broadcast_in_dim3A_101 = vector.broadcast %broadcast_in_dim3A_100 : f32 to vector<16xf32>
      %swap3A_102 = arith.index_cast %scan3A_59 : i32 to index
      %swap3A_103 = arith.constant 128 : index
      %swap3A_104 = tpu.vector_load %arg18[%swap3A_102, %swap3A_103] {strides = array<i32>} : memref<80x144xf32, #tpu.memory_space<vmem>>, vector<16xf32>,
      tpu.vector_store %arg18[%swap3A_102, %swap3A_103], %broadcast_in_dim3A_101 {strides = array<i32>} : memref<80x144xf32, #tpu.memory_space<vmem>>, vector<16xf32>,
      %scan3A_105 = arith.constant 0 : i32
      scf.yield %scan3A_105 : i32
    }
    %scan3A_8 = arith.constant 80 : i32
    %scan3A_9 = arith.constant 0 : i32
    %scan3A_10 = arith.constant 0 : i32
    %scan3A_11 = arith.constant 13 : i32
    %scan3A_12 = arith.addi %scan3A_10, %scan3A_11 : i32
    %scan3A_13 = arith.constant 1 : i32
    %scan3A_14 = scf.for %scan3A_59 = %scan3A_10 to %scan3A_12 step %scan3A_13 iter_args(%scan3A_60 = %scan3A_9) -> (i32)  : i32 {
      %mul3A_61 = arith.constant 624 : i32
      %mul3A_62 = arith.muli %arg1, %mul3A_61 : i32
      %mul3A_63 = arith.constant 48 : i32
      %mul3A_64 = arith.muli %scan3A_59, %mul3A_63 : i32
      %add3A_65 = arith.addi %mul3A_62, %mul3A_64 : i32
      "tpu.region"() ({
        %run_scoped3A = tpu.sem_alloc : memref<!tpu.dma_semaphore, #tpu.memory_space<semaphore_mem>>
        %dma_start3A_67 = arith.constant 0 : i32
        %dma_start3A_68 = arith.constant 0 : i32
        %dma_start3A_69 = tpu.memref_slice %arg18[%dma_start3A_67, %dma_start3A_68] : memref<80x144xf32, #tpu.memory_space<vmem>> -> memref<48x144xf32, #tpu.memory_space<vmem>>
        %dma_start3A_70 = arith.constant 0 : i32
        %dma_start3A_71 = tpu.memref_slice %arg19[%add3A_65, %dma_start3A_70] : memref<10000x144xf32, #tpu.memory_space<vmem_shared>> -> memref<48x144xf32, #tpu.memory_space<vmem_shared>>
        %dma_start3A_72 = arith.constant 0 : i32
        %dma_start3A_73 = tpu.memref_slice %arg19[%add3A_65, %dma_start3A_72] : memref<10000x144xf32, #tpu.memory_space<vmem_shared>> -> memref<48x144xf32, #tpu.memory_space<vmem_shared>>
        %dma_start3A_74 = arith.constant 0 : i32
        %dma_start3A_75 = arith.constant 0 : i32
        %dma_start3A_76 = tpu.memref_slice %arg18[%dma_start3A_74, %dma_start3A_75] : memref<80x144xf32, #tpu.memory_space<vmem>> -> memref<48x144xf32, #tpu.memory_space<vmem>>
        tpu.enqueue_dma source(%dma_start3A_76 : memref<48x144xf32, #tpu.memory_space<vmem>>) target(%dma_start3A_73 : memref<48x144xf32, #tpu.memory_space<vmem_shared>>) target_semaphore(%run_scoped3A : memref<!tpu.dma_semaphore, #tpu.memory_space<semaphore_mem>>)
        %dma_wait3A_77 = arith.constant 0 : i32
        %dma_wait3A_78 = arith.constant 0 : i32
        %dma_wait3A_79 = tpu.memref_slice %arg18[%dma_wait3A_77, %dma_wait3A_78] : memref<80x144xf32, #tpu.memory_space<vmem>> -> memref<48x144xf32, #tpu.memory_space<vmem>>
        %dma_wait3A_80 = arith.constant 0 : i32
        %dma_wait3A_81 = tpu.memref_slice %arg19[%add3A_65, %dma_wait3A_80] : memref<10000x144xf32, #tpu.memory_space<vmem_shared>> -> memref<48x144xf32, #tpu.memory_space<vmem_shared>>
        %dma_wait3A_82 = arith.constant 0 : i32
        %dma_wait3A_83 = tpu.memref_slice %arg19[%add3A_65, %dma_wait3A_82] : memref<10000x144xf32, #tpu.memory_space<vmem_shared>> -> memref<48x144xf32, #tpu.memory_space<vmem_shared>>
        %dma_wait3A_84 = arith.constant 0 : i32
        %dma_wait3A_85 = arith.constant 0 : i32
        %dma_wait3A_86 = tpu.memref_slice %arg18[%dma_wait3A_84, %dma_wait3A_85] : memref<80x144xf32, #tpu.memory_space<vmem>> -> memref<48x144xf32, #tpu.memory_space<vmem>>
        tpu.wait_dma2 semaphore(%run_scoped3A : memref<!tpu.dma_semaphore, #tpu.memory_space<semaphore_mem>>) src(%dma_wait3A_86 : memref<48x144xf32, #tpu.memory_space<vmem>>) dst(%dma_wait3A_83 : memref<48x144xf32, #tpu.memory_space<vmem_shared>>)
        tpu.yield
      }) : () -> ()
      %scan3A_66 = arith.constant 0 : i32
      scf.yield %scan3A_66 : i32
    }
    %scan3A_15 = arith.constant 13 : i32
    %eq3A = arith.constant 15 : i32
    %eq3A_16 = arith.cmpi eq, %arg1, %eq3A : i32
    %convert_element_type3A = arith.extui %eq3A_16 : i1 to i32
    %cond3A = arith.constant 0 : i32
    %cond3A_17 = arith.cmpi ne, %convert_element_type3A, %cond3A : i32
    scf.if %cond3A_17 {
      "tpu.region"() ({
        %run_scoped3A = tpu.sem_alloc : memref<!tpu.dma_semaphore, #tpu.memory_space<semaphore_mem>>
        %dma_start3A_59 = arith.constant 0 : i32
        %dma_start3A_60 = arith.constant 0 : i32
        %dma_start3A_61 = tpu.memref_slice %arg18[%dma_start3A_59, %dma_start3A_60] : memref<80x144xf32, #tpu.memory_space<vmem>> -> memref<16x144xf32, #tpu.memory_space<vmem>>
        %dma_start3A_62 = arith.constant 9984 : i32
        %dma_start3A_63 = arith.constant 0 : i32
        %dma_start3A_64 = tpu.memref_slice %arg19[%dma_start3A_62, %dma_start3A_63] : memref<10000x144xf32, #tpu.memory_space<vmem_shared>> -> memref<16x144xf32, #tpu.memory_space<vmem_shared>>
        %dma_start3A_65 = arith.constant 9984 : i32
        %dma_start3A_66 = arith.constant 0 : i32
        %dma_start3A_67 = tpu.memref_slice %arg19[%dma_start3A_65, %dma_start3A_66] : memref<10000x144xf32, #tpu.memory_space<vmem_shared>> -> memref<16x144xf32, #tpu.memory_space<vmem_shared>>
        %dma_start3A_68 = arith.constant 0 : i32
        %dma_start3A_69 = arith.constant 0 : i32
        %dma_start3A_70 = tpu.memref_slice %arg18[%dma_start3A_68, %dma_start3A_69] : memref<80x144xf32, #tpu.memory_space<vmem>> -> memref<16x144xf32, #tpu.memory_space<vmem>>
        tpu.enqueue_dma source(%dma_start3A_70 : memref<16x144xf32, #tpu.memory_space<vmem>>) target(%dma_start3A_67 : memref<16x144xf32, #tpu.memory_space<vmem_shared>>) target_semaphore(%run_scoped3A : memref<!tpu.dma_semaphore, #tpu.memory_space<semaphore_mem>>)
        %dma_wait3A_71 = arith.constant 0 : i32
        %dma_wait3A_72 = arith.constant 0 : i32
        %dma_wait3A_73 = tpu.memref_slice %arg18[%dma_wait3A_71, %dma_wait3A_72] : memref<80x144xf32, #tpu.memory_space<vmem>> -> memref<16x144xf32, #tpu.memory_space<vmem>>
        %dma_wait3A_74 = arith.constant 9984 : i32
        %dma_wait3A_75 = arith.constant 0 : i32
        %dma_wait3A_76 = tpu.memref_slice %arg19[%dma_wait3A_74, %dma_wait3A_75] : memref<10000x144xf32, #tpu.memory_space<vmem_shared>> -> memref<16x144xf32, #tpu.memory_space<vmem_shared>>
        %dma_wait3A_77 = arith.constant 9984 : i32
        %dma_wait3A_78 = arith.constant 0 : i32
        %dma_wait3A_79 = tpu.memref_slice %arg19[%dma_wait3A_77, %dma_wait3A_78] : memref<10000x144xf32, #tpu.memory_space<vmem_shared>> -> memref<16x144xf32, #tpu.memory_space<vmem_shared>>
        %dma_wait3A_80 = arith.constant 0 : i32
        %dma_wait3A_81 = arith.constant 0 : i32
        %dma_wait3A_82 = tpu.memref_slice %arg18[%dma_wait3A_80, %dma_wait3A_81] : memref<80x144xf32, #tpu.memory_space<vmem>> -> memref<16x144xf32, #tpu.memory_space<vmem>>
        tpu.wait_dma2 semaphore(%run_scoped3A : memref<!tpu.dma_semaphore, #tpu.memory_space<semaphore_mem>>) src(%dma_wait3A_82 : memref<16x144xf32, #tpu.memory_space<vmem>>) dst(%dma_wait3A_79 : memref<16x144xf32, #tpu.memory_space<vmem_shared>>)
        tpu.yield
      }) : () -> ()
    } else {
    }
    %barrier3A = arith.constant 0 : index
    tpu.barrier barrier_id(%barrier3A)
    %iota3A = tpu.iota {dimensions = array<i32: 0>} : vector<16xi32>
    %lt3A = arith.constant 4 : i32
    %lt3A_18 = vector.broadcast %lt3A : i32 to vector<16xi32>
    %lt3A_19 = arith.cmpi slt, %iota3A, %lt3A_18 : vector<16xi32>
    %jit3A = arith.constant 1.000000e+00 : f32
    %jit3A_20 = arith.constant 0.000000e+00 : f32
    %broadcast_in_dim3A = vector.broadcast %jit3A : f32 to vector<16xf32>
    %broadcast_in_dim3A_21 = vector.broadcast %jit3A_20 : f32 to vector<16xf32>
    %select_n3A = arith.select %lt3A_19, %broadcast_in_dim3A, %broadcast_in_dim3A_21 : vector<16xi1>, vector<16xf32>
    %add3A_22 = arith.constant 0 : i32
    %add3A_23 = arith.addi %mul3A_2, %add3A_22 : i32
    "tpu.region"() ({
      %run_scoped3A = tpu.sem_alloc : memref<!tpu.dma_semaphore, #tpu.memory_space<semaphore_mem>>
      %dma_start3A_59 = tpu.memref_slice %arg5[%add3A_23] : memref<320000xi32, #tpu.memory_space<hbm>> -> memref<80xi32, #tpu.memory_space<hbm>>
      %dma_start3A_60 = tpu.memref_slice %arg5[%add3A_23] : memref<320000xi32, #tpu.memory_space<hbm>> -> memref<80xi32, #tpu.memory_space<hbm>>
      tpu.enqueue_dma source(%dma_start3A_60 : memref<80xi32, #tpu.memory_space<hbm>>) target(%arg8 : memref<80xi32, #tpu.memory_space<vmem>>) target_semaphore(%run_scoped3A : memref<!tpu.dma_semaphore, #tpu.memory_space<semaphore_mem>>)
      %dma_wait3A_61 = tpu.memref_slice %arg5[%add3A_23] : memref<320000xi32, #tpu.memory_space<hbm>> -> memref<80xi32, #tpu.memory_space<hbm>>
      %dma_wait3A_62 = tpu.memref_slice %arg5[%add3A_23] : memref<320000xi32, #tpu.memory_space<hbm>> -> memref<80xi32, #tpu.memory_space<hbm>>
      tpu.wait_dma2 semaphore(%run_scoped3A : memref<!tpu.dma_semaphore, #tpu.memory_space<semaphore_mem>>) src(%dma_wait3A_62 : memref<80xi32, #tpu.memory_space<hbm>>) dst(%arg8 : memref<80xi32, #tpu.memory_space<vmem>>)
      tpu.yield
    }) : () -> ()
    "tpu.region"() ({
      %run_scoped3A = tpu.sem_alloc : memref<!tpu.dma_semaphore, #tpu.memory_space<semaphore_mem>>
      %dma_start3A_59 = tpu.memref_slice %arg6[%add3A_23] : memref<320000xi32, #tpu.memory_space<hbm>> -> memref<80xi32, #tpu.memory_space<hbm>>
      %dma_start3A_60 = tpu.memref_slice %arg6[%add3A_23] : memref<320000xi32, #tpu.memory_space<hbm>> -> memref<80xi32, #tpu.memory_space<hbm>>
      tpu.enqueue_dma source(%dma_start3A_60 : memref<80xi32, #tpu.memory_space<hbm>>) target(%arg9 : memref<80xi32, #tpu.memory_space<vmem>>) target_semaphore(%run_scoped3A : memref<!tpu.dma_semaphore, #tpu.memory_space<semaphore_mem>>)
      %dma_wait3A_61 = tpu.memref_slice %arg6[%add3A_23] : memref<320000xi32, #tpu.memory_space<hbm>> -> memref<80xi32, #tpu.memory_space<hbm>>
      %dma_wait3A_62 = tpu.memref_slice %arg6[%add3A_23] : memref<320000xi32, #tpu.memory_space<hbm>> -> memref<80xi32, #tpu.memory_space<hbm>>
      tpu.wait_dma2 semaphore(%run_scoped3A : memref<!tpu.dma_semaphore, #tpu.memory_space<semaphore_mem>>) src(%dma_wait3A_62 : memref<80xi32, #tpu.memory_space<hbm>>) dst(%arg9 : memref<80xi32, #tpu.memory_space<vmem>>)
      tpu.yield
    }) : () -> ()
    %dma_start3A = arith.constant 0 : i32
    %dma_start3A_24 = arith.constant 0 : i32
    %dma_start3A_25 = tpu.memref_slice %arg2[%dma_start3A, %dma_start3A_24] : memref<10000x128xf32, #tpu.memory_space<hbm>> -> memref<10000x128xf32, #tpu.memory_space<hbm>>
    tpu.enqueue_indirect_dma source(%dma_start3A_25 : memref<10000x128xf32, #tpu.memory_space<hbm>>) target(%arg12 : memref<80x128xf32, #tpu.memory_space<vmem>>) offsets(%arg8 : memref<80xi32, #tpu.memory_space<vmem>>) semaphore(%arg20 : memref<!tpu.dma_semaphore, #tpu.memory_space<semaphore_mem>>)
    %dma_start3A_26 = arith.constant 0 : i32
    %dma_start3A_27 = arith.constant 0 : i32
    %dma_start3A_28 = tpu.memref_slice %arg3[%dma_start3A_26, %dma_start3A_27] : memref<10000x16xf32, #tpu.memory_space<hbm>> -> memref<10000x16xf32, #tpu.memory_space<hbm>>
    tpu.enqueue_indirect_dma source(%dma_start3A_28 : memref<10000x16xf32, #tpu.memory_space<hbm>>) target(%arg10 : memref<80x16xf32, #tpu.memory_space<vmem>>) offsets(%arg8 : memref<80xi32, #tpu.memory_space<vmem>>) semaphore(%arg21 : memref<!tpu.dma_semaphore, #tpu.memory_space<semaphore_mem>>)
    %dma_start3A_29 = arith.constant 0 : i32
    %dma_start3A_30 = arith.constant 0 : i32
    %dma_start3A_31 = tpu.memref_slice %arg4[%dma_start3A_29, %dma_start3A_30] : memref<10000x16xf32, #tpu.memory_space<hbm>> -> memref<10000x16xf32, #tpu.memory_space<hbm>>
    tpu.enqueue_indirect_dma source(%dma_start3A_31 : memref<10000x16xf32, #tpu.memory_space<hbm>>) target(%arg11 : memref<80x16xf32, #tpu.memory_space<vmem>>) offsets(%arg9 : memref<80xi32, #tpu.memory_space<vmem>>) semaphore(%arg22 : memref<!tpu.dma_semaphore, #tpu.memory_space<semaphore_mem>>)
    %scan3A_32 = arith.constant 0 : i32
    %scan3A_33 = arith.constant 0 : i32
    %scan3A_34 = arith.constant 62 : i32
    %scan3A_35 = arith.addi %scan3A_33, %scan3A_34 : i32
    %scan3A_36 = arith.constant 1 : i32
    %scan3A_37 = scf.for %scan3A_59 = %scan3A_33 to %scan3A_35 step %scan3A_36 iter_args(%scan3A_60 = %scan3A_32) -> (i32)  : i32 {
      %mul3A_61 = arith.constant 2 : i32
      %mul3A_62 = arith.muli %mul3A_61, %scan3A_59 : i32
      %add3A_63 = arith.constant 1 : i32
      %add3A_64 = arith.addi %mul3A_62, %add3A_63 : i32
      %mul3A_65 = arith.constant 80 : i32
      %mul3A_66 = arith.muli %add3A_64, %mul3A_65 : i32
      %add3A_67 = arith.addi %mul3A_2, %mul3A_66 : i32
      "tpu.region"() ({
        %run_scoped3A = tpu.sem_alloc : memref<!tpu.dma_semaphore, #tpu.memory_space<semaphore_mem>>
        %dma_start3A_116 = tpu.memref_slice %arg5[%add3A_67] : memref<320000xi32, #tpu.memory_space<hbm>> -> memref<80xi32, #tpu.memory_space<hbm>>
        %dma_start3A_117 = tpu.memref_slice %arg5[%add3A_67] : memref<320000xi32, #tpu.memory_space<hbm>> -> memref<80xi32, #tpu.memory_space<hbm>>
        tpu.enqueue_dma source(%dma_start3A_117 : memref<80xi32, #tpu.memory_space<hbm>>) target(%arg13 : memref<80xi32, #tpu.memory_space<vmem>>) target_semaphore(%run_scoped3A : memref<!tpu.dma_semaphore, #tpu.memory_space<semaphore_mem>>)
        %dma_wait3A_118 = tpu.memref_slice %arg5[%add3A_67] : memref<320000xi32, #tpu.memory_space<hbm>> -> memref<80xi32, #tpu.memory_space<hbm>>
        %dma_wait3A_119 = tpu.memref_slice %arg5[%add3A_67] : memref<320000xi32, #tpu.memory_space<hbm>> -> memref<80xi32, #tpu.memory_space<hbm>>
        tpu.wait_dma2 semaphore(%run_scoped3A : memref<!tpu.dma_semaphore, #tpu.memory_space<semaphore_mem>>) src(%dma_wait3A_119 : memref<80xi32, #tpu.memory_space<hbm>>) dst(%arg13 : memref<80xi32, #tpu.memory_space<vmem>>)
        tpu.yield
      }) : () -> ()
      "tpu.region"() ({
        %run_scoped3A = tpu.sem_alloc : memref<!tpu.dma_semaphore, #tpu.memory_space<semaphore_mem>>
        %dma_start3A_116 = tpu.memref_slice %arg6[%add3A_67] : memref<320000xi32, #tpu.memory_space<hbm>> -> memref<80xi32, #tpu.memory_space<hbm>>
        %dma_start3A_117 = tpu.memref_slice %arg6[%add3A_67] : memref<320000xi32, #tpu.memory_space<hbm>> -> memref<80xi32, #tpu.memory_space<hbm>>
        tpu.enqueue_dma source(%dma_start3A_117 : memref<80xi32, #tpu.memory_space<hbm>>) target(%arg14 : memref<80xi32, #tpu.memory_space<vmem>>) target_semaphore(%run_scoped3A : memref<!tpu.dma_semaphore, #tpu.memory_space<semaphore_mem>>)
        %dma_wait3A_118 = tpu.memref_slice %arg6[%add3A_67] : memref<320000xi32, #tpu.memory_space<hbm>> -> memref<80xi32, #tpu.memory_space<hbm>>
        %dma_wait3A_119 = tpu.memref_slice %arg6[%add3A_67] : memref<320000xi32, #tpu.memory_space<hbm>> -> memref<80xi32, #tpu.memory_space<hbm>>
        tpu.wait_dma2 semaphore(%run_scoped3A : memref<!tpu.dma_semaphore, #tpu.memory_space<semaphore_mem>>) src(%dma_wait3A_119 : memref<80xi32, #tpu.memory_space<hbm>>) dst(%arg14 : memref<80xi32, #tpu.memory_space<vmem>>)
        tpu.yield
      }) : () -> ()
      %dma_start3A_68 = arith.constant 0 : i32
      %dma_start3A_69 = arith.constant 0 : i32
      %dma_start3A_70 = tpu.memref_slice %arg2[%dma_start3A_68, %dma_start3A_69] : memref<10000x128xf32, #tpu.memory_space<hbm>> -> memref<10000x128xf32, #tpu.memory_space<hbm>>
      tpu.enqueue_indirect_dma source(%dma_start3A_70 : memref<10000x128xf32, #tpu.memory_space<hbm>>) target(%arg17 : memref<80x128xf32, #tpu.memory_space<vmem>>) offsets(%arg13 : memref<80xi32, #tpu.memory_space<vmem>>) semaphore(%arg23 : memref<!tpu.dma_semaphore, #tpu.memory_space<semaphore_mem>>)
      %dma_start3A_71 = arith.constant 0 : i32
      %dma_start3A_72 = arith.constant 0 : i32
      %dma_start3A_73 = tpu.memref_slice %arg3[%dma_start3A_71, %dma_start3A_72] : memref<10000x16xf32, #tpu.memory_space<hbm>> -> memref<10000x16xf32, #tpu.memory_space<hbm>>
      tpu.enqueue_indirect_dma source(%dma_start3A_73 : memref<10000x16xf32, #tpu.memory_space<hbm>>) target(%arg15 : memref<80x16xf32, #tpu.memory_space<vmem>>) offsets(%arg13 : memref<80xi32, #tpu.memory_space<vmem>>) semaphore(%arg24 : memref<!tpu.dma_semaphore, #tpu.memory_space<semaphore_mem>>)
      %dma_start3A_74 = arith.constant 0 : i32
      %dma_start3A_75 = arith.constant 0 : i32
      %dma_start3A_76 = tpu.memref_slice %arg4[%dma_start3A_74, %dma_start3A_75] : memref<10000x16xf32, #tpu.memory_space<hbm>> -> memref<10000x16xf32, #tpu.memory_space<hbm>>
      tpu.enqueue_indirect_dma source(%dma_start3A_76 : memref<10000x16xf32, #tpu.memory_space<hbm>>) target(%arg16 : memref<80x16xf32, #tpu.memory_space<vmem>>) offsets(%arg14 : memref<80xi32, #tpu.memory_space<vmem>>) semaphore(%arg25 : memref<!tpu.dma_semaphore, #tpu.memory_space<semaphore_mem>>)
      %dma_wait3A_77 = arith.constant 0 : i32
      %dma_wait3A_78 = arith.constant 0 : i32
      %dma_wait3A_79 = tpu.memref_slice %arg2[%dma_wait3A_77, %dma_wait3A_78] : memref<10000x128xf32, #tpu.memory_space<hbm>> -> memref<10000x128xf32, #tpu.memory_space<hbm>>
      tpu.wait_indirect_dma semaphore(%arg20 : memref<!tpu.dma_semaphore, #tpu.memory_space<semaphore_mem>>) src(%dma_wait3A_79 : memref<10000x128xf32, #tpu.memory_space<hbm>>) dst(%arg12 : memref<80x128xf32, #tpu.memory_space<vmem>>)
      %dma_wait3A_80 = arith.constant 0 : i32
      %dma_wait3A_81 = arith.constant 0 : i32
      %dma_wait3A_82 = tpu.memref_slice %arg3[%dma_wait3A_80, %dma_wait3A_81] : memref<10000x16xf32, #tpu.memory_space<hbm>> -> memref<10000x16xf32, #tpu.memory_space<hbm>>
      tpu.wait_indirect_dma semaphore(%arg21 : memref<!tpu.dma_semaphore, #tpu.memory_space<semaphore_mem>>) src(%dma_wait3A_82 : memref<10000x16xf32, #tpu.memory_space<hbm>>) dst(%arg10 : memref<80x16xf32, #tpu.memory_space<vmem>>)
      %dma_wait3A_83 = arith.constant 0 : i32
      %dma_wait3A_84 = arith.constant 0 : i32
      %dma_wait3A_85 = tpu.memref_slice %arg4[%dma_wait3A_83, %dma_wait3A_84] : memref<10000x16xf32, #tpu.memory_space<hbm>> -> memref<10000x16xf32, #tpu.memory_space<hbm>>
      tpu.wait_indirect_dma semaphore(%arg22 : memref<!tpu.dma_semaphore, #tpu.memory_space<semaphore_mem>>) src(%dma_wait3A_85 : memref<10000x16xf32, #tpu.memory_space<hbm>>) dst(%arg11 : memref<80x16xf32, #tpu.memory_space<vmem>>)
      %parallel_loop3A_86 = arith.constant 0 : i32
      %parallel_loop3A_87 = arith.constant 80 : i32
      %parallel_loop3A_88 = arith.constant 1 : i32
      scf.for %parallel_loop3A_116 = %parallel_loop3A_86 to %parallel_loop3A_87 step %parallel_loop3A_88  : i32 {
        %parallel_loop3A_117 = arith.index_cast %parallel_loop3A_116 : i32 to index
        %parallel_loop3A_118 = arith.constant 0 : index
        %parallel_loop3A_119 = tpu.vector_load %arg10[%parallel_loop3A_117, %parallel_loop3A_118] {strides = array<i32>} : memref<80x16xf32, #tpu.memory_space<vmem>>, vector<16xf32>,
        %parallel_loop3A_120 = arith.index_cast %parallel_loop3A_116 : i32 to index
        %parallel_loop3A_121 = arith.constant 0 : index
        %parallel_loop3A_122 = tpu.vector_load %arg11[%parallel_loop3A_120, %parallel_loop3A_121] {strides = array<i32>} : memref<80x16xf32, #tpu.memory_space<vmem>>, vector<16xf32>,
        %parallel_loop3A_123 = arith.addf %parallel_loop3A_119, %parallel_loop3A_122 : vector<16xf32>
        %parallel_loop3A_124 = arith.constant 2.000000e-01 : f32
        %parallel_loop3A_125 = vector.broadcast %parallel_loop3A_124 : f32 to vector<16xf32>
        %parallel_loop3A_126 = arith.mulf %parallel_loop3A_125, %parallel_loop3A_123 : vector<16xf32>
        %parallel_loop3A_127 = arith.maximumf %parallel_loop3A_123, %parallel_loop3A_126 : vector<16xf32>
        %parallel_loop3A_128 = math.exp %parallel_loop3A_127 : vector<16xf32>
        %parallel_loop3A_129 = arith.mulf %parallel_loop3A_128, %select_n3A : vector<16xf32>
        %parallel_loop3A_130 = arith.index_cast %parallel_loop3A_116 : i32 to index
        %parallel_loop3A_131 = arith.constant 128 : index
        %parallel_loop3A_132 = tpu.vector_load %arg18[%parallel_loop3A_130, %parallel_loop3A_131] {strides = array<i32>} : memref<80x144xf32, #tpu.memory_space<vmem>>, vector<16xf32>,
        tpu.vector_store %arg18[%parallel_loop3A_130, %parallel_loop3A_131], %parallel_loop3A_129 {strides = array<i32>} : memref<80x144xf32, #tpu.memory_space<vmem>>, vector<16xf32>,
        %parallel_loop3A_133 = vector.extract_strided_slice %parallel_loop3A_128 {offsets = [0], sizes = [1], strides = [1]} : vector<16xf32> to vector<1xf32>
        %parallel_loop3A_134 = vector.extract %parallel_loop3A_133[0] : f32 from vector<1xf32>
        %parallel_loop3A_135 = arith.index_cast %parallel_loop3A_116 : i32 to index
        %parallel_loop3A_136 = arith.constant 0 : index
        %parallel_loop3A_137 = tpu.vector_load %arg12[%parallel_loop3A_135, %parallel_loop3A_136] {strides = array<i32>} : memref<80x128xf32, #tpu.memory_space<vmem>>, vector<16xf32>,
        %parallel_loop3A_138 = vector.broadcast %parallel_loop3A_134 : f32 to vector<16xf32>
        %parallel_loop3A_139 = arith.mulf %parallel_loop3A_137, %parallel_loop3A_138 : vector<16xf32>
        %parallel_loop3A_140 = arith.index_cast %parallel_loop3A_116 : i32 to index
        %parallel_loop3A_141 = arith.constant 0 : index
        %parallel_loop3A_142 = tpu.vector_load %arg18[%parallel_loop3A_140, %parallel_loop3A_141] {strides = array<i32>} : memref<80x144xf32, #tpu.memory_space<vmem>>, vector<16xf32>,
        tpu.vector_store %arg18[%parallel_loop3A_140, %parallel_loop3A_141], %parallel_loop3A_139 {strides = array<i32>} : memref<80x144xf32, #tpu.memory_space<vmem>>, vector<16xf32>,
        %parallel_loop3A_143 = vector.extract_strided_slice %parallel_loop3A_128 {offsets = [0], sizes = [1], strides = [1]} : vector<16xf32> to vector<1xf32>
        %parallel_loop3A_144 = vector.extract %parallel_loop3A_143[0] : f32 from vector<1xf32>
        %parallel_loop3A_145 = arith.index_cast %parallel_loop3A_116 : i32 to index
        %parallel_loop3A_146 = arith.constant 16 : index
        %parallel_loop3A_147 = tpu.vector_load %arg12[%parallel_loop3A_145, %parallel_loop3A_146] {strides = array<i32>} : memref<80x128xf32, #tpu.memory_space<vmem>>, vector<16xf32>,
        %parallel_loop3A_148 = vector.broadcast %parallel_loop3A_144 : f32 to vector<16xf32>
        %parallel_loop3A_149 = arith.mulf %parallel_loop3A_147, %parallel_loop3A_148 : vector<16xf32>
        %parallel_loop3A_150 = arith.index_cast %parallel_loop3A_116 : i32 to index
        %parallel_loop3A_151 = arith.constant 16 : index
        %parallel_loop3A_152 = tpu.vector_load %arg18[%parallel_loop3A_150, %parallel_loop3A_151] {strides = array<i32>} : memref<80x144xf32, #tpu.memory_space<vmem>>, vector<16xf32>,
        tpu.vector_store %arg18[%parallel_loop3A_150, %parallel_loop3A_151], %parallel_loop3A_149 {strides = array<i32>} : memref<80x144xf32, #tpu.memory_space<vmem>>, vector<16xf32>,
        %parallel_loop3A_153 = vector.extract_strided_slice %parallel_loop3A_128 {offsets = [1], sizes = [1], strides = [1]} : vector<16xf32> to vector<1xf32>
        %parallel_loop3A_154 = vector.extract %parallel_loop3A_153[0] : f32 from vector<1xf32>
        %parallel_loop3A_155 = arith.index_cast %parallel_loop3A_116 : i32 to index
        %parallel_loop3A_156 = arith.constant 32 : index
        %parallel_loop3A_157 = tpu.vector_load %arg12[%parallel_loop3A_155, %parallel_loop3A_156] {strides = array<i32>} : memref<80x128xf32, #tpu.memory_space<vmem>>, vector<16xf32>,
        %parallel_loop3A_158 = vector.broadcast %parallel_loop3A_154 : f32 to vector<16xf32>
        %parallel_loop3A_159 = arith.mulf %parallel_loop3A_157, %parallel_loop3A_158 : vector<16xf32>
        %parallel_loop3A_160 = arith.index_cast %parallel_loop3A_116 : i32 to index
        %parallel_loop3A_161 = arith.constant 32 : index
        %parallel_loop3A_162 = tpu.vector_load %arg18[%parallel_loop3A_160, %parallel_loop3A_161] {strides = array<i32>} : memref<80x144xf32, #tpu.memory_space<vmem>>, vector<16xf32>,
        tpu.vector_store %arg18[%parallel_loop3A_160, %parallel_loop3A_161], %parallel_loop3A_159 {strides = array<i32>} : memref<80x144xf32, #tpu.memory_space<vmem>>, vector<16xf32>,
        %parallel_loop3A_163 = vector.extract_strided_slice %parallel_loop3A_128 {offsets = [1], sizes = [1], strides = [1]} : vector<16xf32> to vector<1xf32>
        %parallel_loop3A_164 = vector.extract %parallel_loop3A_163[0] : f32 from vector<1xf32>
        %parallel_loop3A_165 = arith.index_cast %parallel_loop3A_116 : i32 to index
        %parallel_loop3A_166 = arith.constant 48 : index
        %parallel_loop3A_167 = tpu.vector_load %arg12[%parallel_loop3A_165, %parallel_loop3A_166] {strides = array<i32>} : memref<80x128xf32, #tpu.memory_space<vmem>>, vector<16xf32>,
        %parallel_loop3A_168 = vector.broadcast %parallel_loop3A_164 : f32 to vector<16xf32>
        %parallel_loop3A_169 = arith.mulf %parallel_loop3A_167, %parallel_loop3A_168 : vector<16xf32>
        %parallel_loop3A_170 = arith.index_cast %parallel_loop3A_116 : i32 to index
        %parallel_loop3A_171 = arith.constant 48 : index
        %parallel_loop3A_172 = tpu.vector_load %arg18[%parallel_loop3A_170, %parallel_loop3A_171] {strides = array<i32>} : memref<80x144xf32, #tpu.memory_space<vmem>>, vector<16xf32>,
        tpu.vector_store %arg18[%parallel_loop3A_170, %parallel_loop3A_171], %parallel_loop3A_169 {strides = array<i32>} : memref<80x144xf32, #tpu.memory_space<vmem>>, vector<16xf32>,
        %parallel_loop3A_173 = vector.extract_strided_slice %parallel_loop3A_128 {offsets = [2], sizes = [1], strides = [1]} : vector<16xf32> to vector<1xf32>
        %parallel_loop3A_174 = vector.extract %parallel_loop3A_173[0] : f32 from vector<1xf32>
        %parallel_loop3A_175 = arith.index_cast %parallel_loop3A_116 : i32 to index
        %parallel_loop3A_176 = arith.constant 64 : index
        %parallel_loop3A_177 = tpu.vector_load %arg12[%parallel_loop3A_175, %parallel_loop3A_176] {strides = array<i32>} : memref<80x128xf32, #tpu.memory_space<vmem>>, vector<16xf32>,
        %parallel_loop3A_178 = vector.broadcast %parallel_loop3A_174 : f32 to vector<16xf32>
        %parallel_loop3A_179 = arith.mulf %parallel_loop3A_177, %parallel_loop3A_178 : vector<16xf32>
        %parallel_loop3A_180 = arith.index_cast %parallel_loop3A_116 : i32 to index
        %parallel_loop3A_181 = arith.constant 64 : index
        %parallel_loop3A_182 = tpu.vector_load %arg18[%parallel_loop3A_180, %parallel_loop3A_181] {strides = array<i32>} : memref<80x144xf32, #tpu.memory_space<vmem>>, vector<16xf32>,
        tpu.vector_store %arg18[%parallel_loop3A_180, %parallel_loop3A_181], %parallel_loop3A_179 {strides = array<i32>} : memref<80x144xf32, #tpu.memory_space<vmem>>, vector<16xf32>,
        %parallel_loop3A_183 = vector.extract_strided_slice %parallel_loop3A_128 {offsets = [2], sizes = [1], strides = [1]} : vector<16xf32> to vector<1xf32>
        %parallel_loop3A_184 = vector.extract %parallel_loop3A_183[0] : f32 from vector<1xf32>
        %parallel_loop3A_185 = arith.index_cast %parallel_loop3A_116 : i32 to index
        %parallel_loop3A_186 = arith.constant 80 : index
        %parallel_loop3A_187 = tpu.vector_load %arg12[%parallel_loop3A_185, %parallel_loop3A_186] {strides = array<i32>} : memref<80x128xf32, #tpu.memory_space<vmem>>, vector<16xf32>,
        %parallel_loop3A_188 = vector.broadcast %parallel_loop3A_184 : f32 to vector<16xf32>
        %parallel_loop3A_189 = arith.mulf %parallel_loop3A_187, %parallel_loop3A_188 : vector<16xf32>
        %parallel_loop3A_190 = arith.index_cast %parallel_loop3A_116 : i32 to index
        %parallel_loop3A_191 = arith.constant 80 : index
        %parallel_loop3A_192 = tpu.vector_load %arg18[%parallel_loop3A_190, %parallel_loop3A_191] {strides = array<i32>} : memref<80x144xf32, #tpu.memory_space<vmem>>, vector<16xf32>,
        tpu.vector_store %arg18[%parallel_loop3A_190, %parallel_loop3A_191], %parallel_loop3A_189 {strides = array<i32>} : memref<80x144xf32, #tpu.memory_space<vmem>>, vector<16xf32>,
        %parallel_loop3A_193 = vector.extract_strided_slice %parallel_loop3A_128 {offsets = [3], sizes = [1], strides = [1]} : vector<16xf32> to vector<1xf32>
        %parallel_loop3A_194 = vector.extract %parallel_loop3A_193[0] : f32 from vector<1xf32>
        %parallel_loop3A_195 = arith.index_cast %parallel_loop3A_116 : i32 to index
        %parallel_loop3A_196 = arith.constant 96 : index
        %parallel_loop3A_197 = tpu.vector_load %arg12[%parallel_loop3A_195, %parallel_loop3A_196] {strides = array<i32>} : memref<80x128xf32, #tpu.memory_space<vmem>>, vector<16xf32>,
        %parallel_loop3A_198 = vector.broadcast %parallel_loop3A_194 : f32 to vector<16xf32>
        %parallel_loop3A_199 = arith.mulf %parallel_loop3A_197, %parallel_loop3A_198 : vector<16xf32>
        %parallel_loop3A_200 = arith.index_cast %parallel_loop3A_116 : i32 to index
        %parallel_loop3A_201 = arith.constant 96 : index
        %parallel_loop3A_202 = tpu.vector_load %arg18[%parallel_loop3A_200, %parallel_loop3A_201] {strides = array<i32>} : memref<80x144xf32, #tpu.memory_space<vmem>>, vector<16xf32>,
        tpu.vector_store %arg18[%parallel_loop3A_200, %parallel_loop3A_201], %parallel_loop3A_199 {strides = array<i32>} : memref<80x144xf32, #tpu.memory_space<vmem>>, vector<16xf32>,
        %parallel_loop3A_203 = vector.extract_strided_slice %parallel_loop3A_128 {offsets = [3], sizes = [1], strides = [1]} : vector<16xf32> to vector<1xf32>
        %parallel_loop3A_204 = vector.extract %parallel_loop3A_203[0] : f32 from vector<1xf32>
        %parallel_loop3A_205 = arith.index_cast %parallel_loop3A_116 : i32 to index
        %parallel_loop3A_206 = arith.constant 112 : index
        %parallel_loop3A_207 = tpu.vector_load %arg12[%parallel_loop3A_205, %parallel_loop3A_206] {strides = array<i32>} : memref<80x128xf32, #tpu.memory_space<vmem>>, vector<16xf32>,
        %parallel_loop3A_208 = vector.broadcast %parallel_loop3A_204 : f32 to vector<16xf32>
        %parallel_loop3A_209 = arith.mulf %parallel_loop3A_207, %parallel_loop3A_208 : vector<16xf32>
        %parallel_loop3A_210 = arith.index_cast %parallel_loop3A_116 : i32 to index
        %parallel_loop3A_211 = arith.constant 112 : index
        %parallel_loop3A_212 = tpu.vector_load %arg18[%parallel_loop3A_210, %parallel_loop3A_211] {strides = array<i32>} : memref<80x144xf32, #tpu.memory_space<vmem>>, vector<16xf32>,
        tpu.vector_store %arg18[%parallel_loop3A_210, %parallel_loop3A_211], %parallel_loop3A_209 {strides = array<i32>} : memref<80x144xf32, #tpu.memory_space<vmem>>, vector<16xf32>,
      } {sc.loop_unroll_factor = 4 : i64, sc.parallel_access}
      "tpu.region"() ({
        %run_scoped3A = tpu.sem_alloc : memref<!tpu.dma_semaphore, #tpu.memory_space<semaphore_mem>>
        %dma_start3A_116 = arith.constant 0 : i32
        %dma_start3A_117 = arith.constant 0 : i32
        %dma_start3A_118 = tpu.memref_slice %arg19[%dma_start3A_116, %dma_start3A_117] : memref<10000x144xf32, #tpu.memory_space<vmem_shared>> -> memref<10000x144xf32, #tpu.memory_space<vmem_shared>>
        tpu.enqueue_indirect_dma source(%arg18 : memref<80x144xf32, #tpu.memory_space<vmem>>) target(%dma_start3A_118 : memref<10000x144xf32, #tpu.memory_space<vmem_shared>>) offsets(%arg9 : memref<80xi32, #tpu.memory_space<vmem>>) semaphore(%run_scoped3A : memref<!tpu.dma_semaphore, #tpu.memory_space<semaphore_mem>>) {add = true}
        %dma_wait3A_119 = arith.constant 0 : i32
        %dma_wait3A_120 = arith.constant 0 : i32
        %dma_wait3A_121 = tpu.memref_slice %arg19[%dma_wait3A_119, %dma_wait3A_120] : memref<10000x144xf32, #tpu.memory_space<vmem_shared>> -> memref<10000x144xf32, #tpu.memory_space<vmem_shared>>
        tpu.wait_indirect_dma semaphore(%run_scoped3A : memref<!tpu.dma_semaphore, #tpu.memory_space<semaphore_mem>>) src(%arg18 : memref<80x144xf32, #tpu.memory_space<vmem>>) dst(%dma_wait3A_121 : memref<10000x144xf32, #tpu.memory_space<vmem_shared>>)
        tpu.yield
      }) : () -> ()
      %add3A_89 = arith.constant 2 : i32
      %add3A_90 = arith.addi %mul3A_62, %add3A_89 : i32
      %mul3A_91 = arith.constant 80 : i32
      %mul3A_92 = arith.muli %add3A_90, %mul3A_91 : i32
      %add3A_93 = arith.addi %mul3A_2, %mul3A_92 : i32
      "tpu.region"() ({
        %run_scoped3A = tpu.sem_alloc : memref<!tpu.dma_semaphore, #tpu.memory_space<semaphore_mem>>
        %dma_start3A_116 = tpu.memref_slice %arg5[%add3A_93] : memref<320000xi32, #tpu.memory_space<hbm>> -> memref<80xi32, #tpu.memory_space<hbm>>
        %dma_start3A_117 = tpu.memref_slice %arg5[%add3A_93] : memref<320000xi32, #tpu.memory_space<hbm>> -> memref<80xi32, #tpu.memory_space<hbm>>
        tpu.enqueue_dma source(%dma_start3A_117 : memref<80xi32, #tpu.memory_space<hbm>>) target(%arg8 : memref<80xi32, #tpu.memory_space<vmem>>) target_semaphore(%run_scoped3A : memref<!tpu.dma_semaphore, #tpu.memory_space<semaphore_mem>>)
        %dma_wait3A_118 = tpu.memref_slice %arg5[%add3A_93] : memref<320000xi32, #tpu.memory_space<hbm>> -> memref<80xi32, #tpu.memory_space<hbm>>
        %dma_wait3A_119 = tpu.memref_slice %arg5[%add3A_93] : memref<320000xi32, #tpu.memory_space<hbm>> -> memref<80xi32, #tpu.memory_space<hbm>>
        tpu.wait_dma2 semaphore(%run_scoped3A : memref<!tpu.dma_semaphore, #tpu.memory_space<semaphore_mem>>) src(%dma_wait3A_119 : memref<80xi32, #tpu.memory_space<hbm>>) dst(%arg8 : memref<80xi32, #tpu.memory_space<vmem>>)
        tpu.yield
      }) : () -> ()
      "tpu.region"() ({
        %run_scoped3A = tpu.sem_alloc : memref<!tpu.dma_semaphore, #tpu.memory_space<semaphore_mem>>
        %dma_start3A_116 = tpu.memref_slice %arg6[%add3A_93] : memref<320000xi32, #tpu.memory_space<hbm>> -> memref<80xi32, #tpu.memory_space<hbm>>
        %dma_start3A_117 = tpu.memref_slice %arg6[%add3A_93] : memref<320000xi32, #tpu.memory_space<hbm>> -> memref<80xi32, #tpu.memory_space<hbm>>
        tpu.enqueue_dma source(%dma_start3A_117 : memref<80xi32, #tpu.memory_space<hbm>>) target(%arg9 : memref<80xi32, #tpu.memory_space<vmem>>) target_semaphore(%run_scoped3A : memref<!tpu.dma_semaphore, #tpu.memory_space<semaphore_mem>>)
        %dma_wait3A_118 = tpu.memref_slice %arg6[%add3A_93] : memref<320000xi32, #tpu.memory_space<hbm>> -> memref<80xi32, #tpu.memory_space<hbm>>
        %dma_wait3A_119 = tpu.memref_slice %arg6[%add3A_93] : memref<320000xi32, #tpu.memory_space<hbm>> -> memref<80xi32, #tpu.memory_space<hbm>>
        tpu.wait_dma2 semaphore(%run_scoped3A : memref<!tpu.dma_semaphore, #tpu.memory_space<semaphore_mem>>) src(%dma_wait3A_119 : memref<80xi32, #tpu.memory_space<hbm>>) dst(%arg9 : memref<80xi32, #tpu.memory_space<vmem>>)
        tpu.yield
      }) : () -> ()
      %dma_start3A_94 = arith.constant 0 : i32
      %dma_start3A_95 = arith.constant 0 : i32
      %dma_start3A_96 = tpu.memref_slice %arg2[%dma_start3A_94, %dma_start3A_95] : memref<10000x128xf32, #tpu.memory_space<hbm>> -> memref<10000x128xf32, #tpu.memory_space<hbm>>
      tpu.enqueue_indirect_dma source(%dma_start3A_96 : memref<10000x128xf32, #tpu.memory_space<hbm>>) target(%arg12 : memref<80x128xf32, #tpu.memory_space<vmem>>) offsets(%arg8 : memref<80xi32, #tpu.memory_space<vmem>>) semaphore(%arg20 : memref<!tpu.dma_semaphore, #tpu.memory_space<semaphore_mem>>)
      %dma_start3A_97 = arith.constant 0 : i32
      %dma_start3A_98 = arith.constant 0 : i32
      %dma_start3A_99 = tpu.memref_slice %arg3[%dma_start3A_97, %dma_start3A_98] : memref<10000x16xf32, #tpu.memory_space<hbm>> -> memref<10000x16xf32, #tpu.memory_space<hbm>>
      tpu.enqueue_indirect_dma source(%dma_start3A_99 : memref<10000x16xf32, #tpu.memory_space<hbm>>) target(%arg10 : memref<80x16xf32, #tpu.memory_space<vmem>>) offsets(%arg8 : memref<80xi32, #tpu.memory_space<vmem>>) semaphore(%arg21 : memref<!tpu.dma_semaphore, #tpu.memory_space<semaphore_mem>>)
      %dma_start3A_100 = arith.constant 0 : i32
      %dma_start3A_101 = arith.constant 0 : i32
      %dma_start3A_102 = tpu.memref_slice %arg4[%dma_start3A_100, %dma_start3A_101] : memref<10000x16xf32, #tpu.memory_space<hbm>> -> memref<10000x16xf32, #tpu.memory_space<hbm>>
      tpu.enqueue_indirect_dma source(%dma_start3A_102 : memref<10000x16xf32, #tpu.memory_space<hbm>>) target(%arg11 : memref<80x16xf32, #tpu.memory_space<vmem>>) offsets(%arg9 : memref<80xi32, #tpu.memory_space<vmem>>) semaphore(%arg22 : memref<!tpu.dma_semaphore, #tpu.memory_space<semaphore_mem>>)
      %dma_wait3A_103 = arith.constant 0 : i32
      %dma_wait3A_104 = arith.constant 0 : i32
      %dma_wait3A_105 = tpu.memref_slice %arg2[%dma_wait3A_103, %dma_wait3A_104] : memref<10000x128xf32, #tpu.memory_space<hbm>> -> memref<10000x128xf32, #tpu.memory_space<hbm>>
      tpu.wait_indirect_dma semaphore(%arg23 : memref<!tpu.dma_semaphore, #tpu.memory_space<semaphore_mem>>) src(%dma_wait3A_105 : memref<10000x128xf32, #tpu.memory_space<hbm>>) dst(%arg17 : memref<80x128xf32, #tpu.memory_space<vmem>>)
      %dma_wait3A_106 = arith.constant 0 : i32
      %dma_wait3A_107 = arith.constant 0 : i32
      %dma_wait3A_108 = tpu.memref_slice %arg3[%dma_wait3A_106, %dma_wait3A_107] : memref<10000x16xf32, #tpu.memory_space<hbm>> -> memref<10000x16xf32, #tpu.memory_space<hbm>>
      tpu.wait_indirect_dma semaphore(%arg24 : memref<!tpu.dma_semaphore, #tpu.memory_space<semaphore_mem>>) src(%dma_wait3A_108 : memref<10000x16xf32, #tpu.memory_space<hbm>>) dst(%arg15 : memref<80x16xf32, #tpu.memory_space<vmem>>)
      %dma_wait3A_109 = arith.constant 0 : i32
      %dma_wait3A_110 = arith.constant 0 : i32
      %dma_wait3A_111 = tpu.memref_slice %arg4[%dma_wait3A_109, %dma_wait3A_110] : memref<10000x16xf32, #tpu.memory_space<hbm>> -> memref<10000x16xf32, #tpu.memory_space<hbm>>
      tpu.wait_indirect_dma semaphore(%arg25 : memref<!tpu.dma_semaphore, #tpu.memory_space<semaphore_mem>>) src(%dma_wait3A_111 : memref<10000x16xf32, #tpu.memory_space<hbm>>) dst(%arg16 : memref<80x16xf32, #tpu.memory_space<vmem>>)
      %parallel_loop3A_112 = arith.constant 0 : i32
      %parallel_loop3A_113 = arith.constant 80 : i32
      %parallel_loop3A_114 = arith.constant 1 : i32
      scf.for %parallel_loop3A_116 = %parallel_loop3A_112 to %parallel_loop3A_113 step %parallel_loop3A_114  : i32 {
        %parallel_loop3A_117 = arith.index_cast %parallel_loop3A_116 : i32 to index
        %parallel_loop3A_118 = arith.constant 0 : index
        %parallel_loop3A_119 = tpu.vector_load %arg15[%parallel_loop3A_117, %parallel_loop3A_118] {strides = array<i32>} : memref<80x16xf32, #tpu.memory_space<vmem>>, vector<16xf32>,
        %parallel_loop3A_120 = arith.index_cast %parallel_loop3A_116 : i32 to index
        %parallel_loop3A_121 = arith.constant 0 : index
        %parallel_loop3A_122 = tpu.vector_load %arg16[%parallel_loop3A_120, %parallel_loop3A_121] {strides = array<i32>} : memref<80x16xf32, #tpu.memory_space<vmem>>, vector<16xf32>,
        %parallel_loop3A_123 = arith.addf %parallel_loop3A_119, %parallel_loop3A_122 : vector<16xf32>
        %parallel_loop3A_124 = arith.constant 2.000000e-01 : f32
        %parallel_loop3A_125 = vector.broadcast %parallel_loop3A_124 : f32 to vector<16xf32>
        %parallel_loop3A_126 = arith.mulf %parallel_loop3A_125, %parallel_loop3A_123 : vector<16xf32>
        %parallel_loop3A_127 = arith.maximumf %parallel_loop3A_123, %parallel_loop3A_126 : vector<16xf32>
        %parallel_loop3A_128 = math.exp %parallel_loop3A_127 : vector<16xf32>
        %parallel_loop3A_129 = arith.mulf %parallel_loop3A_128, %select_n3A : vector<16xf32>
        %parallel_loop3A_130 = arith.index_cast %parallel_loop3A_116 : i32 to index
        %parallel_loop3A_131 = arith.constant 128 : index
        %parallel_loop3A_132 = tpu.vector_load %arg18[%parallel_loop3A_130, %parallel_loop3A_131] {strides = array<i32>} : memref<80x144xf32, #tpu.memory_space<vmem>>, vector<16xf32>,
        tpu.vector_store %arg18[%parallel_loop3A_130, %parallel_loop3A_131], %parallel_loop3A_129 {strides = array<i32>} : memref<80x144xf32, #tpu.memory_space<vmem>>, vector<16xf32>,
        %parallel_loop3A_133 = vector.extract_strided_slice %parallel_loop3A_128 {offsets = [0], sizes = [1], strides = [1]} : vector<16xf32> to vector<1xf32>
        %parallel_loop3A_134 = vector.extract %parallel_loop3A_133[0] : f32 from vector<1xf32>
        %parallel_loop3A_135 = arith.index_cast %parallel_loop3A_116 : i32 to index
        %parallel_loop3A_136 = arith.constant 0 : index
        %parallel_loop3A_137 = tpu.vector_load %arg17[%parallel_loop3A_135, %parallel_loop3A_136] {strides = array<i32>} : memref<80x128xf32, #tpu.memory_space<vmem>>, vector<16xf32>,
        %parallel_loop3A_138 = vector.broadcast %parallel_loop3A_134 : f32 to vector<16xf32>
        %parallel_loop3A_139 = arith.mulf %parallel_loop3A_137, %parallel_loop3A_138 : vector<16xf32>
        %parallel_loop3A_140 = arith.index_cast %parallel_loop3A_116 : i32 to index
        %parallel_loop3A_141 = arith.constant 0 : index
        %parallel_loop3A_142 = tpu.vector_load %arg18[%parallel_loop3A_140, %parallel_loop3A_141] {strides = array<i32>} : memref<80x144xf32, #tpu.memory_space<vmem>>, vector<16xf32>,
        tpu.vector_store %arg18[%parallel_loop3A_140, %parallel_loop3A_141], %parallel_loop3A_139 {strides = array<i32>} : memref<80x144xf32, #tpu.memory_space<vmem>>, vector<16xf32>,
        %parallel_loop3A_143 = vector.extract_strided_slice %parallel_loop3A_128 {offsets = [0], sizes = [1], strides = [1]} : vector<16xf32> to vector<1xf32>
        %parallel_loop3A_144 = vector.extract %parallel_loop3A_143[0] : f32 from vector<1xf32>
        %parallel_loop3A_145 = arith.index_cast %parallel_loop3A_116 : i32 to index
        %parallel_loop3A_146 = arith.constant 16 : index
        %parallel_loop3A_147 = tpu.vector_load %arg17[%parallel_loop3A_145, %parallel_loop3A_146] {strides = array<i32>} : memref<80x128xf32, #tpu.memory_space<vmem>>, vector<16xf32>,
        %parallel_loop3A_148 = vector.broadcast %parallel_loop3A_144 : f32 to vector<16xf32>
        %parallel_loop3A_149 = arith.mulf %parallel_loop3A_147, %parallel_loop3A_148 : vector<16xf32>
        %parallel_loop3A_150 = arith.index_cast %parallel_loop3A_116 : i32 to index
        %parallel_loop3A_151 = arith.constant 16 : index
        %parallel_loop3A_152 = tpu.vector_load %arg18[%parallel_loop3A_150, %parallel_loop3A_151] {strides = array<i32>} : memref<80x144xf32, #tpu.memory_space<vmem>>, vector<16xf32>,
        tpu.vector_store %arg18[%parallel_loop3A_150, %parallel_loop3A_151], %parallel_loop3A_149 {strides = array<i32>} : memref<80x144xf32, #tpu.memory_space<vmem>>, vector<16xf32>,
        %parallel_loop3A_153 = vector.extract_strided_slice %parallel_loop3A_128 {offsets = [1], sizes = [1], strides = [1]} : vector<16xf32> to vector<1xf32>
        %parallel_loop3A_154 = vector.extract %parallel_loop3A_153[0] : f32 from vector<1xf32>
        %parallel_loop3A_155 = arith.index_cast %parallel_loop3A_116 : i32 to index
        %parallel_loop3A_156 = arith.constant 32 : index
        %parallel_loop3A_157 = tpu.vector_load %arg17[%parallel_loop3A_155, %parallel_loop3A_156] {strides = array<i32>} : memref<80x128xf32, #tpu.memory_space<vmem>>, vector<16xf32>,
        %parallel_loop3A_158 = vector.broadcast %parallel_loop3A_154 : f32 to vector<16xf32>
        %parallel_loop3A_159 = arith.mulf %parallel_loop3A_157, %parallel_loop3A_158 : vector<16xf32>
        %parallel_loop3A_160 = arith.index_cast %parallel_loop3A_116 : i32 to index
        %parallel_loop3A_161 = arith.constant 32 : index
        %parallel_loop3A_162 = tpu.vector_load %arg18[%parallel_loop3A_160, %parallel_loop3A_161] {strides = array<i32>} : memref<80x144xf32, #tpu.memory_space<vmem>>, vector<16xf32>,
        tpu.vector_store %arg18[%parallel_loop3A_160, %parallel_loop3A_161], %parallel_loop3A_159 {strides = array<i32>} : memref<80x144xf32, #tpu.memory_space<vmem>>, vector<16xf32>,
        %parallel_loop3A_163 = vector.extract_strided_slice %parallel_loop3A_128 {offsets = [1], sizes = [1], strides = [1]} : vector<16xf32> to vector<1xf32>
        %parallel_loop3A_164 = vector.extract %parallel_loop3A_163[0] : f32 from vector<1xf32>
        %parallel_loop3A_165 = arith.index_cast %parallel_loop3A_116 : i32 to index
        %parallel_loop3A_166 = arith.constant 48 : index
        %parallel_loop3A_167 = tpu.vector_load %arg17[%parallel_loop3A_165, %parallel_loop3A_166] {strides = array<i32>} : memref<80x128xf32, #tpu.memory_space<vmem>>, vector<16xf32>,
        %parallel_loop3A_168 = vector.broadcast %parallel_loop3A_164 : f32 to vector<16xf32>
        %parallel_loop3A_169 = arith.mulf %parallel_loop3A_167, %parallel_loop3A_168 : vector<16xf32>
        %parallel_loop3A_170 = arith.index_cast %parallel_loop3A_116 : i32 to index
        %parallel_loop3A_171 = arith.constant 48 : index
        %parallel_loop3A_172 = tpu.vector_load %arg18[%parallel_loop3A_170, %parallel_loop3A_171] {strides = array<i32>} : memref<80x144xf32, #tpu.memory_space<vmem>>, vector<16xf32>,
        tpu.vector_store %arg18[%parallel_loop3A_170, %parallel_loop3A_171], %parallel_loop3A_169 {strides = array<i32>} : memref<80x144xf32, #tpu.memory_space<vmem>>, vector<16xf32>,
        %parallel_loop3A_173 = vector.extract_strided_slice %parallel_loop3A_128 {offsets = [2], sizes = [1], strides = [1]} : vector<16xf32> to vector<1xf32>
        %parallel_loop3A_174 = vector.extract %parallel_loop3A_173[0] : f32 from vector<1xf32>
        %parallel_loop3A_175 = arith.index_cast %parallel_loop3A_116 : i32 to index
        %parallel_loop3A_176 = arith.constant 64 : index
        %parallel_loop3A_177 = tpu.vector_load %arg17[%parallel_loop3A_175, %parallel_loop3A_176] {strides = array<i32>} : memref<80x128xf32, #tpu.memory_space<vmem>>, vector<16xf32>,
        %parallel_loop3A_178 = vector.broadcast %parallel_loop3A_174 : f32 to vector<16xf32>
        %parallel_loop3A_179 = arith.mulf %parallel_loop3A_177, %parallel_loop3A_178 : vector<16xf32>
        %parallel_loop3A_180 = arith.index_cast %parallel_loop3A_116 : i32 to index
        %parallel_loop3A_181 = arith.constant 64 : index
        %parallel_loop3A_182 = tpu.vector_load %arg18[%parallel_loop3A_180, %parallel_loop3A_181] {strides = array<i32>} : memref<80x144xf32, #tpu.memory_space<vmem>>, vector<16xf32>,
        tpu.vector_store %arg18[%parallel_loop3A_180, %parallel_loop3A_181], %parallel_loop3A_179 {strides = array<i32>} : memref<80x144xf32, #tpu.memory_space<vmem>>, vector<16xf32>,
        %parallel_loop3A_183 = vector.extract_strided_slice %parallel_loop3A_128 {offsets = [2], sizes = [1], strides = [1]} : vector<16xf32> to vector<1xf32>
        %parallel_loop3A_184 = vector.extract %parallel_loop3A_183[0] : f32 from vector<1xf32>
        %parallel_loop3A_185 = arith.index_cast %parallel_loop3A_116 : i32 to index
        %parallel_loop3A_186 = arith.constant 80 : index
        %parallel_loop3A_187 = tpu.vector_load %arg17[%parallel_loop3A_185, %parallel_loop3A_186] {strides = array<i32>} : memref<80x128xf32, #tpu.memory_space<vmem>>, vector<16xf32>,
        %parallel_loop3A_188 = vector.broadcast %parallel_loop3A_184 : f32 to vector<16xf32>
        %parallel_loop3A_189 = arith.mulf %parallel_loop3A_187, %parallel_loop3A_188 : vector<16xf32>
        %parallel_loop3A_190 = arith.index_cast %parallel_loop3A_116 : i32 to index
        %parallel_loop3A_191 = arith.constant 80 : index
        %parallel_loop3A_192 = tpu.vector_load %arg18[%parallel_loop3A_190, %parallel_loop3A_191] {strides = array<i32>} : memref<80x144xf32, #tpu.memory_space<vmem>>, vector<16xf32>,
        tpu.vector_store %arg18[%parallel_loop3A_190, %parallel_loop3A_191], %parallel_loop3A_189 {strides = array<i32>} : memref<80x144xf32, #tpu.memory_space<vmem>>, vector<16xf32>,
        %parallel_loop3A_193 = vector.extract_strided_slice %parallel_loop3A_128 {offsets = [3], sizes = [1], strides = [1]} : vector<16xf32> to vector<1xf32>
        %parallel_loop3A_194 = vector.extract %parallel_loop3A_193[0] : f32 from vector<1xf32>
        %parallel_loop3A_195 = arith.index_cast %parallel_loop3A_116 : i32 to index
        %parallel_loop3A_196 = arith.constant 96 : index
        %parallel_loop3A_197 = tpu.vector_load %arg17[%parallel_loop3A_195, %parallel_loop3A_196] {strides = array<i32>} : memref<80x128xf32, #tpu.memory_space<vmem>>, vector<16xf32>,
        %parallel_loop3A_198 = vector.broadcast %parallel_loop3A_194 : f32 to vector<16xf32>
        %parallel_loop3A_199 = arith.mulf %parallel_loop3A_197, %parallel_loop3A_198 : vector<16xf32>
        %parallel_loop3A_200 = arith.index_cast %parallel_loop3A_116 : i32 to index
        %parallel_loop3A_201 = arith.constant 96 : index
        %parallel_loop3A_202 = tpu.vector_load %arg18[%parallel_loop3A_200, %parallel_loop3A_201] {strides = array<i32>} : memref<80x144xf32, #tpu.memory_space<vmem>>, vector<16xf32>,
        tpu.vector_store %arg18[%parallel_loop3A_200, %parallel_loop3A_201], %parallel_loop3A_199 {strides = array<i32>} : memref<80x144xf32, #tpu.memory_space<vmem>>, vector<16xf32>,
        %parallel_loop3A_203 = vector.extract_strided_slice %parallel_loop3A_128 {offsets = [3], sizes = [1], strides = [1]} : vector<16xf32> to vector<1xf32>
        %parallel_loop3A_204 = vector.extract %parallel_loop3A_203[0] : f32 from vector<1xf32>
        %parallel_loop3A_205 = arith.index_cast %parallel_loop3A_116 : i32 to index
        %parallel_loop3A_206 = arith.constant 112 : index
        %parallel_loop3A_207 = tpu.vector_load %arg17[%parallel_loop3A_205, %parallel_loop3A_206] {strides = array<i32>} : memref<80x128xf32, #tpu.memory_space<vmem>>, vector<16xf32>,
        %parallel_loop3A_208 = vector.broadcast %parallel_loop3A_204 : f32 to vector<16xf32>
        %parallel_loop3A_209 = arith.mulf %parallel_loop3A_207, %parallel_loop3A_208 : vector<16xf32>
        %parallel_loop3A_210 = arith.index_cast %parallel_loop3A_116 : i32 to index
        %parallel_loop3A_211 = arith.constant 112 : index
        %parallel_loop3A_212 = tpu.vector_load %arg18[%parallel_loop3A_210, %parallel_loop3A_211] {strides = array<i32>} : memref<80x144xf32, #tpu.memory_space<vmem>>, vector<16xf32>,
        tpu.vector_store %arg18[%parallel_loop3A_210, %parallel_loop3A_211], %parallel_loop3A_209 {strides = array<i32>} : memref<80x144xf32, #tpu.memory_space<vmem>>, vector<16xf32>,
      } {sc.loop_unroll_factor = 4 : i64, sc.parallel_access}
      "tpu.region"() ({
        %run_scoped3A = tpu.sem_alloc : memref<!tpu.dma_semaphore, #tpu.memory_space<semaphore_mem>>
        %dma_start3A_116 = arith.constant 0 : i32
        %dma_start3A_117 = arith.constant 0 : i32
        %dma_start3A_118 = tpu.memref_slice %arg19[%dma_start3A_116, %dma_start3A_117] : memref<10000x144xf32, #tpu.memory_space<vmem_shared>> -> memref<10000x144xf32, #tpu.memory_space<vmem_shared>>
        tpu.enqueue_indirect_dma source(%arg18 : memref<80x144xf32, #tpu.memory_space<vmem>>) target(%dma_start3A_118 : memref<10000x144xf32, #tpu.memory_space<vmem_shared>>) offsets(%arg14 : memref<80xi32, #tpu.memory_space<vmem>>) semaphore(%run_scoped3A : memref<!tpu.dma_semaphore, #tpu.memory_space<semaphore_mem>>) {add = true}
        %dma_wait3A_119 = arith.constant 0 : i32
        %dma_wait3A_120 = arith.constant 0 : i32
        %dma_wait3A_121 = tpu.memref_slice %arg19[%dma_wait3A_119, %dma_wait3A_120] : memref<10000x144xf32, #tpu.memory_space<vmem_shared>> -> memref<10000x144xf32, #tpu.memory_space<vmem_shared>>
        tpu.wait_indirect_dma semaphore(%run_scoped3A : memref<!tpu.dma_semaphore, #tpu.memory_space<semaphore_mem>>) src(%arg18 : memref<80x144xf32, #tpu.memory_space<vmem>>) dst(%dma_wait3A_121 : memref<10000x144xf32, #tpu.memory_space<vmem_shared>>)
        tpu.yield
      }) : () -> ()
      %scan3A_115 = arith.constant 0 : i32
      scf.yield %scan3A_115 : i32
    }
    %scan3A_38 = arith.constant 62 : i32
    %dma_wait3A = arith.constant 0 : i32
    %dma_wait3A_39 = arith.constant 0 : i32
    %dma_wait3A_40 = tpu.memref_slice %arg2[%dma_wait3A, %dma_wait3A_39] : memref<10000x128xf32, #tpu.memory_space<hbm>> -> memref<10000x128xf32, #tpu.memory_space<hbm>>
    tpu.wait_indirect_dma semaphore(%arg20 : memref<!tpu.dma_semaphore, #tpu.memory_space<semaphore_mem>>) src(%dma_wait3A_40 : memref<10000x128xf32, #tpu.memory_space<hbm>>) dst(%arg12 : memref<80x128xf32, #tpu.memory_space<vmem>>)
    %dma_wait3A_41 = arith.constant 0 : i32
    %dma_wait3A_42 = arith.constant 0 : i32
    %dma_wait3A_43 = tpu.memref_slice %arg3[%dma_wait3A_41, %dma_wait3A_42] : memref<10000x16xf32, #tpu.memory_space<hbm>> -> memref<10000x16xf32, #tpu.memory_space<hbm>>
    tpu.wait_indirect_dma semaphore(%arg21 : memref<!tpu.dma_semaphore, #tpu.memory_space<semaphore_mem>>) src(%dma_wait3A_43 : memref<10000x16xf32, #tpu.memory_space<hbm>>) dst(%arg10 : memref<80x16xf32, #tpu.memory_space<vmem>>)
    %dma_wait3A_44 = arith.constant 0 : i32
    %dma_wait3A_45 = arith.constant 0 : i32
    %dma_wait3A_46 = tpu.memref_slice %arg4[%dma_wait3A_44, %dma_wait3A_45] : memref<10000x16xf32, #tpu.memory_space<hbm>> -> memref<10000x16xf32, #tpu.memory_space<hbm>>
    tpu.wait_indirect_dma semaphore(%arg22 : memref<!tpu.dma_semaphore, #tpu.memory_space<semaphore_mem>>) src(%dma_wait3A_46 : memref<10000x16xf32, #tpu.memory_space<hbm>>) dst(%arg11 : memref<80x16xf32, #tpu.memory_space<vmem>>)
    %parallel_loop3A = arith.constant 0 : i32
    %parallel_loop3A_47 = arith.constant 80 : i32
    %parallel_loop3A_48 = arith.constant 1 : i32
    scf.for %parallel_loop3A_59 = %parallel_loop3A to %parallel_loop3A_47 step %parallel_loop3A_48  : i32 {
      %parallel_loop3A_60 = arith.index_cast %parallel_loop3A_59 : i32 to index
      %parallel_loop3A_61 = arith.constant 0 : index
      %parallel_loop3A_62 = tpu.vector_load %arg10[%parallel_loop3A_60, %parallel_loop3A_61] {strides = array<i32>} : memref<80x16xf32, #tpu.memory_space<vmem>>, vector<16xf32>,
      %parallel_loop3A_63 = arith.index_cast %parallel_loop3A_59 : i32 to index
      %parallel_loop3A_64 = arith.constant 0 : index
      %parallel_loop3A_65 = tpu.vector_load %arg11[%parallel_loop3A_63, %parallel_loop3A_64] {strides = array<i32>} : memref<80x16xf32, #tpu.memory_space<vmem>>, vector<16xf32>,
      %parallel_loop3A_66 = arith.addf %parallel_loop3A_62, %parallel_loop3A_65 : vector<16xf32>
      %parallel_loop3A_67 = arith.constant 2.000000e-01 : f32
      %parallel_loop3A_68 = vector.broadcast %parallel_loop3A_67 : f32 to vector<16xf32>
      %parallel_loop3A_69 = arith.mulf %parallel_loop3A_68, %parallel_loop3A_66 : vector<16xf32>
      %parallel_loop3A_70 = arith.maximumf %parallel_loop3A_66, %parallel_loop3A_69 : vector<16xf32>
      %parallel_loop3A_71 = math.exp %parallel_loop3A_70 : vector<16xf32>
      %parallel_loop3A_72 = arith.mulf %parallel_loop3A_71, %select_n3A : vector<16xf32>
      %parallel_loop3A_73 = arith.index_cast %parallel_loop3A_59 : i32 to index
      %parallel_loop3A_74 = arith.constant 128 : index
      %parallel_loop3A_75 = tpu.vector_load %arg18[%parallel_loop3A_73, %parallel_loop3A_74] {strides = array<i32>} : memref<80x144xf32, #tpu.memory_space<vmem>>, vector<16xf32>,
      tpu.vector_store %arg18[%parallel_loop3A_73, %parallel_loop3A_74], %parallel_loop3A_72 {strides = array<i32>} : memref<80x144xf32, #tpu.memory_space<vmem>>, vector<16xf32>,
      %parallel_loop3A_76 = vector.extract_strided_slice %parallel_loop3A_71 {offsets = [0], sizes = [1], strides = [1]} : vector<16xf32> to vector<1xf32>
      %parallel_loop3A_77 = vector.extract %parallel_loop3A_76[0] : f32 from vector<1xf32>
      %parallel_loop3A_78 = arith.index_cast %parallel_loop3A_59 : i32 to index
      %parallel_loop3A_79 = arith.constant 0 : index
      %parallel_loop3A_80 = tpu.vector_load %arg12[%parallel_loop3A_78, %parallel_loop3A_79] {strides = array<i32>} : memref<80x128xf32, #tpu.memory_space<vmem>>, vector<16xf32>,
      %parallel_loop3A_81 = vector.broadcast %parallel_loop3A_77 : f32 to vector<16xf32>
      %parallel_loop3A_82 = arith.mulf %parallel_loop3A_80, %parallel_loop3A_81 : vector<16xf32>
      %parallel_loop3A_83 = arith.index_cast %parallel_loop3A_59 : i32 to index
      %parallel_loop3A_84 = arith.constant 0 : index
      %parallel_loop3A_85 = tpu.vector_load %arg18[%parallel_loop3A_83, %parallel_loop3A_84] {strides = array<i32>} : memref<80x144xf32, #tpu.memory_space<vmem>>, vector<16xf32>,
      tpu.vector_store %arg18[%parallel_loop3A_83, %parallel_loop3A_84], %parallel_loop3A_82 {strides = array<i32>} : memref<80x144xf32, #tpu.memory_space<vmem>>, vector<16xf32>,
      %parallel_loop3A_86 = vector.extract_strided_slice %parallel_loop3A_71 {offsets = [0], sizes = [1], strides = [1]} : vector<16xf32> to vector<1xf32>
      %parallel_loop3A_87 = vector.extract %parallel_loop3A_86[0] : f32 from vector<1xf32>
      %parallel_loop3A_88 = arith.index_cast %parallel_loop3A_59 : i32 to index
      %parallel_loop3A_89 = arith.constant 16 : index
      %parallel_loop3A_90 = tpu.vector_load %arg12[%parallel_loop3A_88, %parallel_loop3A_89] {strides = array<i32>} : memref<80x128xf32, #tpu.memory_space<vmem>>, vector<16xf32>,
      %parallel_loop3A_91 = vector.broadcast %parallel_loop3A_87 : f32 to vector<16xf32>
      %parallel_loop3A_92 = arith.mulf %parallel_loop3A_90, %parallel_loop3A_91 : vector<16xf32>
      %parallel_loop3A_93 = arith.index_cast %parallel_loop3A_59 : i32 to index
      %parallel_loop3A_94 = arith.constant 16 : index
      %parallel_loop3A_95 = tpu.vector_load %arg18[%parallel_loop3A_93, %parallel_loop3A_94] {strides = array<i32>} : memref<80x144xf32, #tpu.memory_space<vmem>>, vector<16xf32>,
      tpu.vector_store %arg18[%parallel_loop3A_93, %parallel_loop3A_94], %parallel_loop3A_92 {strides = array<i32>} : memref<80x144xf32, #tpu.memory_space<vmem>>, vector<16xf32>,
      %parallel_loop3A_96 = vector.extract_strided_slice %parallel_loop3A_71 {offsets = [1], sizes = [1], strides = [1]} : vector<16xf32> to vector<1xf32>
      %parallel_loop3A_97 = vector.extract %parallel_loop3A_96[0] : f32 from vector<1xf32>
      %parallel_loop3A_98 = arith.index_cast %parallel_loop3A_59 : i32 to index
      %parallel_loop3A_99 = arith.constant 32 : index
      %parallel_loop3A_100 = tpu.vector_load %arg12[%parallel_loop3A_98, %parallel_loop3A_99] {strides = array<i32>} : memref<80x128xf32, #tpu.memory_space<vmem>>, vector<16xf32>,
      %parallel_loop3A_101 = vector.broadcast %parallel_loop3A_97 : f32 to vector<16xf32>
      %parallel_loop3A_102 = arith.mulf %parallel_loop3A_100, %parallel_loop3A_101 : vector<16xf32>
      %parallel_loop3A_103 = arith.index_cast %parallel_loop3A_59 : i32 to index
      %parallel_loop3A_104 = arith.constant 32 : index
      %parallel_loop3A_105 = tpu.vector_load %arg18[%parallel_loop3A_103, %parallel_loop3A_104] {strides = array<i32>} : memref<80x144xf32, #tpu.memory_space<vmem>>, vector<16xf32>,
      tpu.vector_store %arg18[%parallel_loop3A_103, %parallel_loop3A_104], %parallel_loop3A_102 {strides = array<i32>} : memref<80x144xf32, #tpu.memory_space<vmem>>, vector<16xf32>,
      %parallel_loop3A_106 = vector.extract_strided_slice %parallel_loop3A_71 {offsets = [1], sizes = [1], strides = [1]} : vector<16xf32> to vector<1xf32>
      %parallel_loop3A_107 = vector.extract %parallel_loop3A_106[0] : f32 from vector<1xf32>
      %parallel_loop3A_108 = arith.index_cast %parallel_loop3A_59 : i32 to index
      %parallel_loop3A_109 = arith.constant 48 : index
      %parallel_loop3A_110 = tpu.vector_load %arg12[%parallel_loop3A_108, %parallel_loop3A_109] {strides = array<i32>} : memref<80x128xf32, #tpu.memory_space<vmem>>, vector<16xf32>,
      %parallel_loop3A_111 = vector.broadcast %parallel_loop3A_107 : f32 to vector<16xf32>
      %parallel_loop3A_112 = arith.mulf %parallel_loop3A_110, %parallel_loop3A_111 : vector<16xf32>
      %parallel_loop3A_113 = arith.index_cast %parallel_loop3A_59 : i32 to index
      %parallel_loop3A_114 = arith.constant 48 : index
      %parallel_loop3A_115 = tpu.vector_load %arg18[%parallel_loop3A_113, %parallel_loop3A_114] {strides = array<i32>} : memref<80x144xf32, #tpu.memory_space<vmem>>, vector<16xf32>,
      tpu.vector_store %arg18[%parallel_loop3A_113, %parallel_loop3A_114], %parallel_loop3A_112 {strides = array<i32>} : memref<80x144xf32, #tpu.memory_space<vmem>>, vector<16xf32>,
      %parallel_loop3A_116 = vector.extract_strided_slice %parallel_loop3A_71 {offsets = [2], sizes = [1], strides = [1]} : vector<16xf32> to vector<1xf32>
      %parallel_loop3A_117 = vector.extract %parallel_loop3A_116[0] : f32 from vector<1xf32>
      %parallel_loop3A_118 = arith.index_cast %parallel_loop3A_59 : i32 to index
      %parallel_loop3A_119 = arith.constant 64 : index
      %parallel_loop3A_120 = tpu.vector_load %arg12[%parallel_loop3A_118, %parallel_loop3A_119] {strides = array<i32>} : memref<80x128xf32, #tpu.memory_space<vmem>>, vector<16xf32>,
      %parallel_loop3A_121 = vector.broadcast %parallel_loop3A_117 : f32 to vector<16xf32>
      %parallel_loop3A_122 = arith.mulf %parallel_loop3A_120, %parallel_loop3A_121 : vector<16xf32>
      %parallel_loop3A_123 = arith.index_cast %parallel_loop3A_59 : i32 to index
      %parallel_loop3A_124 = arith.constant 64 : index
      %parallel_loop3A_125 = tpu.vector_load %arg18[%parallel_loop3A_123, %parallel_loop3A_124] {strides = array<i32>} : memref<80x144xf32, #tpu.memory_space<vmem>>, vector<16xf32>,
      tpu.vector_store %arg18[%parallel_loop3A_123, %parallel_loop3A_124], %parallel_loop3A_122 {strides = array<i32>} : memref<80x144xf32, #tpu.memory_space<vmem>>, vector<16xf32>,
      %parallel_loop3A_126 = vector.extract_strided_slice %parallel_loop3A_71 {offsets = [2], sizes = [1], strides = [1]} : vector<16xf32> to vector<1xf32>
      %parallel_loop3A_127 = vector.extract %parallel_loop3A_126[0] : f32 from vector<1xf32>
      %parallel_loop3A_128 = arith.index_cast %parallel_loop3A_59 : i32 to index
      %parallel_loop3A_129 = arith.constant 80 : index
      %parallel_loop3A_130 = tpu.vector_load %arg12[%parallel_loop3A_128, %parallel_loop3A_129] {strides = array<i32>} : memref<80x128xf32, #tpu.memory_space<vmem>>, vector<16xf32>,
      %parallel_loop3A_131 = vector.broadcast %parallel_loop3A_127 : f32 to vector<16xf32>
      %parallel_loop3A_132 = arith.mulf %parallel_loop3A_130, %parallel_loop3A_131 : vector<16xf32>
      %parallel_loop3A_133 = arith.index_cast %parallel_loop3A_59 : i32 to index
      %parallel_loop3A_134 = arith.constant 80 : index
      %parallel_loop3A_135 = tpu.vector_load %arg18[%parallel_loop3A_133, %parallel_loop3A_134] {strides = array<i32>} : memref<80x144xf32, #tpu.memory_space<vmem>>, vector<16xf32>,
      tpu.vector_store %arg18[%parallel_loop3A_133, %parallel_loop3A_134], %parallel_loop3A_132 {strides = array<i32>} : memref<80x144xf32, #tpu.memory_space<vmem>>, vector<16xf32>,
      %parallel_loop3A_136 = vector.extract_strided_slice %parallel_loop3A_71 {offsets = [3], sizes = [1], strides = [1]} : vector<16xf32> to vector<1xf32>
      %parallel_loop3A_137 = vector.extract %parallel_loop3A_136[0] : f32 from vector<1xf32>
      %parallel_loop3A_138 = arith.index_cast %parallel_loop3A_59 : i32 to index
      %parallel_loop3A_139 = arith.constant 96 : index
      %parallel_loop3A_140 = tpu.vector_load %arg12[%parallel_loop3A_138, %parallel_loop3A_139] {strides = array<i32>} : memref<80x128xf32, #tpu.memory_space<vmem>>, vector<16xf32>,
      %parallel_loop3A_141 = vector.broadcast %parallel_loop3A_137 : f32 to vector<16xf32>
      %parallel_loop3A_142 = arith.mulf %parallel_loop3A_140, %parallel_loop3A_141 : vector<16xf32>
      %parallel_loop3A_143 = arith.index_cast %parallel_loop3A_59 : i32 to index
      %parallel_loop3A_144 = arith.constant 96 : index
      %parallel_loop3A_145 = tpu.vector_load %arg18[%parallel_loop3A_143, %parallel_loop3A_144] {strides = array<i32>} : memref<80x144xf32, #tpu.memory_space<vmem>>, vector<16xf32>,
      tpu.vector_store %arg18[%parallel_loop3A_143, %parallel_loop3A_144], %parallel_loop3A_142 {strides = array<i32>} : memref<80x144xf32, #tpu.memory_space<vmem>>, vector<16xf32>,
      %parallel_loop3A_146 = vector.extract_strided_slice %parallel_loop3A_71 {offsets = [3], sizes = [1], strides = [1]} : vector<16xf32> to vector<1xf32>
      %parallel_loop3A_147 = vector.extract %parallel_loop3A_146[0] : f32 from vector<1xf32>
      %parallel_loop3A_148 = arith.index_cast %parallel_loop3A_59 : i32 to index
      %parallel_loop3A_149 = arith.constant 112 : index
      %parallel_loop3A_150 = tpu.vector_load %arg12[%parallel_loop3A_148, %parallel_loop3A_149] {strides = array<i32>} : memref<80x128xf32, #tpu.memory_space<vmem>>, vector<16xf32>,
      %parallel_loop3A_151 = vector.broadcast %parallel_loop3A_147 : f32 to vector<16xf32>
      %parallel_loop3A_152 = arith.mulf %parallel_loop3A_150, %parallel_loop3A_151 : vector<16xf32>
      %parallel_loop3A_153 = arith.index_cast %parallel_loop3A_59 : i32 to index
      %parallel_loop3A_154 = arith.constant 112 : index
      %parallel_loop3A_155 = tpu.vector_load %arg18[%parallel_loop3A_153, %parallel_loop3A_154] {strides = array<i32>} : memref<80x144xf32, #tpu.memory_space<vmem>>, vector<16xf32>,
      tpu.vector_store %arg18[%parallel_loop3A_153, %parallel_loop3A_154], %parallel_loop3A_152 {strides = array<i32>} : memref<80x144xf32, #tpu.memory_space<vmem>>, vector<16xf32>,
    } {sc.loop_unroll_factor = 4 : i64, sc.parallel_access}
    "tpu.region"() ({
      %run_scoped3A = tpu.sem_alloc : memref<!tpu.dma_semaphore, #tpu.memory_space<semaphore_mem>>
      %dma_start3A_59 = arith.constant 0 : i32
      %dma_start3A_60 = arith.constant 0 : i32
      %dma_start3A_61 = tpu.memref_slice %arg19[%dma_start3A_59, %dma_start3A_60] : memref<10000x144xf32, #tpu.memory_space<vmem_shared>> -> memref<10000x144xf32, #tpu.memory_space<vmem_shared>>
      tpu.enqueue_indirect_dma source(%arg18 : memref<80x144xf32, #tpu.memory_space<vmem>>) target(%dma_start3A_61 : memref<10000x144xf32, #tpu.memory_space<vmem_shared>>) offsets(%arg9 : memref<80xi32, #tpu.memory_space<vmem>>) semaphore(%run_scoped3A : memref<!tpu.dma_semaphore, #tpu.memory_space<semaphore_mem>>) {add = true}
      %dma_wait3A_62 = arith.constant 0 : i32
      %dma_wait3A_63 = arith.constant 0 : i32
      %dma_wait3A_64 = tpu.memref_slice %arg19[%dma_wait3A_62, %dma_wait3A_63] : memref<10000x144xf32, #tpu.memory_space<vmem_shared>> -> memref<10000x144xf32, #tpu.memory_space<vmem_shared>>
      tpu.wait_indirect_dma semaphore(%run_scoped3A : memref<!tpu.dma_semaphore, #tpu.memory_space<semaphore_mem>>) src(%arg18 : memref<80x144xf32, #tpu.memory_space<vmem>>) dst(%dma_wait3A_64 : memref<10000x144xf32, #tpu.memory_space<vmem_shared>>)
      tpu.yield
    }) : () -> ()
    %barrier3A_49 = arith.constant 0 : index
    tpu.barrier barrier_id(%barrier3A_49)
    %mul3A_50 = arith.constant 624 : i32
    %mul3A_51 = arith.muli %arg1, %mul3A_50 : i32
    %mul3A_52 = arith.constant 624 : i32
    %mul3A_53 = arith.muli %arg1, %mul3A_52 : i32
    "tpu.region"() ({
      %run_scoped3A = tpu.sem_alloc : memref<!tpu.dma_semaphore, #tpu.memory_space<semaphore_mem>>
      %dma_start3A_59 = arith.constant 0 : i32
      %dma_start3A_60 = tpu.memref_slice %arg7[%arg0, %mul3A_53, %dma_start3A_59] : memref<2x10000x144xf32, #tpu.memory_space<hbm>> -> memref<1x624x144xf32, #tpu.memory_space<hbm>>
      %dma_start3A_61 = tpu.memref_squeeze %dma_start3A_60 : memref<1x624x144xf32, #tpu.memory_space<hbm>> -> memref<624x144xf32, #tpu.memory_space<hbm>>
      %dma_start3A_62 = arith.constant 0 : i32
      %dma_start3A_63 = tpu.memref_slice %arg19[%mul3A_51, %dma_start3A_62] : memref<10000x144xf32, #tpu.memory_space<vmem_shared>> -> memref<624x144xf32, #tpu.memory_space<vmem_shared>>
      tpu.enqueue_dma source(%dma_start3A_63 : memref<624x144xf32, #tpu.memory_space<vmem_shared>>) target(%dma_start3A_61 : memref<624x144xf32, #tpu.memory_space<hbm>>) target_semaphore(%run_scoped3A : memref<!tpu.dma_semaphore, #tpu.memory_space<semaphore_mem>>)
      %dma_wait3A_64 = arith.constant 0 : i32
      %dma_wait3A_65 = tpu.memref_slice %arg7[%arg0, %mul3A_53, %dma_wait3A_64] : memref<2x10000x144xf32, #tpu.memory_space<hbm>> -> memref<1x624x144xf32, #tpu.memory_space<hbm>>
      %dma_wait3A_66 = tpu.memref_squeeze %dma_wait3A_65 : memref<1x624x144xf32, #tpu.memory_space<hbm>> -> memref<624x144xf32, #tpu.memory_space<hbm>>
      %dma_wait3A_67 = arith.constant 0 : i32
      %dma_wait3A_68 = tpu.memref_slice %arg19[%mul3A_51, %dma_wait3A_67] : memref<10000x144xf32, #tpu.memory_space<vmem_shared>> -> memref<624x144xf32, #tpu.memory_space<vmem_shared>>
      tpu.wait_dma2 semaphore(%run_scoped3A : memref<!tpu.dma_semaphore, #tpu.memory_space<semaphore_mem>>) src(%dma_wait3A_68 : memref<624x144xf32, #tpu.memory_space<vmem_shared>>) dst(%dma_wait3A_66 : memref<624x144xf32, #tpu.memory_space<hbm>>)
      tpu.yield
    }) : () -> ()
    %eq3A_54 = arith.constant 15 : i32
    %eq3A_55 = arith.cmpi eq, %arg1, %eq3A_54 : i32
    %convert_element_type3A_56 = arith.extui %eq3A_55 : i1 to i32
    %cond3A_57 = arith.constant 0 : i32
    %cond3A_58 = arith.cmpi ne, %convert_element_type3A_56, %cond3A_57 : i32
    scf.if %cond3A_58 {
      "tpu.region"() ({
        %run_scoped3A = tpu.sem_alloc : memref<!tpu.dma_semaphore, #tpu.memory_space<semaphore_mem>>
        %dma_start3A_59 = arith.constant 9984 : i32
        %dma_start3A_60 = arith.constant 0 : i32
        %dma_start3A_61 = tpu.memref_slice %arg7[%arg0, %dma_start3A_59, %dma_start3A_60] : memref<2x10000x144xf32, #tpu.memory_space<hbm>> -> memref<1x16x144xf32, #tpu.memory_space<hbm>>
        %dma_start3A_62 = tpu.memref_squeeze %dma_start3A_61 : memref<1x16x144xf32, #tpu.memory_space<hbm>> -> memref<16x144xf32, #tpu.memory_space<hbm>>
        %dma_start3A_63 = arith.constant 9984 : i32
        %dma_start3A_64 = arith.constant 0 : i32
        %dma_start3A_65 = tpu.memref_slice %arg19[%dma_start3A_63, %dma_start3A_64] : memref<10000x144xf32, #tpu.memory_space<vmem_shared>> -> memref<16x144xf32, #tpu.memory_space<vmem_shared>>
        tpu.enqueue_dma source(%dma_start3A_65 : memref<16x144xf32, #tpu.memory_space<vmem_shared>>) target(%dma_start3A_62 : memref<16x144xf32, #tpu.memory_space<hbm>>) target_semaphore(%run_scoped3A : memref<!tpu.dma_semaphore, #tpu.memory_space<semaphore_mem>>)
        %dma_wait3A_66 = arith.constant 9984 : i32
        %dma_wait3A_67 = arith.constant 0 : i32
        %dma_wait3A_68 = tpu.memref_slice %arg7[%arg0, %dma_wait3A_66, %dma_wait3A_67] : memref<2x10000x144xf32, #tpu.memory_space<hbm>> -> memref<1x16x144xf32, #tpu.memory_space<hbm>>
        %dma_wait3A_69 = tpu.memref_squeeze %dma_wait3A_68 : memref<1x16x144xf32, #tpu.memory_space<hbm>> -> memref<16x144xf32, #tpu.memory_space<hbm>>
        %dma_wait3A_70 = arith.constant 9984 : i32
        %dma_wait3A_71 = arith.constant 0 : i32
        %dma_wait3A_72 = tpu.memref_slice %arg19[%dma_wait3A_70, %dma_wait3A_71] : memref<10000x144xf32, #tpu.memory_space<vmem_shared>> -> memref<16x144xf32, #tpu.memory_space<vmem_shared>>
        tpu.wait_dma2 semaphore(%run_scoped3A : memref<!tpu.dma_semaphore, #tpu.memory_space<semaphore_mem>>) src(%dma_wait3A_72 : memref<16x144xf32, #tpu.memory_space<vmem_shared>>) dst(%dma_wait3A_69 : memref<16x144xf32, #tpu.memory_space<hbm>>)
        tpu.yield
      }) : () -> ()
    } else {
    }
    return
  }
}

module attributes {stable_mosaic.version = 14 : i64} {
  func.func @_pre_body(%arg0: i32, %arg1: memref<1000x128xf32, #tpu.memory_space<vmem>>, %arg2: memref<128x128xf32, #tpu.memory_space<vmem>>, %arg3: memref<128x8xf32, #tpu.memory_space<vmem>>, %arg4: memref<1000x128xf32, #tpu.memory_space<vmem>>, %arg5: memref<1000x8xf32, #tpu.memory_space<vmem>>, %arg6: memref<1000x16xf32, #tpu.memory_space<vmem>>, %arg7: memref<1000x16xf32, #tpu.memory_space<vmem>>) attributes {dimension_semantics = [#tpu.dimension_semantics<arbitrary>], iteration_bounds = array<i64: 10>, scalar_prefetch = 0 : i64, scratch_operands = 0 : i64, tpu.core_type = #tpu.core_type<tc>, window_params = [{transform_indices = @transform_0, window_bounds = array<i64: 1000, 128>}, {pipeline_mode = #tpu.pipeline_mode<synchronous>, transform_indices = @transform_1, window_bounds = array<i64: 128, 128>}, {pipeline_mode = #tpu.pipeline_mode<synchronous>, transform_indices = @transform_2, window_bounds = array<i64: 128, 8>}, {transform_indices = @transform_3, window_bounds = array<i64: 1000, 128>}, {transform_indices = @transform_4, window_bounds = array<i64: 1000, 8>}, {transform_indices = @transform_5, window_bounds = array<i64: 1000, 16>}, {transform_indices = @transform_6, window_bounds = array<i64: 1000, 16>}]} {
    %get3A = arith.constant 0 : index
    %get3A_0 = arith.constant 0 : index
    %get3A_1 = vector.load %arg1[%get3A, %get3A_0] : memref<1000x128xf32, #tpu.memory_space<vmem>>, vector<1000x128xf32>
    %get3A_2 = arith.constant 0 : index
    %get3A_3 = arith.constant 0 : index
    %get3A_4 = vector.load %arg2[%get3A_2, %get3A_3] : memref<128x128xf32, #tpu.memory_space<vmem>>, vector<128x128xf32>
    %dot_general3A = arith.constant dense<0.000000e+00> : vector<1000x128xf32>
    %dot_general3A_5 = tpu.matmul %get3A_1, %get3A_4, %dot_general3A {dimension_numbers = #tpu.dot_dimension_numbers<[1], [0], [0], [1], [0, 0, 1, 1], [], []>, transpose_lhs_hint = false} : vector<1000x128xf32>, vector<128x128xf32>, vector<1000x128xf32> -> vector<1000x128xf32>
    %swap3A = arith.constant 0 : index
    %swap3A_6 = arith.constant 0 : index
    %swap3A_7 = vector.load %arg4[%swap3A, %swap3A_6] : memref<1000x128xf32, #tpu.memory_space<vmem>>, vector<1000x128xf32>
    tpu.vector_store %arg4[%swap3A, %swap3A_6], %dot_general3A_5 {strides = array<i32>} : memref<1000x128xf32, #tpu.memory_space<vmem>>, vector<1000x128xf32>,
    %get3A_8 = arith.constant 0 : index
    %get3A_9 = arith.constant 0 : index
    %get3A_10 = vector.load %arg3[%get3A_8, %get3A_9] : memref<128x8xf32, #tpu.memory_space<vmem>>, vector<128x8xf32>
    %dot_general3A_11 = arith.constant dense<0.000000e+00> : vector<1000x8xf32>
    %dot_general3A_12 = tpu.matmul %dot_general3A_5, %get3A_10, %dot_general3A_11 {dimension_numbers = #tpu.dot_dimension_numbers<[1], [0], [0], [1], [0, 0, 1, 1], [], []>, transpose_lhs_hint = false} : vector<1000x128xf32>, vector<128x8xf32>, vector<1000x8xf32> -> vector<1000x8xf32>
    %swap3A_13 = arith.constant 0 : index
    %swap3A_14 = arith.constant 0 : index
    %swap3A_15 = vector.load %arg5[%swap3A_13, %swap3A_14] : memref<1000x8xf32, #tpu.memory_space<vmem>>, vector<1000x8xf32>
    tpu.vector_store %arg5[%swap3A_13, %swap3A_14], %dot_general3A_12 {strides = array<i32>} : memref<1000x8xf32, #tpu.memory_space<vmem>>, vector<1000x8xf32>,
    %broadcast_in_dim3A = arith.constant 0.000000e+00 : f32
    %broadcast_in_dim3A_16 = vector.broadcast %broadcast_in_dim3A : f32 to vector<1000x12xf32>
    %slice3A = vector.extract_strided_slice %dot_general3A_12 {offsets = [0, 0], sizes = [1000, 4], strides = [1, 1]} : vector<1000x8xf32> to vector<1000x4xf32>
    %concatenate3A = tpu.concatenate %slice3A, %broadcast_in_dim3A_16 in 1 : vector<1000x4xf32>, vector<1000x12xf32> -> vector<1000x16xf32>
    %swap3A_17 = arith.constant 0 : index
    %swap3A_18 = arith.constant 0 : index
    %swap3A_19 = vector.load %arg6[%swap3A_17, %swap3A_18] : memref<1000x16xf32, #tpu.memory_space<vmem>>, vector<1000x16xf32>
    tpu.vector_store %arg6[%swap3A_17, %swap3A_18], %concatenate3A {strides = array<i32>} : memref<1000x16xf32, #tpu.memory_space<vmem>>, vector<1000x16xf32>,
    %slice3A_20 = vector.extract_strided_slice %dot_general3A_12 {offsets = [0, 4], sizes = [1000, 4], strides = [1, 1]} : vector<1000x8xf32> to vector<1000x4xf32>
    %concatenate3A_21 = tpu.concatenate %slice3A_20, %broadcast_in_dim3A_16 in 1 : vector<1000x4xf32>, vector<1000x12xf32> -> vector<1000x16xf32>
    %swap3A_22 = arith.constant 0 : index
    %swap3A_23 = arith.constant 0 : index
    %swap3A_24 = vector.load %arg7[%swap3A_22, %swap3A_23] : memref<1000x16xf32, #tpu.memory_space<vmem>>, vector<1000x16xf32>
    tpu.vector_store %arg7[%swap3A_22, %swap3A_23], %concatenate3A_21 {strides = array<i32>} : memref<1000x16xf32, #tpu.memory_space<vmem>>, vector<1000x16xf32>,
    return
  }
  func.func @transform_0(%arg0: i32) -> (i32, i32) {
    %c0_i32 = arith.constant 0 : i32
    %c0_i32_0 = arith.constant 0 : i32
    return %arg0, %c0_i32 : i32, i32
  }
  func.func @transform_1(%arg0: i32) -> (i32, i32) {
    %c0_i32 = arith.constant 0 : i32
    %c0_i32_0 = arith.constant 0 : i32
    %c0_i32_1 = arith.constant 0 : i32
    return %c0_i32, %c0_i32_0 : i32, i32
  }
  func.func @transform_2(%arg0: i32) -> (i32, i32) {
    %c0_i32 = arith.constant 0 : i32
    %c0_i32_0 = arith.constant 0 : i32
    %c0_i32_1 = arith.constant 0 : i32
    return %c0_i32, %c0_i32_0 : i32, i32
  }
  func.func @transform_3(%arg0: i32) -> (i32, i32) {
    %c0_i32 = arith.constant 0 : i32
    %c0_i32_0 = arith.constant 0 : i32
    return %arg0, %c0_i32 : i32, i32
  }
  func.func @transform_4(%arg0: i32) -> (i32, i32) {
    %c0_i32 = arith.constant 0 : i32
    %c0_i32_0 = arith.constant 0 : i32
    return %arg0, %c0_i32 : i32, i32
  }
  func.func @transform_5(%arg0: i32) -> (i32, i32) {
    %c0_i32 = arith.constant 0 : i32
    %c0_i32_0 = arith.constant 0 : i32
    return %arg0, %c0_i32 : i32, i32
  }
  func.func @transform_6(%arg0: i32) -> (i32, i32) {
    %c0_i32 = arith.constant 0 : i32
    %c0_i32_0 = arith.constant 0 : i32
    return %arg0, %c0_i32 : i32, i32
  }
}

module attributes {stable_mosaic.version = 14 : i64} {
  func.func @_post_body(%arg0: i32, %arg1: memref<2x1000x144xf32, #tpu.memory_space<vmem>>, %arg2: memref<1000x128xf32, #tpu.memory_space<vmem>>, %arg3: memref<1000x8xf32, #tpu.memory_space<vmem>>, %arg4: memref<1x128xf32, #tpu.memory_space<vmem>>, %arg5: memref<1x128xf32, #tpu.memory_space<vmem>>, %arg6: memref<1x128xf32, #tpu.memory_space<vmem>>, %arg7: memref<1000x128xf32, #tpu.memory_space<vmem>>) attributes {dimension_semantics = [#tpu.dimension_semantics<arbitrary>], iteration_bounds = array<i64: 10>, scalar_prefetch = 0 : i64, scratch_operands = 0 : i64, tpu.core_type = #tpu.core_type<tc>, window_params = [{transform_indices = @transform_0, window_bounds = array<i64: 2, 1000, 144>}, {transform_indices = @transform_1, window_bounds = array<i64: 1000, 128>}, {transform_indices = @transform_2, window_bounds = array<i64: 1000, 8>}, {pipeline_mode = #tpu.pipeline_mode<synchronous>, transform_indices = @transform_3, window_bounds = array<i64: 1, 128>}, {pipeline_mode = #tpu.pipeline_mode<synchronous>, transform_indices = @transform_4, window_bounds = array<i64: 1, 128>}, {pipeline_mode = #tpu.pipeline_mode<synchronous>, transform_indices = @transform_5, window_bounds = array<i64: 1, 128>}, {transform_indices = @transform_6, window_bounds = array<i64: 1000, 128>}]} {
    %get3A = arith.constant 0 : index
    %get3A_0 = arith.constant 0 : index
    %get3A_1 = vector.load %arg2[%get3A, %get3A_0] : memref<1000x128xf32, #tpu.memory_space<vmem>>, vector<1000x128xf32>
    %get3A_2 = arith.constant 0 : index
    %get3A_3 = arith.constant 0 : index
    %get3A_4 = vector.load %arg3[%get3A_2, %get3A_3] : memref<1000x8xf32, #tpu.memory_space<vmem>>, vector<1000x8xf32>
    %get3A_5 = arith.constant 0 : index
    %get3A_6 = arith.constant 0 : index
    %get3A_7 = arith.constant 0 : index
    %get3A_8 = vector.load %arg1[%get3A_5, %get3A_6, %get3A_7] : memref<2x1000x144xf32, #tpu.memory_space<vmem>>, vector<1x1000x144xf32>
    %get3A_9 = vector.shape_cast %get3A_8 : vector<1x1000x144xf32> to vector<1000x144xf32>
    %get3A_10 = arith.constant 1 : index
    %get3A_11 = arith.constant 0 : index
    %get3A_12 = arith.constant 0 : index
    %get3A_13 = vector.load %arg1[%get3A_10, %get3A_11, %get3A_12] : memref<2x1000x144xf32, #tpu.memory_space<vmem>>, vector<1x1000x144xf32>
    %get3A_14 = vector.shape_cast %get3A_13 : vector<1x1000x144xf32> to vector<1000x144xf32>
    %add3A = arith.addf %get3A_9, %get3A_14 : vector<1000x144xf32>
    %slice3A = vector.extract_strided_slice %get3A_4 {offsets = [0, 0], sizes = [1000, 1], strides = [1, 1]} : vector<1000x8xf32> to vector<1000x1xf32>
    %slice3A_15 = vector.extract_strided_slice %get3A_4 {offsets = [0, 4], sizes = [1000, 1], strides = [1, 1]} : vector<1000x8xf32> to vector<1000x1xf32>
    %add3A_16 = arith.addf %slice3A, %slice3A_15 : vector<1000x1xf32>
    %mul3A = arith.constant 2.000000e-01 : f32
    %mul3A_17 = vector.broadcast %mul3A : f32 to vector<1000x1xf32>
    %mul3A_18 = arith.mulf %mul3A_17, %add3A_16 : vector<1000x1xf32>
    %max3A = arith.maximumf %add3A_16, %mul3A_18 : vector<1000x1xf32>
    %exp3A = math.exp %max3A : vector<1000x1xf32>
    %slice3A_19 = vector.extract_strided_slice %add3A {offsets = [0, 128], sizes = [1000, 1], strides = [1, 1]} : vector<1000x144xf32> to vector<1000x1xf32>
    %add3A_20 = arith.addf %slice3A_19, %exp3A : vector<1000x1xf32>
    %slice3A_21 = vector.extract_strided_slice %add3A {offsets = [0, 0], sizes = [1000, 32], strides = [1, 1]} : vector<1000x144xf32> to vector<1000x32xf32>
    %slice3A_22 = vector.extract_strided_slice %get3A_1 {offsets = [0, 0], sizes = [1000, 32], strides = [1, 1]} : vector<1000x128xf32> to vector<1000x32xf32>
    %mul3A_23 = vector.broadcast %exp3A : vector<1000x1xf32> to vector<1000x32xf32>
    %mul3A_24 = arith.mulf %slice3A_22, %mul3A_23 : vector<1000x32xf32>
    %add3A_25 = arith.addf %slice3A_21, %mul3A_24 : vector<1000x32xf32>
    %div3A = vector.broadcast %add3A_20 : vector<1000x1xf32> to vector<1000x32xf32>
    %div3A_26 = arith.divf %add3A_25, %div3A : vector<1000x32xf32>
    %slice3A_27 = vector.extract_strided_slice %get3A_4 {offsets = [0, 1], sizes = [1000, 1], strides = [1, 1]} : vector<1000x8xf32> to vector<1000x1xf32>
    %slice3A_28 = vector.extract_strided_slice %get3A_4 {offsets = [0, 5], sizes = [1000, 1], strides = [1, 1]} : vector<1000x8xf32> to vector<1000x1xf32>
    %add3A_29 = arith.addf %slice3A_27, %slice3A_28 : vector<1000x1xf32>
    %mul3A_30 = arith.constant 2.000000e-01 : f32
    %mul3A_31 = vector.broadcast %mul3A_30 : f32 to vector<1000x1xf32>
    %mul3A_32 = arith.mulf %mul3A_31, %add3A_29 : vector<1000x1xf32>
    %max3A_33 = arith.maximumf %add3A_29, %mul3A_32 : vector<1000x1xf32>
    %exp3A_34 = math.exp %max3A_33 : vector<1000x1xf32>
    %slice3A_35 = vector.extract_strided_slice %add3A {offsets = [0, 129], sizes = [1000, 1], strides = [1, 1]} : vector<1000x144xf32> to vector<1000x1xf32>
    %add3A_36 = arith.addf %slice3A_35, %exp3A_34 : vector<1000x1xf32>
    %slice3A_37 = vector.extract_strided_slice %add3A {offsets = [0, 32], sizes = [1000, 32], strides = [1, 1]} : vector<1000x144xf32> to vector<1000x32xf32>
    %slice3A_38 = vector.extract_strided_slice %get3A_1 {offsets = [0, 32], sizes = [1000, 32], strides = [1, 1]} : vector<1000x128xf32> to vector<1000x32xf32>
    %mul3A_39 = vector.broadcast %exp3A_34 : vector<1000x1xf32> to vector<1000x32xf32>
    %mul3A_40 = arith.mulf %slice3A_38, %mul3A_39 : vector<1000x32xf32>
    %add3A_41 = arith.addf %slice3A_37, %mul3A_40 : vector<1000x32xf32>
    %div3A_42 = vector.broadcast %add3A_36 : vector<1000x1xf32> to vector<1000x32xf32>
    %div3A_43 = arith.divf %add3A_41, %div3A_42 : vector<1000x32xf32>
    %slice3A_44 = vector.extract_strided_slice %get3A_4 {offsets = [0, 2], sizes = [1000, 1], strides = [1, 1]} : vector<1000x8xf32> to vector<1000x1xf32>
    %slice3A_45 = vector.extract_strided_slice %get3A_4 {offsets = [0, 6], sizes = [1000, 1], strides = [1, 1]} : vector<1000x8xf32> to vector<1000x1xf32>
    %add3A_46 = arith.addf %slice3A_44, %slice3A_45 : vector<1000x1xf32>
    %mul3A_47 = arith.constant 2.000000e-01 : f32
    %mul3A_48 = vector.broadcast %mul3A_47 : f32 to vector<1000x1xf32>
    %mul3A_49 = arith.mulf %mul3A_48, %add3A_46 : vector<1000x1xf32>
    %max3A_50 = arith.maximumf %add3A_46, %mul3A_49 : vector<1000x1xf32>
    %exp3A_51 = math.exp %max3A_50 : vector<1000x1xf32>
    %slice3A_52 = vector.extract_strided_slice %add3A {offsets = [0, 130], sizes = [1000, 1], strides = [1, 1]} : vector<1000x144xf32> to vector<1000x1xf32>
    %add3A_53 = arith.addf %slice3A_52, %exp3A_51 : vector<1000x1xf32>
    %slice3A_54 = vector.extract_strided_slice %add3A {offsets = [0, 64], sizes = [1000, 32], strides = [1, 1]} : vector<1000x144xf32> to vector<1000x32xf32>
    %slice3A_55 = vector.extract_strided_slice %get3A_1 {offsets = [0, 64], sizes = [1000, 32], strides = [1, 1]} : vector<1000x128xf32> to vector<1000x32xf32>
    %mul3A_56 = vector.broadcast %exp3A_51 : vector<1000x1xf32> to vector<1000x32xf32>
    %mul3A_57 = arith.mulf %slice3A_55, %mul3A_56 : vector<1000x32xf32>
    %add3A_58 = arith.addf %slice3A_54, %mul3A_57 : vector<1000x32xf32>
    %div3A_59 = vector.broadcast %add3A_53 : vector<1000x1xf32> to vector<1000x32xf32>
    %div3A_60 = arith.divf %add3A_58, %div3A_59 : vector<1000x32xf32>
    %slice3A_61 = vector.extract_strided_slice %get3A_4 {offsets = [0, 3], sizes = [1000, 1], strides = [1, 1]} : vector<1000x8xf32> to vector<1000x1xf32>
    %slice3A_62 = vector.extract_strided_slice %get3A_4 {offsets = [0, 7], sizes = [1000, 1], strides = [1, 1]} : vector<1000x8xf32> to vector<1000x1xf32>
    %add3A_63 = arith.addf %slice3A_61, %slice3A_62 : vector<1000x1xf32>
    %mul3A_64 = arith.constant 2.000000e-01 : f32
    %mul3A_65 = vector.broadcast %mul3A_64 : f32 to vector<1000x1xf32>
    %mul3A_66 = arith.mulf %mul3A_65, %add3A_63 : vector<1000x1xf32>
    %max3A_67 = arith.maximumf %add3A_63, %mul3A_66 : vector<1000x1xf32>
    %exp3A_68 = math.exp %max3A_67 : vector<1000x1xf32>
    %slice3A_69 = vector.extract_strided_slice %add3A {offsets = [0, 131], sizes = [1000, 1], strides = [1, 1]} : vector<1000x144xf32> to vector<1000x1xf32>
    %add3A_70 = arith.addf %slice3A_69, %exp3A_68 : vector<1000x1xf32>
    %slice3A_71 = vector.extract_strided_slice %add3A {offsets = [0, 96], sizes = [1000, 32], strides = [1, 1]} : vector<1000x144xf32> to vector<1000x32xf32>
    %slice3A_72 = vector.extract_strided_slice %get3A_1 {offsets = [0, 96], sizes = [1000, 32], strides = [1, 1]} : vector<1000x128xf32> to vector<1000x32xf32>
    %mul3A_73 = vector.broadcast %exp3A_68 : vector<1000x1xf32> to vector<1000x32xf32>
    %mul3A_74 = arith.mulf %slice3A_72, %mul3A_73 : vector<1000x32xf32>
    %add3A_75 = arith.addf %slice3A_71, %mul3A_74 : vector<1000x32xf32>
    %div3A_76 = vector.broadcast %add3A_70 : vector<1000x1xf32> to vector<1000x32xf32>
    %div3A_77 = arith.divf %add3A_75, %div3A_76 : vector<1000x32xf32>
    %concatenate3A = tpu.concatenate %div3A_26, %div3A_43, %div3A_60, %div3A_77 in 1 : vector<1000x32xf32>, vector<1000x32xf32>, vector<1000x32xf32>, vector<1000x32xf32> -> vector<1000x128xf32>
    %get3A_78 = arith.constant 0 : index
    %get3A_79 = arith.constant 0 : index
    %get3A_80 = vector.load %arg4[%get3A_78, %get3A_79] : memref<1x128xf32, #tpu.memory_space<vmem>>, vector<1x128xf32>
    %add3A_81 = vector.broadcast %get3A_80 : vector<1x128xf32> to vector<1000x128xf32>
    %add3A_82 = arith.addf %concatenate3A, %add3A_81 : vector<1000x128xf32>
    %mul3A_83 = arith.mulf %add3A_82, %add3A_82 : vector<1000x128xf32>
    %add3A_84 = arith.constant 9.99999996E-13 : f32
    %add3A_85 = vector.broadcast %add3A_84 : f32 to vector<1000x128xf32>
    %add3A_86 = arith.addf %mul3A_83, %add3A_85 : vector<1000x128xf32>
    %sqrt3A = math.sqrt %add3A_86 : vector<1000x128xf32>
    %reduce_sum3A = arith.constant dense<0.000000e+00> : vector<1000xf32>
    %reduce_sum3A_87 = vector.multi_reduction <add>, %sqrt3A, %reduce_sum3A [1] : vector<1000x128xf32> to vector<1000xf32>
    %broadcast_in_dim3A = vector.shape_cast %reduce_sum3A_87 : vector<1000xf32> to vector<1000x1xf32>
    %div3A_88 = arith.constant 1.280000e+02 : f32
    %div3A_89 = vector.broadcast %div3A_88 : f32 to vector<1000x1xf32>
    %div3A_90 = arith.divf %broadcast_in_dim3A, %div3A_89 : vector<1000x1xf32>
    %sub3A = vector.broadcast %div3A_90 : vector<1000x1xf32> to vector<1000x128xf32>
    %sub3A_91 = arith.subf %sqrt3A, %sub3A : vector<1000x128xf32>
    %integer_pow3A = arith.mulf %sub3A_91, %sub3A_91 : vector<1000x128xf32>
    %reduce_sum3A_92 = arith.constant dense<0.000000e+00> : vector<1000xf32>
    %reduce_sum3A_93 = vector.multi_reduction <add>, %integer_pow3A, %reduce_sum3A_92 [1] : vector<1000x128xf32> to vector<1000xf32>
    %broadcast_in_dim3A_94 = vector.shape_cast %reduce_sum3A_93 : vector<1000xf32> to vector<1000x1xf32>
    %div3A_95 = arith.constant 1.280000e+02 : f32
    %div3A_96 = vector.broadcast %div3A_95 : f32 to vector<1000x1xf32>
    %div3A_97 = arith.divf %broadcast_in_dim3A_94, %div3A_96 : vector<1000x1xf32>
    %sub3A_98 = vector.broadcast %div3A_90 : vector<1000x1xf32> to vector<1000x128xf32>
    %sub3A_99 = arith.subf %sqrt3A, %sub3A_98 : vector<1000x128xf32>
    %add3A_100 = arith.constant 9.99999974E-6 : f32
    %add3A_101 = vector.broadcast %add3A_100 : f32 to vector<1000x1xf32>
    %add3A_102 = arith.addf %div3A_97, %add3A_101 : vector<1000x1xf32>
    %rsqrt3A = math.rsqrt %add3A_102 : vector<1000x1xf32>
    %mul3A_103 = vector.broadcast %rsqrt3A : vector<1000x1xf32> to vector<1000x128xf32>
    %mul3A_104 = arith.mulf %sub3A_99, %mul3A_103 : vector<1000x128xf32>
    %get3A_105 = arith.constant 0 : index
    %get3A_106 = arith.constant 0 : index
    %get3A_107 = vector.load %arg5[%get3A_105, %get3A_106] : memref<1x128xf32, #tpu.memory_space<vmem>>, vector<1x128xf32>
    %mul3A_108 = vector.broadcast %get3A_107 : vector<1x128xf32> to vector<1000x128xf32>
    %mul3A_109 = arith.mulf %mul3A_104, %mul3A_108 : vector<1000x128xf32>
    %get3A_110 = arith.constant 0 : index
    %get3A_111 = arith.constant 0 : index
    %get3A_112 = vector.load %arg6[%get3A_110, %get3A_111] : memref<1x128xf32, #tpu.memory_space<vmem>>, vector<1x128xf32>
    %add3A_113 = vector.broadcast %get3A_112 : vector<1x128xf32> to vector<1000x128xf32>
    %add3A_114 = arith.addf %mul3A_109, %add3A_113 : vector<1000x128xf32>
    %mul3A_115 = arith.constant 5.000000e-01 : f32
    %mul3A_116 = vector.broadcast %mul3A_115 : f32 to vector<1000x128xf32>
    %mul3A_117 = arith.mulf %add3A_114, %mul3A_116 : vector<1000x128xf32>
    %div3A_118 = arith.constant 1.41421354 : f32
    %div3A_119 = vector.broadcast %div3A_118 : f32 to vector<1000x128xf32>
    %div3A_120 = arith.divf %add3A_114, %div3A_119 : vector<1000x128xf32>
    %erf3A = math.erf %div3A_120 : vector<1000x128xf32>
    %add3A_121 = arith.constant 1.000000e+00 : f32
    %add3A_122 = vector.broadcast %add3A_121 : f32 to vector<1000x128xf32>
    %add3A_123 = arith.addf %add3A_122, %erf3A : vector<1000x128xf32>
    %mul3A_124 = arith.mulf %mul3A_117, %add3A_123 : vector<1000x128xf32>
    %swap3A = arith.constant 0 : index
    %swap3A_125 = arith.constant 0 : index
    %swap3A_126 = vector.load %arg7[%swap3A, %swap3A_125] : memref<1000x128xf32, #tpu.memory_space<vmem>>, vector<1000x128xf32>
    tpu.vector_store %arg7[%swap3A, %swap3A_125], %mul3A_124 {strides = array<i32>} : memref<1000x128xf32, #tpu.memory_space<vmem>>, vector<1000x128xf32>,
    return
  }
  func.func @transform_0(%arg0: i32) -> (i32, i32, i32) {
    %c0_i32 = arith.constant 0 : i32
    %c0_i32_0 = arith.constant 0 : i32
    %c0_i32_1 = arith.constant 0 : i32
    return %c0_i32, %arg0, %c0_i32_0 : i32, i32, i32
  }
  func.func @transform_1(%arg0: i32) -> (i32, i32) {
    %c0_i32 = arith.constant 0 : i32
    %c0_i32_0 = arith.constant 0 : i32
    return %arg0, %c0_i32 : i32, i32
  }
  func.func @transform_2(%arg0: i32) -> (i32, i32) {
    %c0_i32 = arith.constant 0 : i32
    %c0_i32_0 = arith.constant 0 : i32
    return %arg0, %c0_i32 : i32, i32
  }
  func.func @transform_3(%arg0: i32) -> (i32, i32) {
    %c0_i32 = arith.constant 0 : i32
    %c0_i32_0 = arith.constant 0 : i32
    %c0_i32_1 = arith.constant 0 : i32
    return %c0_i32, %c0_i32_0 : i32, i32
  }
  func.func @transform_4(%arg0: i32) -> (i32, i32) {
    %c0_i32 = arith.constant 0 : i32
    %c0_i32_0 = arith.constant 0 : i32
    %c0_i32_1 = arith.constant 0 : i32
    return %c0_i32, %c0_i32_0 : i32, i32
  }
  func.func @transform_5(%arg0: i32) -> (i32, i32) {
    %c0_i32 = arith.constant 0 : i32
    %c0_i32_0 = arith.constant 0 : i32
    %c0_i32_1 = arith.constant 0 : i32
    return %c0_i32, %c0_i32_0 : i32, i32
  }
  func.func @transform_6(%arg0: i32) -> (i32, i32) {
    %c0_i32 = arith.constant 0 : i32
    %c0_i32_0 = arith.constant 0 : i32
    return %arg0, %c0_i32 : i32, i32
  }
}

</mosaic_0001>

<sc_bundles>
// kernel: kernel.5.cloned.1.call-start
scs
__scs_entry_jumppad:
0x0: {  	(pc) =	sbr.rel $0x88, $3  }
0x1: {  	(tag) =	ssettag $0x0;
	lr =	simm.s32 $0x1  }
0x2: {  	[smem:$0x3F99] =	sst lr;
	_ =	strace $0xD0000000  }
0x3: {  	_ = 	snop  }
0x4: {  	_ = 	snop  }
0x5: {  	_ = 	snop  }
0x6: {  	_ = 	snop  }
0x7: {  	_ = 	snop  }
__scs_overlays_trampoline_lowered:
0x8: {  	[smem:$0x3FA8] =	sst s0  }
0x9: {  	[smem:$0x3FA9] =	sst s1  }
0xa: {  	[smem:$0x3FAA] =	sst s2  }
0xb: {  	[smem:$0x3FAB] =	sst s3  }
0xc: {  	[smem:$0x3FAC] =	sst s4  }
0xd: {  	[smem:$0x3FAD] =	sst s5  }
0xe: {  	[smem:$0x3FAE] =	sst s6  }
0xf: {  	[smem:$0x3FAF] =	sst s7  }
0x10: {  	[smem:$0x3FB0] =	sst s8  }
0x11: {  	[smem:$0x3FB1] =	sst s9;
	s0 =	simm.s32 @!p0 $0x0  }
0x12: {  	s1 =	sld [smem:$0x3F97];
	s0 =	simm.s32 @p0 $0x1  }
0x13: {  	[smem:$0x3FB2] =	sst s0;
	s0 =	simm.s32 @!p1 $0x0  }
0x14: {  	s2 =	sld [smem:$0x3F96];
	s0 =	simm.s32 @p1 $0x1  }
0x15: {  	[smem:$0x3FB3] =	sst s0;
	s0 =	simm.s32 @!p2 $0x0  }
0x16: {  	s3 =	sld [smem:$0x3FDB];
	s0 =	simm.s32 @p2 $0x1  }
0x17: {  	s4 =	simm.s32 $0x1BF5;
	[smem:$0x3FB5] =	sst s0  }
0x18: {  	s0 =	sld [smem:$0x3F98];
	_ =	swait.ge [sflag:s4], $0x0  }
0x19: {  	s7 =	sld [smem:$0x3F99]  }
0x1a: {  	s8 =	sadd.s32 $0xFFFFE003, lr  }
0x1b: {  	s9 =	sadd.s32 $0xFFFFFEF7, lr;
	s5 =	simm.s32 $0xFFFFFFFF;
	p2 =	slt.u32 s8, $0xFFFFF086  }
0x1c: {  	p1 =	slt.u32 s9, $0xF7A;
	s5 =	simm.s32 @!p2 $0x0  }
0x1d: {  	s5 =	simm.s32 @p1 $0x1;
	p0 =	seq.s32 s7, s2  }
0x1e: {  	s7 =	smul.u32 @!p0 $0xF7A, s2;
	p2 =	seq.s32 @!p0 s5, $0x0  }
0x1f: {  	s9 =	smul.u32 $0xF7A, s1;
	s8 =	simm.s32 @!p0 $0x1BF5;
	p2 =	por !p2, p0  }
0x20: {  	[sflag:s8] =	ssyncset.s32 @!p0 $0xFFFFF086;
	s6 =	sadd.s32 @!p0 s3, s7;
	s7 =	simm.s32 @!p0 $0x108  }
0x21: {  	s3 =	sadd.s32 s3, s9;
	s6 =	sadd.s32 @!p0 $0x88, s6;
	s7 =	simm.s32 @p2 $0x1082  }
0x22: {  	[simem:s7], [sflag:s8] =	dma.local @!p0 [hbm:s6], $0xF7A  }
0x23: {  	s9 =	sor.u32 $0xD0000000, s2;
	s6 =	simm.s32 $0x108;
	_ =	swait.ge @!p0 [sflag:s8], $0x0  }
0x24: {  	s3 =	sadd.s32 $0x88, s3;
	s6 =	simm.s32 @!p1 $0x1082;
	[sflag:s4] =	ssyncset.s32 $0xFFFFF086  }
0x25: {  	[simem:s6], [sflag:s4] =	dma.local [hbm:s3], $0xF7A  }
0x26: {  	[smem:$0x3F99] =	sst s1;
	(tag) =	ssettag s2;
	_ =	strace s9  }
0x27: {  	s1 =	sld [smem:$0x3FA9]  }
0x28: {  	s2 =	sld [smem:$0x3FAA]  }
0x29: {  	s4 =	sld [smem:$0x3FAC]  }
0x2a: {  	p0 =	seq.s32 s5, $0x0;
	s5 =	sld [smem:$0x3FAD]  }
0x2b: {  	s6 =	sld [smem:$0x3FAE]  }
0x2c: {  	s7 =	sld [smem:$0x3FAF]  }
0x2d: {  	s3 =	simm.s32 $0x108;
	s8 =	sld [smem:$0x3FB0]  }
0x2e: {  	s3 =	simm.s32 @!p0 $0x1082;
	s9 =	sld [smem:$0x3FB1]  }
0x2f: {  	lr =	sadd.s32 s0, s3;
	s0 =	sld [smem:$0x3FA8]  }
0x30: {  	s3 =	sld [smem:$0x3FAB]  }
0x31: {  	[smem:$0x3FB4] =	sst s10  }
0x32: {  	s10 =	sld [smem:$0x3FB2];
	_ =	sdelay $0x3  }
0x33: {  	p0 =	seq.s32 s10, $0x1;
	s10 =	sld [smem:$0x3FB4];
	_ =	sdelay $0x3  }
0x34: {  	[smem:$0x3FB4] =	sst s10  }
0x35: {  	s10 =	sld [smem:$0x3FB3];
	_ =	sdelay $0x3  }
0x36: {  	p1 =	seq.s32 s10, $0x1;
	s10 =	sld [smem:$0x3FB4];
	_ =	sdelay $0x3  }
0x37: {  	[smem:$0x3FB4] =	sst s10  }
0x38: {  	s10 =	sld [smem:$0x3FB5]  }
0x39: {  	_ = 	snop;
	(pc) =	sbr.ind lr, $3  }
0x3a: {  	_ = 	snop  }
0x3b: {  	_ = 	snop  }
0x3c: {  	p2 =	seq.s32 s10, $0x1;
	s10 =	sld [smem:$0x3FB4]  }
0x3d: {  	_ =	shalt  }
0x3e: {  	_ =	shalt  }
0x3f: {  	_ =	shalt  }
0x40: {  	_ =	shalt  }
0x41: {  	_ =	shalt  }
0x42: {  	_ =	shalt  }
0x43: {  	_ =	shalt  }
0x44: {  	_ =	shalt  }
0x45: {  	_ =	shalt  }
0x46: {  	_ =	shalt  }
0x47: {  	_ =	shalt  }
0x48: {  	_ =	shalt  }
0x49: {  	_ =	shalt  }
0x4a: {  	_ =	shalt  }
0x4b: {  	_ =	shalt  }
0x4c: {  	_ =	shalt  }
0x4d: {  	_ =	shalt  }
0x4e: {  	_ =	shalt  }
0x4f: {  	_ =	shalt  }
0x50: {  	_ =	shalt  }
0x51: {  	_ =	shalt  }
0x52: {  	_ =	shalt  }
0x53: {  	_ =	shalt  }
0x54: {  	_ =	shalt  }
0x55: {  	_ =	shalt  }
0x56: {  	_ =	shalt  }
0x57: {  	_ =	shalt  }
0x58: {  	_ =	shalt  }
0x59: {  	_ =	shalt  }
0x5a: {  	_ =	shalt  }
0x5b: {  	_ =	shalt  }
0x5c: {  	_ =	shalt  }
0x5d: {  	_ =	shalt  }
0x5e: {  	_ =	shalt  }
0x5f: {  	_ =	shalt  }
0x60: {  	_ =	shalt  }
0x61: {  	_ =	shalt  }
0x62: {  	_ =	shalt  }
0x63: {  	_ =	shalt  }
0x64: {  	_ =	shalt  }
0x65: {  	_ =	shalt  }
0x66: {  	_ =	shalt  }
0x67: {  	_ =	shalt  }
0x68: {  	_ =	shalt  }
0x69: {  	_ =	shalt  }
0x6a: {  	_ =	shalt  }
0x6b: {  	_ =	shalt  }
0x6c: {  	_ =	shalt  }
0x6d: {  	_ =	shalt  }
0x6e: {  	_ =	shalt  }
0x6f: {  	_ =	shalt  }
0x70: {  	_ =	shalt  }
0x71: {  	_ =	shalt  }
0x72: {  	_ =	shalt  }
0x73: {  	_ =	shalt  }
0x74: {  	_ =	shalt  }
0x75: {  	_ =	shalt  }
0x76: {  	_ =	shalt  }
0x77: {  	_ =	shalt  }
0x78: {  	_ =	shalt  }
0x79: {  	_ =	shalt  }
0x7a: {  	_ =	shalt  }
0x7b: {  	_ =	shalt  }
0x7c: {  	_ =	shalt  }
0x7d: {  	_ =	shalt  }
0x7e: {  	_ =	shalt  }
0x7f: {  	_ =	shalt  }
0x80: {  	_ =	shalt  }
0x81: {  	_ =	shalt  }
0x82: {  	_ =	shalt  }
0x83: {  	_ =	shalt  }
0x84: {  	_ =	shalt  }
0x85: {  	_ =	shalt  }
0x86: {  	_ =	shalt  }
0x87: {  	_ =	shalt  }
.Lfunc_end0:
.L_simem_size_0:
called_computation_lowered:
.L_overlay_start_0:
0x88: {  	s2 =	sld [smem:$0x3FD9]  }
0x89: {  	s3 =	sld [smem:$0x3FFE];
	_ =	sdelay $0x1  }
0x8a: {  	s1 =	srdreg.scid  }
0x8b: {  	s0 =	sand.u32 $0x1, s1  }
0x8c: {  	s17 =	sshll.u32 s0, $0xA;
	s2 =	sadd.s32 s3, s2  }
0x8d: {  	s2 =	sadd.s32 s2, s17  }
0x8e: {  	[smem:$0x3FC0] =	sst s2  }
0x8f: {  	_ = 	snop  }
0x90: {  	s2 =	sld [smem:$0x3FD0];
	(tm) =	ssettm $0x1  }
0x91: {  	s18 =	sld [smem:$0x3FFB];
	_ =	sdelay $0x3  }
0x92: {  	_ =	strace s18  }
0x93: {  	s3 =	sld [smem:$0x3FFC];
	_ =	sdelay $0x3  }
0x94: {  	_ =	strace s3  }
0x95: {  	s3 =	sld [smem:$0x3FFD];
	_ =	sdelay $0x3  }
0x96: {  	_ =	strace s3  }
0x97: {  	_ =	strace $0x8FFFFFFF  }
0x98: {  	s19 =	sld [smem:$0x3FDB];
	_ =	sdelay $0x1  }
0x99: {  	s4 =	simm.s32 $_scs_section_size  }
0x9a: {  	s5 =	simm.s32 $_size__tile_overlayer_lowered;
	s6 =	simm.s32 $_tile_overlayer_lowered  }
0x9b: {  	s22 =	simm.s32 $0x1BFF;
	s21 =	sshll.u32 s6, $0x1;
	s3 =	sadd.s32 s4, s19  }
0x9c: {  	s7 =	simm.s32 $0x0;
	s20 =	sshll.u32 s5, $0x1;
	s5 =	sadd.s32 s21, s3  }
0x9d: {  	[timem:s7], [sflag:s22] =	dma.local [hbm:s5], s20  }
0x9e: {  	_ =	swait.ge [sflag:s22], s20  }
0x9f: {  	s4 =	ssub.s32 $0x0, s20;
	[sflag:s22] =	ssyncset.done $0x0  }
0xa0: {  	[sflag:s22] =	ssyncadd.s32 s4;
	_ =	sdelay $0x1  }
0xa1: {  	s23 =	simm.s32 $0x1B8B  }
0xa2: {  	_ =	swait.ge [sflag:s23], $0x1  }
0xa3: {  	[sflag:s23] =	ssyncset.done $0x0  }
0xa4: {  	s25 =	simm.s32 $0x1B8E;
	s24 =	sld [smem:$0x3FFE];
	[sflag:s23] =	ssyncadd.s32 $0xFFFFFFFF  }
0xa5: {  	s26 =	simm.s32 $execute0_lowered;
	[smem:$0x3FD2] =	sst s25  }
0xa6: {  	s5 =	sshll.u32 s26, $0x1;
	_ =	strace $0x80000046;
	[dreg:$0x1] =	wrdreg $0xFFFFFFFF  }
0xa7: {  	s28 =	simm.s32 $_size_execute0_lowered;
	s3 =	sadd.s32 s3, s5;
	[dreg:$0x0] =	wrdreg $0x0  }
0xa8: {  	s5 =	sshll.u32 s28, $0x1;
	[dreg:$0x2] =	wrdreg s3  }
0xa9: {  	[dreg:$0x3] =	wrdreg s5  }
0xaa: {  	[dreg:$0x4] =	wrdreg $0xC0  }
0xab: {  	_ =	task [dreg:s7], $0x5FFFF  }
0xac: {  	[dreg:$0x1] =	wrdreg $0xFFFFFFFF  }
0xad: {  	[dreg:$0x0] =	wrdreg $0x60  }
0xae: {  	[dreg:$0x2] =	wrdreg s2  }
0xaf: {  	[dreg:$0x3] =	wrdreg s24  }
0xb0: {  	[dreg:$0x4] =	wrdreg $0x92400  }
0xb1: {  	[dreg:$0x5] =	wrdreg $0x9  }
0xb2: {  	_ =	task.clear_ibuf [dreg:s7], $0x6FFFF;
	_ =	strace $0x90000046  }
0xb3: {  	s29 =	simm.s32 $0x9;
	_ =	strace $0x80000048  }
0xb4: {  	_ =	swait.ge [sflag:s29], $0x1  }
0xb5: {  	[sflag:s29] =	ssyncadd.s32 $0xFFFFFFFF  }
0xb6: {  	_ =	strace $0x90000048  }
0xb7: {  	_ =	sfence  }
0xb8: {  	s30 =	sld [smem:$0x0];
	_ =	sdelay $0x2  }
0xb9: {  	s31 =	sshll.u32 s1, $0xD;
	s1 =	sshrl.u32 s1, $0x2  }
0xba: {  	s3 =	sand.u32 $0x4000, s31;
	s1 =	sadd.s32 s1, s30  }
0xbb: {  	s0 =	sor.u32 s3, s0;
	s1 =	sshll.u32 s1, $0x11  }
0xbc: {  	s0 =	sor.u32 s1, s0  }
0xbd: {  	s0 =	sadd.s32 $0x8F2B, s0  }
0xbe: {  	[sflag:s0] =	ssyncadd.remote.s32 $0x1  }
0xbf: {  	_ =	sfence.sel $0xFFFF  }
0xc0: {  	[dreg:$0x0] =	wrdreg $0xFFFFFFFF;
	(pc) =	sbr.abs _section_cstart, $3  }
0xc1: {  	[dreg:$0x1] =	wrdreg $0xFFFFFFFF  }
0xc2: {  	_ =	task.clear_ibuf [dreg:s7], $0x2FFFF;
	_ =	strace $0x9FFFFFFF  }
0xc3: {  	(tm) =	ssettm $0x7FFFFFFF  }
tec
execute0_lowered:
.L_overlay_start_1:
0x0: {  	(tag) =	ssettag $0x1  }
0x1: {  	s1 =	rddreg [dreg:$0x0]  }
0x2: {  	s0 =	rddreg [dreg:$0x1]  }
0x3: {  	s2 =	rddreg [dreg:$0x2];
	s3 =	simm.s32 $0x0;
	s4 =	srdreg.scid  }
0x4: {  	s14 =	stileid.u32;
	[smem:$0x7FF] =	sst s3;
	s4 =	sand.u32 $0x1, s4  }
0x5: {  	s5 =	sadd.s32 $0x14800, s0;
	s6 =	sadd.s32 $0x19800, s0;
	s12 =	smul.u32 $0x15F00, s14  }
0x6: {  	s7 =	sadd.s32 $0xAA00, s0;
	s15 =	sadd.s32 $0x15F000, s2;
	s30 =	smul.u32 $0x57C00, s14  }
0x7: {  	_ =	strace $0x80000047;
	s8 =	sshll.u32 s4, $0x4;
	s10 =	ssub.s32 $0x2, s4  }
0x8: {  	s4 =	smul.u32 $0x15F900, s4;
	s9 =	sor.u32 s14, s8;
	s11 =	sshrl.u32 s10, $0x1  }
0x9: {  	[dreg:$0x4] =	wrdreg s15;
	s9 =	smul.u32 $0x2710, s9;
	s10 =	ssub.s32 s10, s11  }
0xa: {  	s8 =	sadd.s32 $0xC00, s0;
	s0 =	sadd.s32 $0x1E800, s0;
	s17 =	smax.u32 s10, $0x1  }
0xb: {  	s29 =	sadd.s32 s12, s4;
	s26 =	sadd.s32 $0x50, s9;
	[dreg:$0xc] =	wrdreg s17  }
0xc: {  	s25 =	sshrl.u32 s9, $0x3;
	s9 =	sadd.s32 $0xA0, s9;
	[dreg:$0x7] =	wrdreg s26  }
0xd: {  	s4 =	sshrl.u32 s4, $0x3;
	s13 =	sadd.s32 s7, s25;
	[dreg:$0x8] =	wrdreg s9  }
0xe: {  	s31 =	sshrl.u32 s29, $0x3;
	s11 =	sadd.s32 s8, s25;
	[dreg:$0x5] =	wrdreg s13  }
0xf: {  	s9 =	sadd.s32 s0, s31;
	s0 =	sadd.s32 s0, s4;
	[dreg:$0x6] =	wrdreg s11  }
0x10: {  	[dreg:$0x9] =	wrdreg s9;
	s13 =	sadd.s32 s12, s2;
	s0 =	sadd.s32 $0x2BE00, s0  }
0x11: {  	s11 =	sshrl.u32 s30, $0x2;
	[dreg:$0xa] =	wrdreg s0;
	s25 =	sshrl.u32 s13, $0x3  }
0x12: {  	s16 =	sadd.s32 s11, s2;
	[dreg:$0x14] =	wrdreg s25  }
0x13: {  	s18 =	sadd.s32 $0x1B00, s16;
	[dreg:$0xb] =	wrdreg s16  }
0x14: {  	s19 =	sadd.s32 $0x3600, s16;
	[dreg:$0xd] =	wrdreg s18  }
0x15: {  	s20 =	sadd.s32 $0x5100, s16;
	[dreg:$0xe] =	wrdreg s19  }
0x16: {  	s21 =	sadd.s32 $0x6C00, s16;
	[dreg:$0xf] =	wrdreg s20  }
0x17: {  	s22 =	sadd.s32 $0x8700, s16;
	[dreg:$0x10] =	wrdreg s21  }
0x18: {  	s23 =	sadd.s32 $0xA200, s16;
	[dreg:$0x11] =	wrdreg s22  }
0x19: {  	s24 =	sadd.s32 $0xBD00, s16;
	[dreg:$0x12] =	wrdreg s23  }
0x1a: {  	s28 =	simm.s32 $0x6;
	s26 =	sadd.s32 $0xD800, s16;
	[dreg:$0x13] =	wrdreg s24  }
0x1b: {  	p0 =	sne.s32 s14, $0xF;
	s29 =	sadd.s32 $0xF300, s16;
	[dreg:$0x15] =	wrdreg s26  }
0x1c: {  	s10 =	simm.s32 $0x50;
	s30 =	sadd.s32 $0x10E00, s16;
	[dreg:$0x16] =	wrdreg s29  }
0x1d: {  	s17 =	simm.s32 $0x32A0;
	s31 =	sadd.s32 $0x12900, s16;
	[dreg:$0x17] =	wrdreg s30  }
0x1e: {  	s4 =	simm.s32 $0x7;
	s0 =	sadd.s32 $0x14400, s16;
	[dreg:$0x18] =	wrdreg s31  }
0x1f: {  	s12 =	simm.s32 $0x0;
	s25 =	simm.s32 $0x4;
	[dreg:$0x19] =	wrdreg s0  }
0x20: {  	v0 =	vimm.f32 $0.0e+00;
	vm0 =	vcmask $0xF00;
	s0 =	simm.s32 $0x6540;
	s18 =	simm.s32 $0x32F0;
	s22 =	simm.s32 $0x1  }
0x21: {  	v1 =	vsel vm0, $0x3F800000, v0;
	s23 =	simm.s32 $0x2;
	s24 =	simm.s32 $0x3;
	s26 =	simm.s32 $0x5  }
.LBB2_1:
0x22: {  	s9 =	simm.s32 $0x0;
	s11 =	simm.s32 $0x240  }
.LBB2_2:
0x23: {  	p1 =	sne.s32 s11, $0xB1C0;
	[tilespmem:s9+$0x65C0] =	vst v0  }
0x24: {  	[tilespmem:s9+$0x6540] =	vst v0  }
0x25: {  	[tilespmem:s9+$0x6550] =	vst v0  }
0x26: {  	[tilespmem:s9+$0x6560] =	vst v0  }
.Ltmp0:
0x27: {  	[tilespmem:s9+$0x6570] =	vst v0;
	(pc) =	sbr.rel @p1 .LBB2_2-.Ltmp0, $4  }
0x28: {  	[tilespmem:s9+$0x6580] =	vst v0  }
0x29: {  	[tilespmem:s9+$0x6590] =	vst v0  }
0x2a: {  	[tilespmem:s9+$0x65A0] =	vst v0  }
0x2b: {  	[tilespmem:s9+$0x65B0] =	vst v0;
	s9 =	sshra.s32 s11, $0x2;
	s11 =	sadd.s32 $0x240, s11  }
0x2c: {  	[tilespmem:s9+$0x65C0] =	vst v0  }
0x2d: {  	[tilespmem:s9+$0x6540] =	vst v0  }
0x2e: {  	[tilespmem:s9+$0x6550] =	vst v0  }
0x2f: {  	[tilespmem:s9+$0x6560] =	vst v0  }
0x30: {  	[tilespmem:s9+$0x6570] =	vst v0  }
0x31: {  	[tilespmem:s9+$0x6580] =	vst v0  }
0x32: {  	[tilespmem:s9+$0x6590] =	vst v0  }
0x33: {  	[dreg:$0x1a] =	wrdreg s12;
	[tilespmem:s9+$0x65A0] =	vst v0  }
0x34: {  	[tilespmem:s9+$0x65B0] =	vst v0;
	s13 =	rddreg [dreg:$0xb]  }
0x35: {  	[spmem:s13] =	stream.linear.scatter [tilespmem:s0], [sflag:$0x7], $0x1B00, $0x38;
	[tilespmem:$0x1F1D0] =	vst v63  }
0x36: {  	_ =	swait.ge [sflag:s4], $0x1B00  }
0x37: {  	[sflag:s4] =	ssyncset.done $0x0  }
0x38: {  	s14 =	rddreg [dreg:$0xd];
	[sflag:s4] =	ssyncadd.s32 $0xFFFFE500  }
0x39: {  	[spmem:s14] =	stream.linear.scatter [tilespmem:s0], [sflag:$0x7], $0x1B00, $0x38;
	[tilespmem:$0x1F1D0] =	vst v63  }
0x3a: {  	_ =	swait.ge [sflag:s4], $0x1B00  }
0x3b: {  	[sflag:s4] =	ssyncset.done $0x0  }
0x3c: {  	s16 =	rddreg [dreg:$0xe];
	[sflag:s4] =	ssyncadd.s32 $0xFFFFE500  }
0x3d: {  	[spmem:s16] =	stream.linear.scatter [tilespmem:s0], [sflag:$0x7], $0x1B00, $0x38;
	[tilespmem:$0x1F1D0] =	vst v63  }
0x3e: {  	_ =	swait.ge [sflag:s4], $0x1B00  }
0x3f: {  	[sflag:s4] =	ssyncset.done $0x0  }
0x40: {  	s19 =	rddreg [dreg:$0xf];
	[sflag:s4] =	ssyncadd.s32 $0xFFFFE500  }
0x41: {  	[spmem:s19] =	stream.linear.scatter [tilespmem:s0], [sflag:$0x7], $0x1B00, $0x38;
	[tilespmem:$0x1F1D0] =	vst v63  }
0x42: {  	_ =	swait.ge [sflag:s4], $0x1B00  }
0x43: {  	[sflag:s4] =	ssyncset.done $0x0  }
0x44: {  	s20 =	rddreg [dreg:$0x10];
	[sflag:s4] =	ssyncadd.s32 $0xFFFFE500  }
0x45: {  	[spmem:s20] =	stream.linear.scatter [tilespmem:s0], [sflag:$0x7], $0x1B00, $0x38;
	[tilespmem:$0x1F1D0] =	vst v63  }
0x46: {  	_ =	swait.ge [sflag:s4], $0x1B00  }
0x47: {  	[sflag:s4] =	ssyncset.done $0x0  }
0x48: {  	s21 =	rddreg [dreg:$0x11];
	[sflag:s4] =	ssyncadd.s32 $0xFFFFE500  }
0x49: {  	[spmem:s21] =	stream.linear.scatter [tilespmem:s0], [sflag:$0x7], $0x1B00, $0x38;
	[tilespmem:$0x1F1D0] =	vst v63  }
0x4a: {  	_ =	swait.ge [sflag:s4], $0x1B00  }
0x4b: {  	[sflag:s4] =	ssyncset.done $0x0  }
0x4c: {  	s29 =	rddreg [dreg:$0x12];
	[sflag:s4] =	ssyncadd.s32 $0xFFFFE500  }
0x4d: {  	[spmem:s29] =	stream.linear.scatter [tilespmem:s0], [sflag:$0x7], $0x1B00, $0x38;
	[tilespmem:$0x1F1D0] =	vst v63  }
0x4e: {  	_ =	swait.ge [sflag:s4], $0x1B00  }
0x4f: {  	[sflag:s4] =	ssyncset.done $0x0  }
0x50: {  	s31 =	rddreg [dreg:$0x13];
	[sflag:s4] =	ssyncadd.s32 $0xFFFFE500  }
0x51: {  	[spmem:s31] =	stream.linear.scatter [tilespmem:s0], [sflag:$0x7], $0x1B00, $0x38;
	[tilespmem:$0x1F1D0] =	vst v63  }
0x52: {  	_ =	swait.ge [sflag:s4], $0x1B00  }
0x53: {  	[sflag:s4] =	ssyncset.done $0x0  }
0x54: {  	s11 =	rddreg [dreg:$0x15];
	[sflag:s4] =	ssyncadd.s32 $0xFFFFE500  }
0x55: {  	[spmem:s11] =	stream.linear.scatter [tilespmem:s0], [sflag:$0x7], $0x1B00, $0x38;
	[tilespmem:$0x1F1D0] =	vst v63  }
0x56: {  	_ =	swait.ge [sflag:s4], $0x1B00  }
0x57: {  	[sflag:s4] =	ssyncset.done $0x0  }
0x58: {  	s12 =	rddreg [dreg:$0x16];
	[sflag:s4] =	ssyncadd.s32 $0xFFFFE500  }
0x59: {  	[spmem:s12] =	stream.linear.scatter [tilespmem:s0], [sflag:$0x7], $0x1B00, $0x38;
	[tilespmem:$0x1F1D0] =	vst v63  }
0x5a: {  	_ =	swait.ge [sflag:s4], $0x1B00  }
0x5b: {  	[sflag:s4] =	ssyncset.done $0x0  }
0x5c: {  	s13 =	rddreg [dreg:$0x17];
	[sflag:s4] =	ssyncadd.s32 $0xFFFFE500  }
0x5d: {  	[spmem:s13] =	stream.linear.scatter [tilespmem:s0], [sflag:$0x7], $0x1B00, $0x38;
	[tilespmem:$0x1F1D0] =	vst v63  }
0x5e: {  	_ =	swait.ge [sflag:s4], $0x1B00  }
0x5f: {  	[sflag:s4] =	ssyncset.done $0x0  }
0x60: {  	s14 =	rddreg [dreg:$0x18];
	[sflag:s4] =	ssyncadd.s32 $0xFFFFE500  }
0x61: {  	[spmem:s14] =	stream.linear.scatter [tilespmem:s0], [sflag:$0x7], $0x1B00, $0x38;
	[tilespmem:$0x1F1D0] =	vst v63  }
0x62: {  	_ =	swait.ge [sflag:s4], $0x1B00  }
0x63: {  	[sflag:s4] =	ssyncset.done $0x0  }
0x64: {  	s16 =	rddreg [dreg:$0x19];
	[sflag:s4] =	ssyncadd.s32 $0xFFFFE500  }
0x65: {  	[spmem:s16] =	stream.linear.scatter [tilespmem:s0], [sflag:$0x7], $0x1B00, $0x38;
	[tilespmem:$0x1F1D0] =	vst v63  }
0x66: {  	_ =	swait.ge [sflag:s4], $0x1B00  }
0x67: {  	[sflag:s4] =	ssyncset.done $0x0  }
0x68: {  	s9 =	simm.s32 @!p0 $0x6540;
	[sflag:s4] =	ssyncadd.s32 $0xFFFFE500  }
0x69: {  	[spmem:s15] =	stream.linear.scatter @!p0 [tilespmem:s9], [sflag:$0x7], $0x900, $0x38;
	[tilespmem:$0x1F1D0] =	vst v63  }
0x6a: {  	s9 =	simm.s32 @!p0 $0x7  }
0x6b: {  	_ =	swait.ge @!p0 [sflag:s9], $0x900  }
0x6c: {  	[sflag:s9] =	ssyncset.done @!p0 $0x0  }
0x6d: {  	[sflag:s9] =	ssyncadd.s32 @!p0 $0xFFFFF700  }
0x6e: {  	[bflag:$0x0] =	sbarrier.arrive $0xFFFF  }
0x6f: {  	s30 =	simm.s32 $0x0;
	s19 =	rddreg [dreg:$0x5]  }
0x70: {  	[tilespmem:s30], [sflag:$0x7] =	stream.linear.gather [hbm4b:s19+s30], $0x50, $0x38;
	[tilespmem:$0x1F1D0] =	vst v63  }
0x71: {  	_ =	swait.ge [sflag:s4], $0x50  }
0x72: {  	[sflag:s4] =	ssyncset.done $0x0  }
0x73: {  	s20 =	rddreg [dreg:$0x6];
	[sflag:s4] =	ssyncadd.s32 $0xFFFFFFB0  }
0x74: {  	[tilespmem:s10], [sflag:$0x7] =	stream.linear.gather [hbm4b:s20+s30], $0x50, $0x38;
	[tilespmem:$0x1F1D0] =	vst v63  }
0x75: {  	_ =	swait.ge [sflag:s4], $0x50  }
0x76: {  	[sflag:s4] =	ssyncset.done $0x0  }
0x77: {  	s21 =	simm.s32 $0xAA0;
	[sflag:s4] =	ssyncadd.s32 $0xFFFFFFB0  }
0x78: {  	[tilespmem:s21], [sflag:$0x1] =	stream.indirect.gather [hbm4b:s1+s10], $0x80, s30, s10, $0xb8;
	[tilespmem:$0x1F1D0] =	vst v63  }
0x79: {  	s29 =	simm.s32 $0xA0  }
0x7a: {  	[tilespmem:s29], [sflag:$0x2] =	stream.indirect.gather [hbm4b:s5+s10], $0x10, s30, s10, $0xb8;
	[tilespmem:$0x1F1D0] =	vst v63  }
0x7b: {  	s31 =	simm.s32 $0x5A0  }
0x7c: {  	[tilespmem:s31], [sflag:$0x3] =	stream.indirect.gather [hbm4b:s6+s10], $0x10, s10, s10, $0xb8;
	[tilespmem:$0x1F1D0] =	vst v63  }
.LBB2_4:
0x7d: {  	s31 =	smul.u32 $0xA0, s30  }
0x7e: {  	s9 =	rddreg [dreg:$0x7]  }
0x7f: {  	s9 =	sadd.s32 s31, s9  }
0x80: {  	s9 =	sshrl.u32 s9, $0x3  }
0x81: {  	s11 =	sadd.s32 s7, s9  }
0x82: {  	[tilespmem:s17], [sflag:$0x7] =	stream.linear.gather [hbm4b:s11+s3], $0x50, $0x38;
	[tilespmem:$0x1F1D0] =	vst v63  }
0x83: {  	_ =	swait.ge [sflag:s4], $0x50  }
0x84: {  	[sflag:s4] =	ssyncset.done $0x0  }
0x85: {  	s9 =	sadd.s32 s8, s9;
	[sflag:s4] =	ssyncadd.s32 $0xFFFFFFB0  }
0x86: {  	[tilespmem:s18], [sflag:$0x7] =	stream.linear.gather [hbm4b:s9+s3], $0x50, $0x38;
	[tilespmem:$0x1F1D0] =	vst v63  }
0x87: {  	_ =	swait.ge [sflag:s4], $0x50  }
0x88: {  	[sflag:s4] =	ssyncset.done $0x0  }
0x89: {  	s15 =	simm.s32 $0x3D40;
	[sflag:s4] =	ssyncadd.s32 $0xFFFFFFB0  }
0x8a: {  	[tilespmem:s15], [sflag:$0x4] =	stream.indirect.gather [hbm4b:s1+s10], $0x80, s17, s10, $0xb8;
	[tilespmem:$0x1F1D0] =	vst v63  }
0x8b: {  	s16 =	simm.s32 $0x3340  }
0x8c: {  	[tilespmem:s16], [sflag:$0x5] =	stream.indirect.gather [hbm4b:s5+s10], $0x10, s17, s10, $0xb8;
	[tilespmem:$0x1F1D0] =	vst v63  }
0x8d: {  	s19 =	simm.s32 $0x3840  }
0x8e: {  	[tilespmem:s19], [sflag:$0x6] =	stream.indirect.gather [hbm4b:s6+s10], $0x10, s18, s10, $0xb8;
	[tilespmem:$0x1F1D0] =	vst v63  }
0x8f: {  	_ =	swait.ge [sflag:s22], $0x2800  }
0x90: {  	[sflag:s22] =	ssyncset.done $0x0  }
0x91: {  	[sflag:s22] =	ssyncadd.s32 $0xFFFFD800  }
0x92: {  	_ =	swait.ge [sflag:s23], $0x500  }
0x93: {  	[sflag:s23] =	ssyncset.done $0x0  }
0x94: {  	[sflag:s23] =	ssyncadd.s32 $0xFFFFFB00  }
0x95: {  	_ =	swait.ge [sflag:s24], $0x500  }
0x96: {  	[sflag:s24] =	ssyncset.done $0x0  }
0x97: {  	s20 =	simm.s32 $0xC0;
	[sflag:s24] =	ssyncadd.s32 $0xFFFFFB00  }
0x98: {  	s21 =	simm.s32 $0x5C0;
	v2 =	vld [tilespmem:s20+$0x10]  }
0x99: {  	v3 =	vld [tilespmem:s21+$0x10];
	_ =	sdelay $0x4  }
0x9a: {  	v2 =	vadd.f32 v3, v2;
	_ =	sdelay $0x1  }
0x9b: {  	v3 =	vmul.f32 $2.000000030e-01, v2;
	_ =	sdelay $0x1  }
0x9c: {  	v2 =	vmax.f32 v2, v3  }
0x9d: {  	v2 =	vmul.f32 $1.442695020e+00, v2;
	_ =	sdelay $0x1  }
0x9e: {  	v4 =	vld [tilespmem:s20+$0x0];
	(erf) = vpow2.f32 v2  }
0x9f: {  	v5 =	vld [tilespmem:s21+$0x0]  }
0xa0: {  	v3 =	vld [tilespmem:s20+$0xFFFFFFF0]  }
0xa1: {  	v2 =	vld [tilespmem:s21+$0xFFFFFFF0]  }
0xa2: {  	v6 =	vld [tilespmem:s21+$0xFFFFFFE0]  }
0xa3: {  	v7 =	vld [tilespmem:s20+$0xFFFFFFE0];
	_ =	sdelay $0x2  }
0xa4: {  	v2 =	vadd.f32 v2, v3  }
0xa5: {  	v3 =	vadd.f32 v5, v4;
	v5 =	vpop (erf)  }
0xa6: {  	v6 =	vadd.f32 v6, v7;
	v4 =	vmul.f32 $2.000000030e-01, v2;
	v8 =	vmul.f32 v1, v5  }
0xa7: {  	s16 =	simm.s32 $0x6660;
	v7 =	vmul.f32 $2.000000030e-01, v3  }
0xa8: {  	s21 =	simm.s32 $0xBA0;
	v2 =	vmax.f32 v2, v4;
	v4 =	vmul.f32 $2.000000030e-01, v6;
	[tilespmem:s16+$0x110] =	vst v8  }
0xa9: {  	v3 =	vmax.f32 v3, v7;
	v2 =	vmul.f32 $1.442695020e+00, v2;
	v7 =	vld [tilespmem:s21+$0x80]  }
0xaa: {  	v3 =	vmul.f32 $1.442695020e+00, v3;
	v4 =	vmax.f32 v6, v4  }
0xab: {  	(erf) = vpow2.f32 v2;
	v2 =	vmul.f32 $1.442695020e+00, v4  }
0xac: {  	v6 =	vbroadcast v5, $0x0;
	(erf) = vpow2.f32 v3  }
0xad: {  	(erf) = vpow2.f32 v2  }
0xae: {  	v2 =	vmul.f32 v6, v7;
	_ =	sdelay $0x1  }
0xaf: {  	[tilespmem:s16+$0x90] =	vst v2  }
0xb0: {  	v7 =	vld [tilespmem:s21+$0x90];
	_ =	sdelay $0x1  }
0xb1: {  	s12 =	simm.s32 $0x100  }
0xb2: {  	s13 =	simm.s32 $0x600;
	v9 =	vld [tilespmem:s12+$0x10];
	v2 =	vpop (erf)  }
0xb3: {  	v11 =	vld [tilespmem:s13+$0x10];
	v8 =	vmul.f32 v1, v2;
	v3 =	vpop (erf)  }
0xb4: {  	v4 =	vpop (erf);
	v6 =	vmul.f32 v6, v7  }
0xb5: {  	[tilespmem:s16+$0xFFFFFFF0] =	vst v8;
	v7 =	vmul.f32 v1, v4  }
0xb6: {  	v10 =	vmul.f32 v1, v3;
	v8 =	vld [tilespmem:s21+$0xFFFFFF80];
	[tilespmem:s16+$0xA0] =	vst v6  }
0xb7: {  	[tilespmem:s16+$0xFFFFFF60] =	vst v7;
	v6 =	vld [tilespmem:s21+$0xA0]  }
0xb8: {  	v9 =	vadd.f32 v11, v9;
	[tilespmem:s16+$0x80] =	vst v10;
	v7 =	vld [tilespmem:s21+$0xFFFFFF00]  }
0xb9: {  	v15 =	vbroadcast v2, $0x0;
	v10 =	vld [tilespmem:s21+$0x0]  }
0xba: {  	v12 =	vld [tilespmem:s12+$0xFFFFFFF0];
	v14 =	vmul.f32 $2.000000030e-01, v9;
	v13 =	vbroadcast v5, $0x1  }
0xbb: {  	v17 =	vld [tilespmem:s13+$0xFFFFFFF0];
	v16 =	vbroadcast v4, $0x0;
	v8 =	vmul.f32 v15, v8  }
0xbc: {  	v19 =	vld [tilespmem:s12+$0x0];
	v18 =	vbroadcast v3, $0x0;
	v6 =	vmul.f32 v13, v6  }
0xbd: {  	v9 =	vmax.f32 v9, v14;
	v14 =	vld [tilespmem:s13+$0x0];
	[tilespmem:s16+$0xFFFFFF70] =	vst v8;
	v7 =	vmul.f32 v16, v7  }
0xbe: {  	v20 =	vld [tilespmem:s12+$0xFFFFFFE0];
	v9 =	vmul.f32 $1.442695020e+00, v9;
	[tilespmem:s16+$0xB0] =	vst v6;
	v6 =	vmul.f32 v18, v10  }
0xbf: {  	v11 =	vld [tilespmem:s13+$0xFFFFFFE0];
	[tilespmem:s16+$0xFFFFFEE0] =	vst v7  }
0xc0: {  	(erf) = vpow2.f32 v9;
	v7 =	vld [tilespmem:s21+$0xB0];
	[tilespmem:s16+$0x0] =	vst v6;
	v6 =	vadd.f32 v17, v12  }
0xc1: {  	v9 =	vld [tilespmem:s21+$0xFFFFFF90]  }
0xc2: {  	v10 =	vadd.f32 v14, v19;
	v8 =	vld [tilespmem:s21+$0xFFFFFF10];
	v14 =	vmul.f32 $2.000000030e-01, v6  }
0xc3: {  	v12 =	vld [tilespmem:s21+$0x10]  }
0xc4: {  	v11 =	vadd.f32 v11, v20;
	v17 =	vmul.f32 $2.000000030e-01, v10;
	v6 =	vmax.f32 v6, v14  }
0xc5: {  	v7 =	vmul.f32 v7, v13;
	v6 =	vmul.f32 $1.442695020e+00, v6  }
0xc6: {  	v13 =	vmul.f32 $2.000000030e-01, v11  }
0xc7: {  	v9 =	vmul.f32 v15, v9;
	v10 =	vmax.f32 v10, v17;
	[tilespmem:s16+$0xC0] =	vst v7  }
0xc8: {  	v8 =	vmul.f32 v16, v8;
	v7 =	vmax.f32 v11, v13;
	v11 =	vmul.f32 v18, v12;
	v12 =	vld [tilespmem:s21+$0xC0]  }
0xc9: {  	v10 =	vmul.f32 $1.442695020e+00, v10;
	[tilespmem:s16+$0xFFFFFF80] =	vst v9;
	(erf) = vpow2.f32 v6;
	v6 =	vpop (erf)  }
0xca: {  	[tilespmem:s16+$0xFFFFFEF0] =	vst v8;
	v7 =	vmul.f32 $1.442695020e+00, v7;
	v9 =	vmul.f32 v1, v6  }
0xcb: {  	s9 =	simm.s32 $0x68A0;
	(erf) = vpow2.f32 v10;
	v10 =	vld [tilespmem:s21+$0xFFFFFFA0];
	[tilespmem:s16+$0x10] =	vst v11;
	v11 =	vbroadcast v5, $0x2  }
0xcc: {  	s29 =	simm.s32 $0xDA0;
	v8 =	vld [tilespmem:s21+$0xFFFFFF20];
	[tilespmem:s9+$0x110] =	vst v9  }
0xcd: {  	(erf) = vpow2.f32 v7;
	v9 =	vmul.f32 v12, v11;
	v12 =	vld [tilespmem:s29+$0x80]  }
0xce: {  	v14 =	vbroadcast v2, $0x1  }
0xcf: {  	v13 =	vbroadcast v4, $0x1;
	v7 =	vld [tilespmem:s21+$0x20];
	[tilespmem:s16+$0xD0] =	vst v9  }
0xd0: {  	v16 =	vbroadcast v6, $0x0;
	v9 =	vmul.f32 v14, v10;
	v10 =	vld [tilespmem:s21+$0xD0]  }
0xd1: {  	s14 =	simm.s32 $0x140;
	v8 =	vmul.f32 v13, v8  }
0xd2: {  	v23 =	vld [tilespmem:s14+$0xFFFFFFF0];
	v15 =	vbroadcast v3, $0x1;
	[tilespmem:s16+$0xFFFFFF90] =	vst v9;
	v9 =	vmul.f32 v16, v12  }
0xd3: {  	v27 =	vld [tilespmem:s14+$0x0];
	[tilespmem:s16+$0xFFFFFF00] =	vst v8  }
0xd4: {  	v17 =	vmul.f32 v15, v7;
	v18 =	vld [tilespmem:s21+$0xFFFFFF30];
	v7 =	vpop (erf);
	[tilespmem:s9+$0x90] =	vst v9  }
0xd5: {  	v8 =	vpop (erf);
	v12 =	vmul.f32 v1, v7;
	v10 =	vmul.f32 v10, v11;
	v11 =	vld [tilespmem:s29+$0x90]  }
0xd6: {  	s15 =	simm.s32 $0x180;
	v33 =	vld [tilespmem:s14+$0xFFFFFFE0];
	v9 =	vpop (erf)  }
0xd7: {  	s12 =	simm.s32 $0x640;
	v38 =	vld [tilespmem:s15+$0xFFFFFFF0];
	[tilespmem:s9+$0xFFFFFFF0] =	vst v12;
	v12 =	vmul.f32 v1, v9  }
0xd8: {  	v26 =	vld [tilespmem:s12+$0xFFFFFFF0]  }
0xd9: {  	v30 =	vld [tilespmem:s12+$0x0];
	[tilespmem:s9+$0xFFFFFF60] =	vst v12;
	v12 =	vmul.f32 v18, v13  }
0xda: {  	v11 =	vmul.f32 v16, v11;
	v16 =	vld [tilespmem:s14+$0x10]  }
0xdb: {  	[tilespmem:s16+$0xFFFFFF10] =	vst v12;
	v12 =	vld [tilespmem:s12+$0x10]  }
0xdc: {  	v19 =	vld [tilespmem:s21+$0xFFFFFFB0];
	[tilespmem:s9+$0xA0] =	vst v11  }
0xdd: {  	[tilespmem:s16+$0x20] =	vst v17;
	v11 =	vld [tilespmem:s29+$0xA0]  }
0xde: {  	v20 =	vld [tilespmem:s21+$0x30];
	v17 =	vmul.f32 v1, v8  }
0xdf: {  	v25 =	vbroadcast v2, $0x2;
	v13 =	vld [tilespmem:s29+$0xFFFFFF00]  }
0xe0: {  	v22 =	vbroadcast v4, $0x2;
	v24 =	vbroadcast v6, $0x1;
	[tilespmem:s9+$0x80] =	vst v17;
	v21 =	vld [tilespmem:s29+$0xFFFFFF80];
	v12 =	vadd.f32 v12, v16  }
0xe1: {  	v17 =	vld [tilespmem:s29+$0x0];
	v14 =	vmul.f32 v19, v14;
	v16 =	vbroadcast v9, $0x0  }
0xe2: {  	[tilespmem:s16+$0xE0] =	vst v10;
	v18 =	vld [tilespmem:s21+$0xFFFFFF40];
	v11 =	vmul.f32 v24, v11;
	v28 =	vmul.f32 $2.000000030e-01, v12  }
0xe3: {  	v29 =	vbroadcast v7, $0x0;
	v15 =	vmul.f32 v20, v15;
	v10 =	vld [tilespmem:s21+$0xE0];
	[tilespmem:s16+$0xFFFFFFA0] =	vst v14  }
0xe4: {  	v32 =	vbroadcast v8, $0x0;
	v19 =	vld [tilespmem:s12+$0xFFFFFFE0];
	v13 =	vmul.f32 v16, v13;
	[tilespmem:s9+$0xB0] =	vst v11;
	v11 =	vmax.f32 v12, v28  }
0xe5: {  	[tilespmem:s16+$0x30] =	vst v15;
	v14 =	vld [tilespmem:s21+$0xFFFFFFC0];
	v12 =	vmul.f32 v29, v21;
	v11 =	vmul.f32 $1.442695020e+00, v11  }
0xe6: {  	v17 =	vmul.f32 v32, v17;
	[tilespmem:s9+$0xFFFFFEE0] =	vst v13;
	v21 =	vbroadcast v5, $0x3;
	v5 =	vadd.f32 v26, v23;
	v13 =	vld [tilespmem:s29+$0xB0]  }
0xe7: {  	v20 =	vld [tilespmem:s29+$0xFFFFFF10];
	[tilespmem:s9+$0xFFFFFF70] =	vst v12;
	v12 =	vmul.f32 v18, v22;
	(erf) = vpow2.f32 v11  }
0xe8: {  	[tilespmem:s9+$0x0] =	vst v17;
	v18 =	vadd.f32 v30, v27;
	v10 =	vmul.f32 v10, v21;
	v15 =	vmul.f32 $2.000000030e-01, v5;
	v17 =	vld [tilespmem:s29+$0xFFFFFF90]  }
0xe9: {  	v31 =	vbroadcast v3, $0x2;
	v23 =	vld [tilespmem:s29+$0x10];
	[tilespmem:s16+$0xFFFFFF20] =	vst v12;
	v12 =	vadd.f32 v19, v33  }
0xea: {  	v19 =	vld [tilespmem:s21+$0x40];
	v26 =	vmul.f32 $2.000000030e-01, v18;
	[tilespmem:s16+$0xF0] =	vst v10;
	v10 =	vmul.f32 v14, v25;
	v5 =	vmax.f32 v5, v15  }
0xeb: {  	s14 =	simm.s32 $0x680;
	v15 =	vld [tilespmem:s21+$0xFFFFFF50];
	v5 =	vmul.f32 $1.442695020e+00, v5;
	v13 =	vmul.f32 v13, v24  }
0xec: {  	v36 =	vld [tilespmem:s14+$0xFFFFFFE0];
	v14 =	vmul.f32 v16, v20;
	v16 =	vmul.f32 $2.000000030e-01, v12;
	v18 =	vmax.f32 v18, v26;
	[tilespmem:s16+$0xFFFFFFB0] =	vst v10  }
0xed: {  	[tilespmem:s9+$0xC0] =	vst v13;
	v10 =	vmul.f32 v29, v17;
	v13 =	vmul.f32 $1.442695020e+00, v18;
	v18 =	vld [tilespmem:s21+$0xFFFFFFD0]  }
0xee: {  	v11 =	vbroadcast v9, $0x1;
	[tilespmem:s9+$0xFFFFFEF0] =	vst v14;
	v14 =	vmul.f32 v32, v23;
	v17 =	vld [tilespmem:s29+$0xC0]  }
0xef: {  	(erf) = vpow2.f32 v5;
	v12 =	vmax.f32 v12, v16;
	v5 =	vld [tilespmem:s29+$0xFFFFFF20];
	[tilespmem:s9+$0xFFFFFF80] =	vst v10;
	v10 =	vmul.f32 v19, v31  }
0xf0: {  	v12 =	vmul.f32 $1.442695020e+00, v12;
	[tilespmem:s9+$0x10] =	vst v14;
	v14 =	vmul.f32 v15, v22;
	v19 =	vld [tilespmem:s29+$0xFFFFFFA0];
	v16 =	vpop (erf)  }
0xf1: {  	(erf) = vpow2.f32 v13;
	v13 =	vld [tilespmem:s29+$0x20];
	[tilespmem:s16+$0x40] =	vst v10;
	v10 =	vmul.f32 v1, v16  }
0xf2: {  	s19 =	simm.s32 $0x6AE0;
	v15 =	vbroadcast v6, $0x2;
	(erf) = vpow2.f32 v12;
	v12 =	vld [tilespmem:s21+$0x50]  }
0xf3: {  	s20 =	simm.s32 $0xFA0;
	v39 =	vld [tilespmem:s14+$0xFFFFFFF0];
	v23 =	vbroadcast v8, $0x1;
	v18 =	vmul.f32 v18, v25;
	[tilespmem:s19+$0x110] =	vst v10  }
0xf4: {  	[tilespmem:s16+$0xFFFFFF30] =	vst v14;
	v14 =	vmul.f32 v17, v15;
	v17 =	vbroadcast v7, $0x1;
	v24 =	vld [tilespmem:s20+$0x80]  }
0xf5: {  	v20 =	vld [tilespmem:s21+$0xF0];
	v5 =	vmul.f32 v11, v5;
	[tilespmem:s16+$0xFFFFFFC0] =	vst v18  }
0xf6: {  	v22 =	vld [tilespmem:s21+$0xFFFFFF60];
	[tilespmem:s9+$0xD0] =	vst v14;
	v14 =	vmul.f32 v17, v19;
	v13 =	vmul.f32 v23, v13  }
0xf7: {  	[tilespmem:s9+$0xFFFFFF00] =	vst v5;
	v19 =	vbroadcast v16, $0x0;
	v18 =	vld [tilespmem:s29+$0xD0];
	v12 =	vmul.f32 v12, v31  }
0xf8: {  	v5 =	vld [tilespmem:s29+$0xFFFFFF30];
	[tilespmem:s9+$0xFFFFFF90] =	vst v14  }
0xf9: {  	v25 =	vld [tilespmem:s21+$0xFFFFFFE0];
	v10 =	vpop (erf);
	[tilespmem:s16+$0x50] =	vst v12;
	v12 =	vmul.f32 v19, v24  }
0xfa: {  	v14 =	vmul.f32 v1, v10;
	[tilespmem:s9+$0x20] =	vst v13;
	v26 =	vld [tilespmem:s29+$0xFFFFFFB0]  }
0xfb: {  	v49 =	vbroadcast v7, $0x2;
	v34 =	vbroadcast v8, $0x2;
	v27 =	vld [tilespmem:s29+$0x30];
	v13 =	vpop (erf);
	[tilespmem:s19+$0x90] =	vst v12  }
0xfc: {  	[tilespmem:s19+$0xFFFFFFF0] =	vst v14;
	v35 =	vbroadcast v13, $0x0;
	v14 =	vmul.f32 v18, v15;
	v18 =	vld [tilespmem:s20+$0x90]  }
0xfd: {  	v24 =	vld [tilespmem:s21+$0x60];
	v28 =	vpop (erf);
	v15 =	vmul.f32 v1, v13;
	v11 =	vmul.f32 v5, v11  }
0xfe: {  	v29 =	vld [tilespmem:s20+$0xFFFFFF80];
	v12 =	vmul.f32 v1, v28;
	[tilespmem:s9+$0xE0] =	vst v14;
	v14 =	vbroadcast v4, $0x3  }
0xff: {  	[tilespmem:s19+$0x80] =	vst v15;
	v4 =	vmul.f32 v26, v17;
	v26 =	vbroadcast v6, $0x3;
	v6 =	vld [tilespmem:s15+$0x10]  }
0x100: {  	v15 =	vbroadcast v2, $0x3;
	[tilespmem:s9+$0xFFFFFF10] =	vst v11;
	v2 =	vbroadcast v7, $0x3;
	v7 =	vld [tilespmem:s14+$0x10]  }
0x101: {  	v5 =	vbroadcast v3, $0x3;
	v30 =	vld [tilespmem:s29+$0xE0];
	[tilespmem:s19+$0xFFFFFF60] =	vst v12;
	v3 =	vmul.f32 v19, v18  }
0x102: {  	v11 =	vbroadcast v9, $0x2;
	v23 =	vmul.f32 v27, v23;
	v31 =	vld [tilespmem:s20+$0x0];
	[tilespmem:s9+$0xFFFFFFA0] =	vst v4  }
0x103: {  	v12 =	vld [tilespmem:s20+$0xFFFFFF00];
	v4 =	vbroadcast v9, $0x3;
	v22 =	vmul.f32 v22, v14;
	[tilespmem:s19+$0xA0] =	vst v3  }
0x104: {  	v25 =	vmul.f32 v25, v15;
	v24 =	vmul.f32 v24, v5;
	v9 =	vld [tilespmem:s20+$0xA0]  }
0x105: {  	v27 =	vld [tilespmem:s15+$0xFFFFFFE0];
	[tilespmem:s9+$0x30] =	vst v23;
	v3 =	vbroadcast v8, $0x3;
	v8 =	vmul.f32 v20, v21  }
0x106: {  	v17 =	vld [tilespmem:s29+$0xFFFFFF40];
	[tilespmem:s16+$0xFFFFFF40] =	vst v22;
	v18 =	vmul.f32 v30, v26;
	v21 =	vbroadcast v28, $0x0  }
0x107: {  	v50 =	vld [tilespmem:s29+$0xFFFFFFC0];
	v40 =	vadd.f32 v7, v6;
	[tilespmem:s16+$0x100] =	vst v8;
	v8 =	vmul.f32 v35, v31;
	v31 =	vbroadcast v16, $0x1  }
0x108: {  	v20 =	vbroadcast v10, $0x0;
	[tilespmem:s9+$0xF0] =	vst v18;
	v7 =	vmul.f32 v21, v12;
	v12 =	vld [tilespmem:s15+$0x0]  }
0x109: {  	v51 =	vmul.f32 $2.000000030e-01, v40;
	[tilespmem:s19+$0x0] =	vst v8;
	v8 =	vmul.f32 v31, v9;
	v9 =	vld [tilespmem:s14+$0x0]  }
0x10a: {  	v19 =	vbroadcast v10, $0x1;
	v30 =	vld [tilespmem:s29+$0xF0];
	v37 =	vmul.f32 v20, v29;
	[tilespmem:s19+$0xFFFFFEE0] =	vst v7  }
0x10b: {  	v6 =	vbroadcast v28, $0x2;
	v52 =	vld [tilespmem:s20+$0xFFFFFF10];
	[tilespmem:s19+$0xB0] =	vst v8;
	v8 =	vmul.f32 v17, v11;
	v17 =	vmax.f32 v40, v51  }
0x10c: {  	v18 =	vbroadcast v28, $0x1;
	[tilespmem:s19+$0xFFFFFF70] =	vst v37;
	v17 =	vmul.f32 $1.442695020e+00, v17;
	v23 =	vld [tilespmem:s20+$0xB0]  }
0x10d: {  	v33 =	vmul.f32 v50, v49;
	v29 =	vbroadcast v13, $0x1;
	v53 =	vld [tilespmem:s20+$0xFFFFFF90];
	[tilespmem:s9+$0xFFFFFF20] =	vst v8;
	v8 =	vadd.f32 v39, v38  }
0x10e: {  	[tilespmem:s16+$0xFFFFFFD0] =	vst v25;
	v7 =	vbroadcast v10, $0x2;
	v9 =	vadd.f32 v9, v12;
	(erf) = vpow2.f32 v17;
	v12 =	vld [tilespmem:s20+$0x10]  }
0x10f: {  	[tilespmem:s16+$0x60] =	vst v24;
	v24 =	vld [tilespmem:s21+$0xFFFFFFF0];
	v17 =	vmul.f32 v30, v26;
	v26 =	vadd.f32 v36, v27;
	v22 =	vmul.f32 $2.000000030e-01, v8  }
0x110: {  	[tilespmem:s9+$0xFFFFFFB0] =	vst v33;
	v21 =	vmul.f32 v21, v52;
	v27 =	vld [tilespmem:s29+$0x40];
	v25 =	vmul.f32 $2.000000030e-01, v9  }
0x111: {  	v30 =	vld [tilespmem:s29+$0xFFFFFF50];
	[tilespmem:s9+$0x100] =	vst v17;
	v17 =	vmul.f32 $2.000000030e-01, v26;
	v8 =	vmax.f32 v8, v22;
	v22 =	vmul.f32 v23, v31  }
0x112: {  	v20 =	vmul.f32 v20, v53;
	[tilespmem:s19+$0xFFFFFEF0] =	vst v21;
	v23 =	vld [tilespmem:s29+$0xFFFFFFD0];
	v8 =	vmul.f32 $1.442695020e+00, v8;
	v9 =	vmax.f32 v9, v25  }
0x113: {  	v21 =	vld [tilespmem:s21+$0xFFFFFF70];
	v17 =	vmax.f32 v26, v17;
	v9 =	vmul.f32 $1.442695020e+00, v9;
	v12 =	vmul.f32 v35, v12;
	[tilespmem:s19+$0xC0] =	vst v22  }
0x114: {  	[tilespmem:s19+$0xFFFFFF80] =	vst v20;
	v17 =	vmul.f32 $1.442695020e+00, v17;
	(erf) = vpow2.f32 v8;
	v20 =	vld [tilespmem:s20+$0xC0]  }
0x115: {  	v25 =	vld [tilespmem:s20+$0xFFFFFF20];
	v8 =	vmul.f32 v27, v34;
	(erf) = vpow2.f32 v9  }
0x116: {  	v26 =	vld [tilespmem:s20+$0xFFFFFFA0];
	[tilespmem:s19+$0x10] =	vst v12;
	v9 =	vmul.f32 v30, v11;
	(erf) = vpow2.f32 v17  }
0x117: {  	v30 =	vbroadcast v16, $0x2;
	v17 =	vld [tilespmem:s20+$0x20];
	v23 =	vmul.f32 v23, v49;
	[tilespmem:s9+$0x40] =	vst v8;
	v12 =	vpop (erf)  }
0x118: {  	v54 =	vmul.f32 v21, v14;
	[tilespmem:s9+$0xFFFFFF30] =	vst v9;
	v31 =	vld [tilespmem:s29+$0x50];
	v27 =	vmul.f32 v1, v12  }
0x119: {  	s11 =	simm.s32 $0x6D20;
	v11 =	vbroadcast v13, $0x2;
	v22 =	vld [tilespmem:s29+$0xFFFFFF60];
	[tilespmem:s9+$0xFFFFFFC0] =	vst v23;
	v20 =	vmul.f32 v20, v30  }
0x11a: {  	s15 =	simm.s32 $0x11A0;
	v9 =	vbroadcast v10, $0x3;
	v25 =	vmul.f32 v18, v25;
	v23 =	vld [tilespmem:s29+$0xFFFFFFE0];
	[tilespmem:s11+$0x110] =	vst v27  }
0x11b: {  	v10 =	vbroadcast v13, $0x3;
	v13 =	vmul.f32 v19, v26;
	v26 =	vld [tilespmem:s15+$0x80];
	[tilespmem:s19+$0xD0] =	vst v20  }
0x11c: {  	v8 =	vbroadcast v28, $0x3;
	[tilespmem:s19+$0xFFFFFF00] =	vst v25;
	v14 =	vmul.f32 v29, v17;
	v55 =	vld [tilespmem:s20+$0xD0]  }
0x11d: {  	v57 =	vbroadcast v12, $0x0;
	[tilespmem:s19+$0xFFFFFF90] =	vst v13;
	v56 =	vld [tilespmem:s20+$0xFFFFFF30];
	v13 =	vmul.f32 v31, v34;
	v20 =	vpop (erf)  }
0x11e: {  	v17 =	vmul.f32 v24, v15;
	v31 =	vld [tilespmem:s20+$0xFFFFFFB0];
	[tilespmem:s19+$0x20] =	vst v14;
	v15 =	vmul.f32 v1, v20;
	v21 =	vpop (erf)  }
0x11f: {  	v25 =	vbroadcast v20, $0x0;
	v58 =	vld [tilespmem:s20+$0x30];
	[tilespmem:s9+$0x50] =	vst v13;
	v14 =	vmul.f32 v1, v21;
	v24 =	vpop (erf)  }
0x120: {  	v28 =	vld [tilespmem:s29+$0x60];
	v59 =	vmul.f32 v1, v24;
	[tilespmem:s11+$0xFFFFFFF0] =	vst v15;
	v15 =	vmul.f32 v57, v26  }
0x121: {  	v27 =	vbroadcast v24, $0x0;
	v60 =	vld [tilespmem:s15+$0xFFFFFF80];
	[tilespmem:s11+$0x80] =	vst v14;
	v30 =	vmul.f32 v55, v30  }
0x122: {  	v13 =	vbroadcast v24, $0x1;
	v26 =	vbroadcast v21, $0x0;
	v61 =	vld [tilespmem:s15+$0x0];
	[tilespmem:s11+$0x90] =	vst v15  }
0x123: {  	v14 =	vbroadcast v21, $0x1;
	v63 =	vmul.f32 v31, v19;
	v62 =	vld [tilespmem:s15+$0x90];
	[tilespmem:s19+$0xE0] =	vst v30  }
0x124: {  	v19 =	vbroadcast v20, $0x2;
	[tilespmem:s11+$0xFFFFFF60] =	vst v59;
	v30 =	vmul.f32 v56, v18;
	v32 =	vld [tilespmem:s20+$0xE0]  }
0x125: {  	[tilespmem:s16+$0xFFFFFF50] =	vst v54;
	v15 =	vbroadcast v20, $0x1;
	v35 =	vld [tilespmem:s15+$0xFFFFFF00];
	v18 =	vbroadcast v24, $0x2  }
0x126: {  	v31 =	vmul.f32 v58, v29;
	v29 =	vld [tilespmem:s21+$0x70];
	[tilespmem:s19+$0xFFFFFF10] =	vst v30;
	v38 =	vmul.f32 v25, v60  }
0x127: {  	[tilespmem:s19+$0xFFFFFFA0] =	vst v63;
	v30 =	vbroadcast v16, $0x3;
	v33 =	vld [tilespmem:s20+$0xFFFFFF40];
	v36 =	vmul.f32 v26, v61  }
0x128: {  	s13 =	simm.s32 $0x1C0;
	s12 =	simm.s32 $0xC;
	s21 =	simm.s32 $0x11A0;
	v34 =	vld [tilespmem:s20+$0xFFFFFFC0];
	v16 =	vbroadcast v21, $0x2;
	[tilespmem:s11+$0xFFFFFF70] =	vst v38;
	v37 =	vmul.f32 v57, v62  }
.LBB2_5:
0x129: {  	v38 =	vld [tilespmem:s13+$0x10];
	v24 =	vbroadcast v24, $0x3;
	[tilespmem:s11+$0x0] =	vst v36;
	s14 =	sadd.s32 $0x40, s14;
	v32 =	vmul.f32 v32, v30  }
0x12a: {  	v20 =	vbroadcast v20, $0x3;
	v36 =	vld [tilespmem:s14+$0x10];
	v35 =	vmul.f32 v27, v35;
	[tilespmem:s11+$0xA0] =	vst v37  }
0x12b: {  	s12 =	sadd.s32 $0x4, s12;
	v21 =	vbroadcast v21, $0x3;
	v22 =	vmul.f32 v22, v4;
	v37 =	vld [tilespmem:s15+$0xA0];
	[tilespmem:s19+$0xF0] =	vst v32  }
0x12c: {  	v23 =	vmul.f32 v23, v2;
	p1 =	slt.u32 s12, $0x4C;
	[tilespmem:s11+$0xFFFFFEE0] =	vst v35;
	v32 =	vmul.f32 v33, v6;
	v33 =	vld [tilespmem:s20+$0xF0]  }
0x12d: {  	v28 =	vmul.f32 v28, v3;
	v35 =	vld [tilespmem:s14+$0xFFFFFFE0];
	v34 =	vmul.f32 v34, v7;
	[tilespmem:s19+$0x30] =	vst v31  }
0x12e: {  	v39 =	vbroadcast v12, $0x1;
	v29 =	vmul.f32 v29, v5;
	v5 =	vmovc v3;
	v3 =	vmovc v10;
	v10 =	vmov v21;
	v31 =	vld [tilespmem:s13+$0xFFFFFFF0];
	[tilespmem:s19+$0xFFFFFF20] =	vst v32  }
0x12f: {  	v21 =	vld [tilespmem:s14+$0xFFFFFFF0];
	v32 =	vadd.f32 v36, v38;
	[tilespmem:s19+$0xFFFFFFB0] =	vst v34  }
0x130: {  	v34 =	vld [tilespmem:s13+$0x0];
	v36 =	vmul.f32 v39, v37;
	[tilespmem:s9+$0xFFFFFF40] =	vst v22  }
0x131: {  	v22 =	vld [tilespmem:s14+$0x0];
	v37 =	vmul.f32 $2.000000030e-01, v32;
	v30 =	vmul.f32 v33, v30;
	[tilespmem:s9+$0xFFFFFFD0] =	vst v23  }
0x132: {  	v23 =	vld [tilespmem:s13+$0xFFFFFFE0];
	[tilespmem:s11+$0xB0] =	vst v36  }
0x133: {  	v32 =	vmax.f32 v32, v37;
	v33 =	vld [tilespmem:s15+$0xFFFFFF10];
	[tilespmem:s19+$0x100] =	vst v30  }
0x134: {  	v21 =	vadd.f32 v21, v31;
	v30 =	vmul.f32 $1.442695020e+00, v32;
	v31 =	vld [tilespmem:s15+$0xB0];
	[tilespmem:s9+$0x60] =	vst v28  }
0x135: {  	v28 =	vld [tilespmem:s15+$0xFFFFFF90];
	[tilespmem:s16+$0xFFFFFFE0] =	vst v17  }
0x136: {  	v17 =	vmul.f32 $2.000000030e-01, v21;
	v22 =	vadd.f32 v22, v34;
	(erf) = vpow2.f32 v30;
	v30 =	vld [tilespmem:s15+$0x10];
	[tilespmem:s16+$0x70] =	vst v29;
	s16 =	smov.u32 s9;
	s9 =	smov.u32 s19;
	s19 =	smov.u32 s11  }
0x137: {  	v23 =	vadd.f32 v35, v23;
	v29 =	vld [tilespmem:s20+$0x40]  }
0x138: {  	v17 =	vmax.f32 v21, v17;
	v21 =	vmul.f32 $2.000000030e-01, v22;
	v27 =	vmul.f32 v27, v33;
	v32 =	vld [tilespmem:s20+$0xFFFFFF50]  }
0x139: {  	v33 =	vmul.f32 $2.000000030e-01, v23;
	v31 =	vmul.f32 v31, v39;
	v34 =	vld [tilespmem:s20+$0xFFFFFFD0]  }
0x13a: {  	v17 =	vmul.f32 $1.442695020e+00, v17;
	v21 =	vmax.f32 v22, v21;
	[tilespmem:s11+$0xFFFFFEF0] =	vst v27;
	v22 =	vmul.f32 v25, v28;
	v25 =	vld [tilespmem:s29+$0xFFFFFF70]  }
0x13b: {  	v23 =	vmax.f32 v23, v33;
	v21 =	vmul.f32 $1.442695020e+00, v21;
	v27 =	vld [tilespmem:s15+$0xFFFFFF20];
	v26 =	vmul.f32 v26, v30;
	[tilespmem:s11+$0xC0] =	vst v31  }
0x13c: {  	v23 =	vmul.f32 $1.442695020e+00, v23;
	(erf) = vpow2.f32 v17;
	[tilespmem:s11+$0xFFFFFF80] =	vst v22;
	v17 =	vld [tilespmem:s15+$0xC0]  }
0x13d: {  	v22 =	vmul.f32 v29, v11;
	(erf) = vpow2.f32 v21;
	v21 =	vld [tilespmem:s15+$0xFFFFFFA0];
	[tilespmem:s11+$0x10] =	vst v26  }
0x13e: {  	(erf) = vpow2.f32 v23;
	v26 =	vld [tilespmem:s15+$0x20];
	v23 =	vmul.f32 v32, v6;
	v6 =	vmov v18  }
0x13f: {  	v18 =	vbroadcast v12, $0x2;
	v28 =	vmul.f32 v34, v7;
	v7 =	vmov v19;
	v37 =	vpop (erf);
	[tilespmem:s9+$0x40] =	vst v22;
	v29 =	vld [tilespmem:s29+$0xFFFFFFF0]  }
0x140: {  	v19 =	vmul.f32 v1, v37;
	v27 =	vmul.f32 v13, v27;
	[tilespmem:s9+$0xFFFFFF30] =	vst v23;
	v30 =	vld [tilespmem:s20+$0x50]  }
0x141: {  	s11 =	sadd.s32 $0x240, s11;
	v33 =	vmul.f32 v25, v4;
	v4 =	vmovc v8;
	v8 =	vmov v24;
	v17 =	vmul.f32 v17, v18;
	v22 =	vld [tilespmem:s20+$0xFFFFFF60];
	[tilespmem:s9+$0xFFFFFFC0] =	vst v28  }
0x142: {  	s15 =	sadd.s32 $0x200, s15;
	[tilespmem:s11+$0x110] =	vst v19;
	v19 =	vmul.f32 v15, v21;
	v23 =	vld [tilespmem:s20+$0xFFFFFFE0]  }
0x143: {  	v28 =	vld [tilespmem:s15+$0x80];
	v24 =	vmul.f32 v14, v26;
	[tilespmem:s19+$0xD0] =	vst v17  }
0x144: {  	[tilespmem:s19+$0xFFFFFF00] =	vst v27;
	v26 =	vld [tilespmem:s21+$0xD0];
	v17 =	vmul.f32 v29, v2;
	v2 =	vmov v9;
	v9 =	vmov v20  }
0x145: {  	v20 =	vpop (erf);
	v29 =	vld [tilespmem:s21+$0xFFFFFF30];
	[tilespmem:s19+$0xFFFFFF90] =	vst v19;
	v19 =	vmul.f32 v30, v11;
	v11 =	vmov v16  }
0x146: {  	v34 =	vbroadcast v37, $0x0;
	v16 =	vmul.f32 v1, v20;
	v21 =	vpop (erf);
	v30 =	vld [tilespmem:s21+$0xFFFFFFB0];
	[tilespmem:s19+$0x20] =	vst v24  }
0x147: {  	v25 =	vbroadcast v20, $0x0;
	v31 =	vmul.f32 v1, v21;
	v24 =	vpop (erf);
	v36 =	vld [tilespmem:s21+$0x30];
	[tilespmem:s9+$0x50] =	vst v19  }
0x148: {  	v19 =	vmul.f32 v1, v24;
	[tilespmem:s11+$0xFFFFFFF0] =	vst v16;
	v16 =	vmul.f32 v34, v28;
	v28 =	vld [tilespmem:s20+$0x60]  }
0x149: {  	v27 =	vbroadcast v24, $0x0;
	v38 =	vld [tilespmem:s15+$0xFFFFFF80];
	[tilespmem:s11+$0x80] =	vst v31;
	v18 =	vmul.f32 v26, v18  }
0x14a: {  	v31 =	vbroadcast v24, $0x1;
	v26 =	vbroadcast v21, $0x0;
	v39 =	vld [tilespmem:s15+$0x0];
	[tilespmem:s11+$0x90] =	vst v16  }
0x14b: {  	v40 =	vbroadcast v21, $0x1;
	v16 =	vbroadcast v20, $0x1;
	v41 =	vld [tilespmem:s15+$0x90];
	[tilespmem:s19+$0xE0] =	vst v18  }
.Ltmp1:
0x14c: {  	v29 =	vmul.f32 v29, v13;
	v30 =	vmul.f32 v30, v15;
	v13 =	vmov v31;
	[tilespmem:s11+$0xFFFFFF60] =	vst v19;
	v32 =	vld [tilespmem:s21+$0xE0];
	(pc) =	sbr.rel @p1 .LBB2_5-.Ltmp1, $4  }
0x14d: {  	v18 =	vbroadcast v24, $0x2;
	v31 =	vmul.f32 v36, v14;
	v15 =	vmovc v16;
	v14 =	vmov v40;
	v35 =	vld [tilespmem:s15+$0xFFFFFF00];
	[tilespmem:s16+$0xFFFFFF50] =	vst v33  }
0x14e: {  	v19 =	vbroadcast v20, $0x2;
	v16 =	vmul.f32 v25, v38;
	[tilespmem:s19+$0xFFFFFF10] =	vst v29;
	v29 =	vld [tilespmem:s29+$0x70];
	s29 =	smov.u32 s20;
	s20 =	smov.u32 s21;
	s21 =	smov.u32 s15  }
0x14f: {  	v36 =	vmul.f32 v26, v39;
	v33 =	vld [tilespmem:s20+$0xFFFFFF40];
	[tilespmem:s19+$0xFFFFFFA0] =	vst v30;
	v30 =	vbroadcast v12, $0x3;
	v12 =	vmov v37  }
0x150: {  	s13 =	sadd.s32 $0x40, s13;
	[tilespmem:s11+$0xFFFFFF70] =	vst v16;
	v16 =	vbroadcast v21, $0x2;
	v37 =	vmul.f32 v34, v41;
	v34 =	vld [tilespmem:s20+$0xFFFFFFC0]  }
0x151: {  	_ = 	snop  }
0x152: {  	v35 =	vmul.f32 v27, v35;
	[tilespmem:s11+$0xA0] =	vst v37  }
0x153: {  	v37 =	vld [tilespmem:s15+$0xA0]  }
0x154: {  	[tilespmem:s11+$0xFFFFFEE0] =	vst v35  }
0x155: {  	v35 =	vld [tilespmem:s15+$0xFFFFFF10]  }
0x156: {  	[tilespmem:s11+$0x0] =	vst v36;
	v55 =	vbroadcast v12, $0x1;
	v38 =	vld [tilespmem:s15+$0xFFFFFF90]  }
0x157: {  	v39 =	vld [tilespmem:s15+$0x10]  }
0x158: {  	v37 =	vmul.f32 v55, v37;
	_ =	sdelay $0x1  }
0x159: {  	[tilespmem:s11+$0xB0] =	vst v37;
	v27 =	vmul.f32 v27, v35  }
0x15a: {  	v25 =	vmul.f32 v25, v38;
	v56 =	vld [tilespmem:s15+$0xB0]  }
0x15b: {  	v26 =	vmul.f32 v26, v39;
	[tilespmem:s11+$0xFFFFFEF0] =	vst v27  }
0x15c: {  	[tilespmem:s11+$0xFFFFFF80] =	vst v25;
	v27 =	vld [tilespmem:s15+$0xFFFFFF20]  }
0x15d: {  	v25 =	vld [tilespmem:s15+$0xFFFFFFA0];
	[tilespmem:s11+$0x10] =	vst v26  }
0x15e: {  	v26 =	vmul.f32 v32, v30;
	v57 =	vld [tilespmem:s15+$0x20]  }
0x15f: {  	v35 =	vmul.f32 v56, v55  }
0x160: {  	[tilespmem:s19+$0xF0] =	vst v26  }
0x161: {  	[tilespmem:s11+$0xC0] =	vst v35;
	v26 =	vmul.f32 v13, v27  }
0x162: {  	[tilespmem:s19+$0x30] =	vst v31;
	v25 =	vmul.f32 v15, v25;
	v27 =	vld [tilespmem:s15+$0xC0]  }
0x163: {  	v31 =	vmul.f32 v14, v57;
	[tilespmem:s11+$0xFFFFFF00] =	vst v26  }
0x164: {  	[tilespmem:s11+$0xFFFFFF90] =	vst v25;
	v26 =	vmul.f32 v33, v6;
	v58 =	vld [tilespmem:s21+$0xFFFFFF30]  }
0x165: {  	v59 =	vbroadcast v12, $0x2;
	v25 =	vmul.f32 v34, v7;
	v60 =	vld [tilespmem:s21+$0xFFFFFFB0];
	[tilespmem:s11+$0x20] =	vst v31  }
0x166: {  	v22 =	vmul.f32 v22, v4;
	[tilespmem:s19+$0xFFFFFF20] =	vst v26;
	v26 =	vld [tilespmem:s21+$0x30]  }
0x167: {  	v31 =	vld [tilespmem:s20+$0xF0];
	[tilespmem:s19+$0xFFFFFFB0] =	vst v25;
	v25 =	vmul.f32 v27, v59  }
0x168: {  	v23 =	vmul.f32 v23, v2;
	[tilespmem:s9+$0xFFFFFF40] =	vst v22  }
0x169: {  	[tilespmem:s11+$0xD0] =	vst v25;
	v13 =	vmul.f32 v58, v13  }
0x16a: {  	[tilespmem:s9+$0xFFFFFFD0] =	vst v23;
	v15 =	vmul.f32 v60, v15;
	v22 =	vld [tilespmem:s21+$0xD0]  }
0x16b: {  	v23 =	vld [tilespmem:s20+$0x40];
	v14 =	vmul.f32 v26, v14;
	[tilespmem:s11+$0xFFFFFF10] =	vst v13  }
0x16c: {  	[tilespmem:s11+$0xFFFFFFA0] =	vst v15;
	v13 =	vmul.f32 v31, v30;
	v25 =	vld [tilespmem:s21+$0xFFFFFF40]  }
0x16d: {  	v26 =	vld [tilespmem:s21+$0xFFFFFFC0];
	[tilespmem:s11+$0x30] =	vst v14  }
0x16e: {  	v15 =	vmul.f32 v28, v3;
	[tilespmem:s19+$0x100] =	vst v13;
	v13 =	vld [tilespmem:s21+$0x40]  }
0x16f: {  	[tilespmem:s16+$0xFFFFFFE0] =	vst v17;
	v14 =	vmul.f32 v22, v59  }
0x170: {  	v17 =	vmul.f32 v23, v11;
	[tilespmem:s9+$0x60] =	vst v15;
	v15 =	vld [tilespmem:s20+$0xFFFFFF50]  }
0x171: {  	v22 =	vld [tilespmem:s20+$0xFFFFFFD0];
	[tilespmem:s11+$0xE0] =	vst v14;
	v14 =	vmul.f32 v25, v18  }
0x172: {  	[tilespmem:s19+$0x40] =	vst v17;
	v23 =	vmul.f32 v26, v19;
	v17 =	vld [tilespmem:s21+$0xE0]  }
0x173: {  	v25 =	vld [tilespmem:s20+$0x50];
	v13 =	vmul.f32 v13, v16;
	[tilespmem:s11+$0xFFFFFF20] =	vst v14  }
0x174: {  	v5 =	vmul.f32 v29, v5;
	[tilespmem:s11+$0xFFFFFFB0] =	vst v23;
	v14 =	vld [tilespmem:s21+$0xFFFFFF50]  }
0x175: {  	v12 =	vbroadcast v12, $0x3;
	v6 =	vmul.f32 v15, v6;
	v15 =	vld [tilespmem:s21+$0xFFFFFFD0];
	[tilespmem:s11+$0x40] =	vst v13  }
0x176: {  	[tilespmem:s16+$0x70] =	vst v5;
	v5 =	vmul.f32 v22, v7;
	v7 =	vld [tilespmem:s21+$0x50]  }
0x177: {  	[tilespmem:s19+$0xFFFFFF30] =	vst v6;
	v13 =	vld [tilespmem:s29+$0xFFFFFF70];
	v6 =	vmul.f32 v17, v12  }
0x178: {  	[tilespmem:s19+$0xFFFFFFC0] =	vst v5;
	v5 =	vmul.f32 v25, v11;
	v17 =	vld [tilespmem:s20+$0xFFFFFF60]  }
0x179: {  	v11 =	vld [tilespmem:s20+$0xFFFFFFE0];
	[tilespmem:s11+$0xF0] =	vst v6;
	v6 =	vmul.f32 v14, v18  }
0x17a: {  	[tilespmem:s19+$0x50] =	vst v5;
	v14 =	vmul.f32 v15, v19;
	v5 =	vld [tilespmem:s21+$0xF0]  }
0x17b: {  	v15 =	vld [tilespmem:s20+$0x60];
	[tilespmem:s11+$0xFFFFFF30] =	vst v6;
	v6 =	vmul.f32 v7, v16  }
0x17c: {  	v4 =	vmul.f32 v13, v4;
	[tilespmem:s11+$0xFFFFFFC0] =	vst v14;
	v7 =	vld [tilespmem:s21+$0xFFFFFF60]  }
0x17d: {  	v13 =	vmul.f32 v17, v8;
	v14 =	vld [tilespmem:s21+$0xFFFFFFE0];
	[tilespmem:s11+$0x50] =	vst v6  }
0x17e: {  	[tilespmem:s9+$0xFFFFFF50] =	vst v4;
	v4 =	vmul.f32 v11, v9;
	v6 =	vld [tilespmem:s21+$0x60]  }
0x17f: {  	v16 =	vld [tilespmem:s29+$0xFFFFFFF0];
	v11 =	vbroadcast v24, $0x3;
	[tilespmem:s19+$0xFFFFFF40] =	vst v13;
	v5 =	vmul.f32 v5, v12  }
0x180: {  	v13 =	vld [tilespmem:s29+$0x70];
	v15 =	vmul.f32 v15, v10;
	[tilespmem:s19+$0xFFFFFFD0] =	vst v4;
	v12 =	vbroadcast v20, $0x3  }
0x181: {  	v4 =	vbroadcast v21, $0x3;
	[tilespmem:s11+$0x100] =	vst v5;
	v5 =	vld [tilespmem:s20+$0xFFFFFF70];
	v7 =	vmul.f32 v7, v11  }
0x182: {  	[tilespmem:s19+$0x60] =	vst v15;
	v15 =	vld [tilespmem:s20+$0xFFFFFFF0];
	v14 =	vmul.f32 v14, v12  }
0x183: {  	v17 =	vld [tilespmem:s20+$0x70];
	v6 =	vmul.f32 v6, v4;
	[tilespmem:s11+$0xFFFFFF40] =	vst v7  }
0x184: {  	v2 =	vmul.f32 v16, v2;
	[tilespmem:s11+$0xFFFFFFD0] =	vst v14;
	v7 =	vld [tilespmem:s21+$0xFFFFFF70]  }
0x185: {  	v3 =	vmul.f32 v13, v3;
	[tilespmem:s11+$0x60] =	vst v6;
	v6 =	vld [tilespmem:s21+$0xFFFFFFF0]  }
0x186: {  	[tilespmem:s9+$0xFFFFFFE0] =	vst v2;
	v2 =	vmul.f32 v5, v8;
	v5 =	vld [tilespmem:s21+$0x70]  }
0x187: {  	[tilespmem:s9+$0x70] =	vst v3;
	v3 =	vmul.f32 v15, v9  }
0x188: {  	[tilespmem:s19+$0xFFFFFF50] =	vst v2;
	v2 =	vmul.f32 v17, v10  }
0x189: {  	[tilespmem:s19+$0xFFFFFFE0] =	vst v3;
	v3 =	vmul.f32 v7, v11  }
0x18a: {  	[tilespmem:s19+$0x70] =	vst v2;
	v2 =	vmul.f32 v6, v12  }
0x18b: {  	[tilespmem:s11+$0xFFFFFF50] =	vst v3;
	v3 =	vmul.f32 v5, v4  }
0x18c: {  	[tilespmem:s11+$0xFFFFFFE0] =	vst v2  }
0x18d: {  	[tilespmem:s11+$0x70] =	vst v3  }
0x18e: {  	[spmem:s2] =	stream.indirect.scatter.add.f32 [tilespmem:s0], [sflag:$0x7], $0x90, s10, s10, $0xb8;
	[tilespmem:$0x1F1D0] =	vst v63  }
0x18f: {  	_ =	swait.ge [sflag:s4], $0x2D00  }
0x190: {  	s15 =	rddreg [dreg:$0x8]  }
0x191: {  	s9 =	sadd.s32 s31, s15  }
0x192: {  	[sflag:s4] =	ssyncset.done $0x0;
	s9 =	sshrl.u32 s9, $0x3  }
0x193: {  	[sflag:s4] =	ssyncadd.s32 $0xFFFFD300;
	s16 =	sadd.s32 s7, s9  }
0x194: {  	[tilespmem:s3], [sflag:$0x7] =	stream.linear.gather [hbm4b:s16+s3], $0x50, $0x38;
	[tilespmem:$0x1F1D0] =	vst v63  }
0x195: {  	_ =	swait.ge [sflag:s4], $0x50  }
0x196: {  	[sflag:s4] =	ssyncset.done $0x0  }
0x197: {  	s9 =	sadd.s32 s8, s9;
	[sflag:s4] =	ssyncadd.s32 $0xFFFFFFB0  }
0x198: {  	[tilespmem:s10], [sflag:$0x7] =	stream.linear.gather [hbm4b:s9+s3], $0x50, $0x38;
	[tilespmem:$0x1F1D0] =	vst v63  }
0x199: {  	_ =	swait.ge [sflag:s4], $0x50  }
0x19a: {  	[sflag:s4] =	ssyncset.done $0x0  }
0x19b: {  	s19 =	simm.s32 $0xAA0;
	[sflag:s4] =	ssyncadd.s32 $0xFFFFFFB0  }
0x19c: {  	[tilespmem:s19], [sflag:$0x1] =	stream.indirect.gather [hbm4b:s1+s10], $0x80, s3, s10, $0xb8;
	[tilespmem:$0x1F1D0] =	vst v63  }
0x19d: {  	s20 =	simm.s32 $0xA0  }
0x19e: {  	[tilespmem:s20], [sflag:$0x2] =	stream.indirect.gather [hbm4b:s5+s10], $0x10, s3, s10, $0xb8;
	[tilespmem:$0x1F1D0] =	vst v63  }
0x19f: {  	s21 =	simm.s32 $0x5A0  }
0x1a0: {  	[tilespmem:s21], [sflag:$0x3] =	stream.indirect.gather [hbm4b:s6+s10], $0x10, s10, s10, $0xb8;
	[tilespmem:$0x1F1D0] =	vst v63  }
0x1a1: {  	_ =	swait.ge [sflag:s25], $0x2800  }
0x1a2: {  	[sflag:s25] =	ssyncset.done $0x0  }
0x1a3: {  	[sflag:s25] =	ssyncadd.s32 $0xFFFFD800  }
0x1a4: {  	_ =	swait.ge [sflag:s26], $0x500  }
0x1a5: {  	[sflag:s26] =	ssyncset.done $0x0  }
0x1a6: {  	[sflag:s26] =	ssyncadd.s32 $0xFFFFFB00  }
0x1a7: {  	_ =	swait.ge [sflag:s28], $0x500  }
0x1a8: {  	[sflag:s28] =	ssyncset.done $0x0  }
0x1a9: {  	s31 =	simm.s32 $0x3360;
	[sflag:s28] =	ssyncadd.s32 $0xFFFFFB00  }
0x1aa: {  	s12 =	simm.s32 $0x3860;
	v2 =	vld [tilespmem:s31+$0x10]  }
0x1ab: {  	v3 =	vld [tilespmem:s12+$0x10];
	_ =	sdelay $0x4  }
0x1ac: {  	v2 =	vadd.f32 v3, v2;
	_ =	sdelay $0x1  }
0x1ad: {  	v3 =	vmul.f32 $2.000000030e-01, v2;
	_ =	sdelay $0x1  }
0x1ae: {  	v2 =	vmax.f32 v2, v3  }
0x1af: {  	v2 =	vmul.f32 $1.442695020e+00, v2;
	_ =	sdelay $0x1  }
0x1b0: {  	v4 =	vld [tilespmem:s31+$0x0];
	(erf) = vpow2.f32 v2  }
0x1b1: {  	v5 =	vld [tilespmem:s12+$0x0]  }
0x1b2: {  	v3 =	vld [tilespmem:s31+$0xFFFFFFF0]  }
0x1b3: {  	v2 =	vld [tilespmem:s12+$0xFFFFFFF0]  }
0x1b4: {  	v6 =	vld [tilespmem:s12+$0xFFFFFFE0]  }
0x1b5: {  	v7 =	vld [tilespmem:s31+$0xFFFFFFE0];
	_ =	sdelay $0x2  }
0x1b6: {  	v2 =	vadd.f32 v2, v3  }
0x1b7: {  	v3 =	vadd.f32 v5, v4;
	v5 =	vpop (erf)  }
0x1b8: {  	v6 =	vadd.f32 v6, v7;
	v4 =	vmul.f32 $2.000000030e-01, v2;
	v8 =	vmul.f32 v1, v5  }
0x1b9: {  	s16 =	simm.s32 $0x6660;
	v7 =	vmul.f32 $2.000000030e-01, v3  }
0x1ba: {  	s13 =	simm.s32 $0x3E40;
	v2 =	vmax.f32 v2, v4;
	v4 =	vmul.f32 $2.000000030e-01, v6;
	[tilespmem:s16+$0x110] =	vst v8  }
0x1bb: {  	v3 =	vmax.f32 v3, v7;
	v2 =	vmul.f32 $1.442695020e+00, v2;
	v7 =	vld [tilespmem:s13+$0x80]  }
0x1bc: {  	v3 =	vmul.f32 $1.442695020e+00, v3;
	v4 =	vmax.f32 v6, v4  }
0x1bd: {  	(erf) = vpow2.f32 v2;
	v2 =	vmul.f32 $1.442695020e+00, v4  }
0x1be: {  	v6 =	vbroadcast v5, $0x0;
	(erf) = vpow2.f32 v3  }
0x1bf: {  	(erf) = vpow2.f32 v2  }
0x1c0: {  	v2 =	vmul.f32 v6, v7;
	_ =	sdelay $0x1  }
0x1c1: {  	[tilespmem:s16+$0x90] =	vst v2  }
0x1c2: {  	v7 =	vld [tilespmem:s13+$0x90];
	_ =	sdelay $0x1  }
0x1c3: {  	s15 =	simm.s32 $0x33A0  }
0x1c4: {  	s19 =	simm.s32 $0x38A0;
	v9 =	vld [tilespmem:s15+$0x10];
	v2 =	vpop (erf)  }
0x1c5: {  	v11 =	vld [tilespmem:s19+$0x10];
	v8 =	vmul.f32 v1, v2;
	v3 =	vpop (erf)  }
0x1c6: {  	v4 =	vpop (erf);
	v6 =	vmul.f32 v6, v7  }
0x1c7: {  	[tilespmem:s16+$0xFFFFFFF0] =	vst v8;
	v7 =	vmul.f32 v1, v4  }
0x1c8: {  	v10 =	vmul.f32 v1, v3;
	v8 =	vld [tilespmem:s13+$0xFFFFFF80];
	[tilespmem:s16+$0xA0] =	vst v6  }
0x1c9: {  	[tilespmem:s16+$0xFFFFFF60] =	vst v7;
	v6 =	vld [tilespmem:s13+$0xA0]  }
0x1ca: {  	v9 =	vadd.f32 v11, v9;
	[tilespmem:s16+$0x80] =	vst v10;
	v7 =	vld [tilespmem:s13+$0xFFFFFF00]  }
0x1cb: {  	v15 =	vbroadcast v2, $0x0;
	v10 =	vld [tilespmem:s13+$0x0]  }
0x1cc: {  	v12 =	vld [tilespmem:s15+$0xFFFFFFF0];
	v14 =	vmul.f32 $2.000000030e-01, v9;
	v13 =	vbroadcast v5, $0x1  }
0x1cd: {  	v17 =	vld [tilespmem:s19+$0xFFFFFFF0];
	v16 =	vbroadcast v4, $0x0;
	v8 =	vmul.f32 v15, v8  }
0x1ce: {  	v19 =	vld [tilespmem:s15+$0x0];
	v18 =	vbroadcast v3, $0x0;
	v6 =	vmul.f32 v13, v6  }
0x1cf: {  	v9 =	vmax.f32 v9, v14;
	v14 =	vld [tilespmem:s19+$0x0];
	[tilespmem:s16+$0xFFFFFF70] =	vst v8;
	v7 =	vmul.f32 v16, v7  }
0x1d0: {  	v20 =	vld [tilespmem:s15+$0xFFFFFFE0];
	v9 =	vmul.f32 $1.442695020e+00, v9;
	[tilespmem:s16+$0xB0] =	vst v6;
	v6 =	vmul.f32 v18, v10  }
0x1d1: {  	v11 =	vld [tilespmem:s19+$0xFFFFFFE0];
	[tilespmem:s16+$0xFFFFFEE0] =	vst v7  }
0x1d2: {  	(erf) = vpow2.f32 v9;
	v7 =	vld [tilespmem:s13+$0xB0];
	[tilespmem:s16+$0x0] =	vst v6;
	v6 =	vadd.f32 v17, v12  }
0x1d3: {  	v9 =	vld [tilespmem:s13+$0xFFFFFF90]  }
0x1d4: {  	v10 =	vadd.f32 v14, v19;
	v8 =	vld [tilespmem:s13+$0xFFFFFF10];
	v14 =	vmul.f32 $2.000000030e-01, v6  }
0x1d5: {  	v12 =	vld [tilespmem:s13+$0x10]  }
0x1d6: {  	v11 =	vadd.f32 v11, v20;
	v17 =	vmul.f32 $2.000000030e-01, v10;
	v6 =	vmax.f32 v6, v14  }
0x1d7: {  	v7 =	vmul.f32 v7, v13;
	v6 =	vmul.f32 $1.442695020e+00, v6  }
0x1d8: {  	v13 =	vmul.f32 $2.000000030e-01, v11  }
0x1d9: {  	v9 =	vmul.f32 v15, v9;
	v10 =	vmax.f32 v10, v17;
	[tilespmem:s16+$0xC0] =	vst v7  }
0x1da: {  	v8 =	vmul.f32 v16, v8;
	v7 =	vmax.f32 v11, v13;
	v11 =	vmul.f32 v18, v12;
	v12 =	vld [tilespmem:s13+$0xC0]  }
0x1db: {  	v10 =	vmul.f32 $1.442695020e+00, v10;
	[tilespmem:s16+$0xFFFFFF80] =	vst v9;
	(erf) = vpow2.f32 v6;
	v6 =	vpop (erf)  }
0x1dc: {  	[tilespmem:s16+$0xFFFFFEF0] =	vst v8;
	v7 =	vmul.f32 $1.442695020e+00, v7;
	v9 =	vmul.f32 v1, v6  }
0x1dd: {  	s9 =	simm.s32 $0x68A0;
	(erf) = vpow2.f32 v10;
	v10 =	vld [tilespmem:s13+$0xFFFFFFA0];
	[tilespmem:s16+$0x10] =	vst v11;
	v11 =	vbroadcast v5, $0x2  }
0x1de: {  	s29 =	simm.s32 $0x4040;
	v8 =	vld [tilespmem:s13+$0xFFFFFF20];
	[tilespmem:s9+$0x110] =	vst v9  }
0x1df: {  	(erf) = vpow2.f32 v7;
	v9 =	vmul.f32 v12, v11;
	v12 =	vld [tilespmem:s29+$0x80]  }
0x1e0: {  	v14 =	vbroadcast v2, $0x1  }
0x1e1: {  	v13 =	vbroadcast v4, $0x1;
	v7 =	vld [tilespmem:s13+$0x20];
	[tilespmem:s16+$0xD0] =	vst v9  }
0x1e2: {  	v16 =	vbroadcast v6, $0x0;
	v9 =	vmul.f32 v14, v10;
	v10 =	vld [tilespmem:s13+$0xD0]  }
0x1e3: {  	s20 =	simm.s32 $0x33E0;
	v8 =	vmul.f32 v13, v8  }
0x1e4: {  	v23 =	vld [tilespmem:s20+$0xFFFFFFF0];
	v15 =	vbroadcast v3, $0x1;
	[tilespmem:s16+$0xFFFFFF90] =	vst v9;
	v9 =	vmul.f32 v16, v12  }
0x1e5: {  	v27 =	vld [tilespmem:s20+$0x0];
	[tilespmem:s16+$0xFFFFFF00] =	vst v8  }
0x1e6: {  	v17 =	vmul.f32 v15, v7;
	v18 =	vld [tilespmem:s13+$0xFFFFFF30];
	v7 =	vpop (erf);
	[tilespmem:s9+$0x90] =	vst v9  }
0x1e7: {  	v8 =	vpop (erf);
	v12 =	vmul.f32 v1, v7;
	v10 =	vmul.f32 v10, v11;
	v11 =	vld [tilespmem:s29+$0x90]  }
0x1e8: {  	s14 =	simm.s32 $0x3920;
	v62 =	vld [tilespmem:s20+$0xFFFFFFE0];
	v9 =	vpop (erf)  }
0x1e9: {  	v47 =	vld [tilespmem:s14+$0xFFFFFFE0];
	s12 =	simm.s32 $0x38E0;
	[tilespmem:s9+$0xFFFFFFF0] =	vst v12;
	v12 =	vmul.f32 v1, v9  }
0x1ea: {  	v26 =	vld [tilespmem:s12+$0xFFFFFFF0]  }
0x1eb: {  	v30 =	vld [tilespmem:s12+$0x0];
	[tilespmem:s9+$0xFFFFFF60] =	vst v12;
	v12 =	vmul.f32 v18, v13  }
0x1ec: {  	v11 =	vmul.f32 v16, v11;
	v16 =	vld [tilespmem:s20+$0x10]  }
0x1ed: {  	[tilespmem:s16+$0xFFFFFF10] =	vst v12;
	v12 =	vld [tilespmem:s12+$0x10]  }
0x1ee: {  	v19 =	vld [tilespmem:s13+$0xFFFFFFB0];
	[tilespmem:s9+$0xA0] =	vst v11  }
0x1ef: {  	[tilespmem:s16+$0x20] =	vst v17;
	v11 =	vld [tilespmem:s29+$0xA0]  }
0x1f0: {  	v20 =	vld [tilespmem:s13+$0x30];
	v17 =	vmul.f32 v1, v8  }
0x1f1: {  	v25 =	vbroadcast v2, $0x2;
	v13 =	vld [tilespmem:s29+$0xFFFFFF00]  }
0x1f2: {  	v22 =	vbroadcast v4, $0x2;
	v24 =	vbroadcast v6, $0x1;
	[tilespmem:s9+$0x80] =	vst v17;
	v21 =	vld [tilespmem:s29+$0xFFFFFF80];
	v12 =	vadd.f32 v12, v16  }
0x1f3: {  	v17 =	vld [tilespmem:s29+$0x0];
	v14 =	vmul.f32 v19, v14;
	v16 =	vbroadcast v9, $0x0  }
0x1f4: {  	[tilespmem:s16+$0xE0] =	vst v10;
	v18 =	vld [tilespmem:s13+$0xFFFFFF40];
	v11 =	vmul.f32 v24, v11;
	v28 =	vmul.f32 $2.000000030e-01, v12  }
0x1f5: {  	v29 =	vbroadcast v7, $0x0;
	v15 =	vmul.f32 v20, v15;
	v10 =	vld [tilespmem:s13+$0xE0];
	[tilespmem:s16+$0xFFFFFFA0] =	vst v14  }
0x1f6: {  	v61 =	vbroadcast v8, $0x0;
	v19 =	vld [tilespmem:s12+$0xFFFFFFE0];
	v13 =	vmul.f32 v16, v13;
	[tilespmem:s9+$0xB0] =	vst v11;
	v11 =	vmax.f32 v12, v28  }
0x1f7: {  	[tilespmem:s16+$0x30] =	vst v15;
	v14 =	vld [tilespmem:s13+$0xFFFFFFC0];
	v12 =	vmul.f32 v29, v21;
	v11 =	vmul.f32 $1.442695020e+00, v11  }
0x1f8: {  	v17 =	vmul.f32 v61, v17;
	[tilespmem:s9+$0xFFFFFEE0] =	vst v13;
	v21 =	vbroadcast v5, $0x3;
	v5 =	vadd.f32 v26, v23;
	v13 =	vld [tilespmem:s29+$0xB0]  }
0x1f9: {  	v20 =	vld [tilespmem:s29+$0xFFFFFF10];
	[tilespmem:s9+$0xFFFFFF70] =	vst v12;
	v12 =	vmul.f32 v18, v22;
	(erf) = vpow2.f32 v11  }
0x1fa: {  	[tilespmem:s9+$0x0] =	vst v17;
	v18 =	vadd.f32 v30, v27;
	v10 =	vmul.f32 v10, v21;
	v15 =	vmul.f32 $2.000000030e-01, v5;
	v17 =	vld [tilespmem:s29+$0xFFFFFF90]  }
0x1fb: {  	v31 =	vbroadcast v3, $0x2;
	v23 =	vld [tilespmem:s29+$0x10];
	[tilespmem:s16+$0xFFFFFF20] =	vst v12;
	v12 =	vadd.f32 v19, v62  }
0x1fc: {  	v19 =	vld [tilespmem:s13+$0x40];
	v26 =	vmul.f32 $2.000000030e-01, v18;
	[tilespmem:s16+$0xF0] =	vst v10;
	v10 =	vmul.f32 v14, v25;
	v5 =	vmax.f32 v5, v15  }
0x1fd: {  	v15 =	vld [tilespmem:s13+$0xFFFFFF50];
	v5 =	vmul.f32 $1.442695020e+00, v5;
	v13 =	vmul.f32 v13, v24  }
0x1fe: {  	v50 =	vld [tilespmem:s14+$0xFFFFFFF0];
	v14 =	vmul.f32 v16, v20;
	v16 =	vmul.f32 $2.000000030e-01, v12;
	v18 =	vmax.f32 v18, v26;
	[tilespmem:s16+$0xFFFFFFB0] =	vst v10  }
0x1ff: {  	[tilespmem:s9+$0xC0] =	vst v13;
	v10 =	vmul.f32 v29, v17;
	v13 =	vmul.f32 $1.442695020e+00, v18;
	v18 =	vld [tilespmem:s13+$0xFFFFFFD0]  }
0x200: {  	v11 =	vbroadcast v9, $0x1;
	[tilespmem:s9+$0xFFFFFEF0] =	vst v14;
	v14 =	vmul.f32 v61, v23;
	v17 =	vld [tilespmem:s29+$0xC0]  }
0x201: {  	(erf) = vpow2.f32 v5;
	v12 =	vmax.f32 v12, v16;
	v5 =	vld [tilespmem:s29+$0xFFFFFF20];
	[tilespmem:s9+$0xFFFFFF80] =	vst v10;
	v10 =	vmul.f32 v19, v31  }
0x202: {  	v12 =	vmul.f32 $1.442695020e+00, v12;
	[tilespmem:s9+$0x10] =	vst v14;
	v14 =	vmul.f32 v15, v22;
	v19 =	vld [tilespmem:s29+$0xFFFFFFA0];
	v16 =	vpop (erf)  }
0x203: {  	(erf) = vpow2.f32 v13;
	v13 =	vld [tilespmem:s29+$0x20];
	[tilespmem:s16+$0x40] =	vst v10;
	v10 =	vmul.f32 v1, v16  }
0x204: {  	s19 =	simm.s32 $0x6AE0;
	s31 =	simm.s32 $0x3420;
	v15 =	vbroadcast v6, $0x2;
	(erf) = vpow2.f32 v12;
	v12 =	vld [tilespmem:s13+$0x50]  }
0x205: {  	v49 =	vld [tilespmem:s31+$0xFFFFFFF0];
	s20 =	simm.s32 $0x4240;
	v23 =	vbroadcast v8, $0x1;
	v18 =	vmul.f32 v18, v25;
	[tilespmem:s19+$0x110] =	vst v10  }
0x206: {  	[tilespmem:s16+$0xFFFFFF30] =	vst v14;
	v14 =	vmul.f32 v17, v15;
	v17 =	vbroadcast v7, $0x1;
	v24 =	vld [tilespmem:s20+$0x80]  }
0x207: {  	v20 =	vld [tilespmem:s13+$0xF0];
	v5 =	vmul.f32 v11, v5;
	[tilespmem:s16+$0xFFFFFFC0] =	vst v18  }
0x208: {  	v22 =	vld [tilespmem:s13+$0xFFFFFF60];
	[tilespmem:s9+$0xD0] =	vst v14;
	v14 =	vmul.f32 v17, v19;
	v13 =	vmul.f32 v23, v13  }
0x209: {  	[tilespmem:s9+$0xFFFFFF00] =	vst v5;
	v19 =	vbroadcast v16, $0x0;
	v18 =	vld [tilespmem:s29+$0xD0];
	v12 =	vmul.f32 v12, v31  }
0x20a: {  	v5 =	vld [tilespmem:s29+$0xFFFFFF30];
	[tilespmem:s9+$0xFFFFFF90] =	vst v14  }
0x20b: {  	v25 =	vld [tilespmem:s13+$0xFFFFFFE0];
	v10 =	vpop (erf);
	[tilespmem:s16+$0x50] =	vst v12;
	v12 =	vmul.f32 v19, v24  }
0x20c: {  	v14 =	vmul.f32 v1, v10;
	[tilespmem:s9+$0x20] =	vst v13;
	v26 =	vld [tilespmem:s29+$0xFFFFFFB0]  }
0x20d: {  	v63 =	vbroadcast v7, $0x2;
	v45 =	vbroadcast v8, $0x2;
	v27 =	vld [tilespmem:s29+$0x30];
	v13 =	vpop (erf);
	[tilespmem:s19+$0x90] =	vst v12  }
0x20e: {  	[tilespmem:s19+$0xFFFFFFF0] =	vst v14;
	v46 =	vbroadcast v13, $0x0;
	v14 =	vmul.f32 v18, v15;
	v18 =	vld [tilespmem:s20+$0x90]  }
0x20f: {  	v24 =	vld [tilespmem:s13+$0x60];
	v28 =	vpop (erf);
	v15 =	vmul.f32 v1, v13;
	v11 =	vmul.f32 v5, v11  }
0x210: {  	v29 =	vld [tilespmem:s20+$0xFFFFFF80];
	v12 =	vmul.f32 v1, v28;
	[tilespmem:s9+$0xE0] =	vst v14;
	v14 =	vbroadcast v4, $0x3  }
0x211: {  	[tilespmem:s19+$0x80] =	vst v15;
	v4 =	vmul.f32 v26, v17;
	v26 =	vbroadcast v6, $0x3;
	v6 =	vld [tilespmem:s31+$0x10]  }
0x212: {  	v15 =	vbroadcast v2, $0x3;
	[tilespmem:s9+$0xFFFFFF10] =	vst v11;
	v2 =	vbroadcast v7, $0x3;
	v7 =	vld [tilespmem:s14+$0x10]  }
0x213: {  	v5 =	vbroadcast v3, $0x3;
	v30 =	vld [tilespmem:s29+$0xE0];
	[tilespmem:s19+$0xFFFFFF60] =	vst v12;
	v3 =	vmul.f32 v19, v18  }
0x214: {  	v11 =	vbroadcast v9, $0x2;
	v23 =	vmul.f32 v27, v23;
	v31 =	vld [tilespmem:s20+$0x0];
	[tilespmem:s9+$0xFFFFFFA0] =	vst v4  }
0x215: {  	v12 =	vld [tilespmem:s20+$0xFFFFFF00];
	v4 =	vbroadcast v9, $0x3;
	v22 =	vmul.f32 v22, v14;
	[tilespmem:s19+$0xA0] =	vst v3  }
0x216: {  	v25 =	vmul.f32 v25, v15;
	v24 =	vmul.f32 v24, v5;
	v9 =	vld [tilespmem:s20+$0xA0]  }
0x217: {  	v27 =	vld [tilespmem:s31+$0xFFFFFFE0];
	[tilespmem:s9+$0x30] =	vst v23;
	v3 =	vbroadcast v8, $0x3;
	v8 =	vmul.f32 v20, v21  }
0x218: {  	v17 =	vld [tilespmem:s29+$0xFFFFFF40];
	[tilespmem:s16+$0xFFFFFF40] =	vst v22;
	v18 =	vmul.f32 v30, v26;
	v21 =	vbroadcast v28, $0x0  }
0x219: {  	v44 =	vld [tilespmem:s29+$0xFFFFFFC0];
	v40 =	vadd.f32 v7, v6;
	[tilespmem:s16+$0x100] =	vst v8;
	v8 =	vmul.f32 v46, v31;
	v31 =	vbroadcast v16, $0x1  }
0x21a: {  	v20 =	vbroadcast v10, $0x0;
	[tilespmem:s9+$0xF0] =	vst v18;
	v7 =	vmul.f32 v21, v12;
	v12 =	vld [tilespmem:s31+$0x0]  }
0x21b: {  	v51 =	vmul.f32 $2.000000030e-01, v40;
	[tilespmem:s19+$0x0] =	vst v8;
	v8 =	vmul.f32 v31, v9;
	v9 =	vld [tilespmem:s14+$0x0]  }
0x21c: {  	v19 =	vbroadcast v10, $0x1;
	v30 =	vld [tilespmem:s29+$0xF0];
	v48 =	vmul.f32 v20, v29;
	[tilespmem:s19+$0xFFFFFEE0] =	vst v7  }
0x21d: {  	v6 =	vbroadcast v28, $0x2;
	v52 =	vld [tilespmem:s20+$0xFFFFFF10];
	[tilespmem:s19+$0xB0] =	vst v8;
	v8 =	vmul.f32 v17, v11;
	v17 =	vmax.f32 v40, v51  }
0x21e: {  	v18 =	vbroadcast v28, $0x1;
	[tilespmem:s19+$0xFFFFFF70] =	vst v48;
	v17 =	vmul.f32 $1.442695020e+00, v17;
	v23 =	vld [tilespmem:s20+$0xB0]  }
0x21f: {  	v33 =	vmul.f32 v44, v63;
	v29 =	vbroadcast v13, $0x1;
	v53 =	vld [tilespmem:s20+$0xFFFFFF90];
	[tilespmem:s9+$0xFFFFFF20] =	vst v8;
	v8 =	vadd.f32 v50, v49  }
0x220: {  	[tilespmem:s16+$0xFFFFFFD0] =	vst v25;
	v7 =	vbroadcast v10, $0x2;
	v9 =	vadd.f32 v9, v12;
	(erf) = vpow2.f32 v17;
	v12 =	vld [tilespmem:s20+$0x10]  }
0x221: {  	[tilespmem:s16+$0x60] =	vst v24;
	v24 =	vld [tilespmem:s13+$0xFFFFFFF0];
	v17 =	vmul.f32 v30, v26;
	v26 =	vadd.f32 v47, v27;
	v22 =	vmul.f32 $2.000000030e-01, v8  }
0x222: {  	[tilespmem:s9+$0xFFFFFFB0] =	vst v33;
	v21 =	vmul.f32 v21, v52;
	v27 =	vld [tilespmem:s29+$0x40];
	v25 =	vmul.f32 $2.000000030e-01, v9  }
0x223: {  	v30 =	vld [tilespmem:s29+$0xFFFFFF50];
	[tilespmem:s9+$0x100] =	vst v17;
	v17 =	vmul.f32 $2.000000030e-01, v26;
	v8 =	vmax.f32 v8, v22;
	v22 =	vmul.f32 v23, v31  }
0x224: {  	v20 =	vmul.f32 v20, v53;
	[tilespmem:s19+$0xFFFFFEF0] =	vst v21;
	v23 =	vld [tilespmem:s29+$0xFFFFFFD0];
	v8 =	vmul.f32 $1.442695020e+00, v8;
	v9 =	vmax.f32 v9, v25  }
0x225: {  	v21 =	vld [tilespmem:s13+$0xFFFFFF70];
	v17 =	vmax.f32 v26, v17;
	v9 =	vmul.f32 $1.442695020e+00, v9;
	v12 =	vmul.f32 v46, v12;
	[tilespmem:s19+$0xC0] =	vst v22  }
0x226: {  	[tilespmem:s19+$0xFFFFFF80] =	vst v20;
	v17 =	vmul.f32 $1.442695020e+00, v17;
	(erf) = vpow2.f32 v8;
	v20 =	vld [tilespmem:s20+$0xC0]  }
0x227: {  	v25 =	vld [tilespmem:s20+$0xFFFFFF20];
	v8 =	vmul.f32 v27, v45;
	(erf) = vpow2.f32 v9  }
0x228: {  	v26 =	vld [tilespmem:s20+$0xFFFFFFA0];
	[tilespmem:s19+$0x10] =	vst v12;
	v9 =	vmul.f32 v30, v11;
	(erf) = vpow2.f32 v17  }
0x229: {  	v30 =	vbroadcast v16, $0x2;
	v17 =	vld [tilespmem:s20+$0x20];
	v23 =	vmul.f32 v23, v63;
	[tilespmem:s9+$0x40] =	vst v8;
	v12 =	vpop (erf)  }
0x22a: {  	v54 =	vmul.f32 v21, v14;
	[tilespmem:s9+$0xFFFFFF30] =	vst v9;
	v31 =	vld [tilespmem:s29+$0x50];
	v27 =	vmul.f32 v1, v12  }
0x22b: {  	s11 =	simm.s32 $0x6D20;
	v11 =	vbroadcast v13, $0x2;
	v22 =	vld [tilespmem:s29+$0xFFFFFF60];
	[tilespmem:s9+$0xFFFFFFC0] =	vst v23;
	v20 =	vmul.f32 v20, v30  }
0x22c: {  	s15 =	simm.s32 $0x4440;
	v9 =	vbroadcast v10, $0x3;
	v25 =	vmul.f32 v18, v25;
	v23 =	vld [tilespmem:s29+$0xFFFFFFE0];
	[tilespmem:s11+$0x110] =	vst v27  }
0x22d: {  	v10 =	vbroadcast v13, $0x3;
	v13 =	vmul.f32 v19, v26;
	v26 =	vld [tilespmem:s15+$0x80];
	[tilespmem:s19+$0xD0] =	vst v20  }
0x22e: {  	v8 =	vbroadcast v28, $0x3;
	[tilespmem:s19+$0xFFFFFF00] =	vst v25;
	v14 =	vmul.f32 v29, v17;
	v55 =	vld [tilespmem:s20+$0xD0]  }
0x22f: {  	v57 =	vbroadcast v12, $0x0;
	[tilespmem:s19+$0xFFFFFF90] =	vst v13;
	v56 =	vld [tilespmem:s20+$0xFFFFFF30];
	v13 =	vmul.f32 v31, v45;
	v20 =	vpop (erf)  }
0x230: {  	v17 =	vmul.f32 v24, v15;
	v31 =	vld [tilespmem:s20+$0xFFFFFFB0];
	[tilespmem:s19+$0x20] =	vst v14;
	v15 =	vmul.f32 v1, v20;
	v21 =	vpop (erf)  }
0x231: {  	v25 =	vbroadcast v20, $0x0;
	v58 =	vld [tilespmem:s20+$0x30];
	[tilespmem:s9+$0x50] =	vst v13;
	v14 =	vmul.f32 v1, v21;
	v24 =	vpop (erf)  }
0x232: {  	v28 =	vld [tilespmem:s29+$0x60];
	v59 =	vmul.f32 v1, v24;
	[tilespmem:s11+$0xFFFFFFF0] =	vst v15;
	v15 =	vmul.f32 v57, v26  }
0x233: {  	v27 =	vbroadcast v24, $0x0;
	v60 =	vld [tilespmem:s15+$0xFFFFFF80];
	[tilespmem:s11+$0x80] =	vst v14;
	v30 =	vmul.f32 v55, v30  }
0x234: {  	v13 =	vbroadcast v24, $0x1;
	v26 =	vbroadcast v21, $0x0;
	v61 =	vld [tilespmem:s15+$0x0];
	[tilespmem:s11+$0x90] =	vst v15  }
0x235: {  	v14 =	vbroadcast v21, $0x1;
	v63 =	vmul.f32 v31, v19;
	v62 =	vld [tilespmem:s15+$0x90];
	[tilespmem:s19+$0xE0] =	vst v30  }
0x236: {  	v19 =	vbroadcast v20, $0x2;
	[tilespmem:s11+$0xFFFFFF60] =	vst v59;
	v30 =	vmul.f32 v56, v18;
	v32 =	vld [tilespmem:s20+$0xE0]  }
0x237: {  	[tilespmem:s16+$0xFFFFFF50] =	vst v54;
	v15 =	vbroadcast v20, $0x1;
	v35 =	vld [tilespmem:s15+$0xFFFFFF00];
	v18 =	vbroadcast v24, $0x2  }
0x238: {  	v31 =	vmul.f32 v58, v29;
	v29 =	vld [tilespmem:s13+$0x70];
	[tilespmem:s19+$0xFFFFFF10] =	vst v30;
	v38 =	vmul.f32 v25, v60  }
0x239: {  	[tilespmem:s19+$0xFFFFFFA0] =	vst v63;
	v30 =	vbroadcast v16, $0x3;
	v33 =	vld [tilespmem:s20+$0xFFFFFF40];
	v36 =	vmul.f32 v26, v61  }
0x23a: {  	s21 =	simm.s32 $0x4440;
	s12 =	simm.s32 $0xC;
	s13 =	simm.s32 $0x3460;
	v34 =	vld [tilespmem:s20+$0xFFFFFFC0];
	v16 =	vbroadcast v21, $0x2;
	[tilespmem:s11+$0xFFFFFF70] =	vst v38;
	v37 =	vmul.f32 v57, v62  }
.LBB2_7:
0x23b: {  	v38 =	vld [tilespmem:s13+$0x10];
	v24 =	vbroadcast v24, $0x3;
	[tilespmem:s11+$0x0] =	vst v36;
	s14 =	sadd.s32 $0x40, s14;
	v32 =	vmul.f32 v32, v30  }
0x23c: {  	v20 =	vbroadcast v20, $0x3;
	v36 =	vld [tilespmem:s14+$0x10];
	v35 =	vmul.f32 v27, v35;
	[tilespmem:s11+$0xA0] =	vst v37  }
0x23d: {  	s12 =	sadd.s32 $0x4, s12;
	v21 =	vbroadcast v21, $0x3;
	v22 =	vmul.f32 v22, v4;
	v37 =	vld [tilespmem:s15+$0xA0];
	[tilespmem:s19+$0xF0] =	vst v32  }
0x23e: {  	v23 =	vmul.f32 v23, v2;
	p1 =	slt.u32 s12, $0x4C;
	[tilespmem:s11+$0xFFFFFEE0] =	vst v35;
	v32 =	vmul.f32 v33, v6;
	v33 =	vld [tilespmem:s20+$0xF0]  }
0x23f: {  	v28 =	vmul.f32 v28, v3;
	v35 =	vld [tilespmem:s14+$0xFFFFFFE0];
	v34 =	vmul.f32 v34, v7;
	[tilespmem:s19+$0x30] =	vst v31  }
0x240: {  	v39 =	vbroadcast v12, $0x1;
	v29 =	vmul.f32 v29, v5;
	v5 =	vmovc v3;
	v3 =	vmovc v10;
	v10 =	vmov v21;
	v31 =	vld [tilespmem:s13+$0xFFFFFFF0];
	[tilespmem:s19+$0xFFFFFF20] =	vst v32  }
0x241: {  	v21 =	vld [tilespmem:s14+$0xFFFFFFF0];
	v32 =	vadd.f32 v36, v38;
	[tilespmem:s19+$0xFFFFFFB0] =	vst v34  }
0x242: {  	v34 =	vld [tilespmem:s13+$0x0];
	v36 =	vmul.f32 v39, v37;
	[tilespmem:s9+$0xFFFFFF40] =	vst v22  }
0x243: {  	v22 =	vld [tilespmem:s14+$0x0];
	v37 =	vmul.f32 $2.000000030e-01, v32;
	v30 =	vmul.f32 v33, v30;
	[tilespmem:s9+$0xFFFFFFD0] =	vst v23  }
0x244: {  	v23 =	vld [tilespmem:s13+$0xFFFFFFE0];
	[tilespmem:s11+$0xB0] =	vst v36  }
0x245: {  	v32 =	vmax.f32 v32, v37;
	v33 =	vld [tilespmem:s15+$0xFFFFFF10];
	[tilespmem:s19+$0x100] =	vst v30  }
0x246: {  	v21 =	vadd.f32 v21, v31;
	v30 =	vmul.f32 $1.442695020e+00, v32;
	v31 =	vld [tilespmem:s15+$0xB0];
	[tilespmem:s9+$0x60] =	vst v28  }
0x247: {  	v28 =	vld [tilespmem:s15+$0xFFFFFF90];
	[tilespmem:s16+$0xFFFFFFE0] =	vst v17  }
0x248: {  	v17 =	vmul.f32 $2.000000030e-01, v21;
	v22 =	vadd.f32 v22, v34;
	(erf) = vpow2.f32 v30;
	v30 =	vld [tilespmem:s15+$0x10];
	[tilespmem:s16+$0x70] =	vst v29;
	s16 =	smov.u32 s9;
	s9 =	smov.u32 s19;
	s19 =	smov.u32 s11  }
0x249: {  	v23 =	vadd.f32 v35, v23;
	v29 =	vld [tilespmem:s20+$0x40]  }
0x24a: {  	v17 =	vmax.f32 v21, v17;
	v21 =	vmul.f32 $2.000000030e-01, v22;
	v27 =	vmul.f32 v27, v33;
	v32 =	vld [tilespmem:s20+$0xFFFFFF50]  }
0x24b: {  	v33 =	vmul.f32 $2.000000030e-01, v23;
	v31 =	vmul.f32 v31, v39;
	v34 =	vld [tilespmem:s20+$0xFFFFFFD0]  }
0x24c: {  	v17 =	vmul.f32 $1.442695020e+00, v17;
	v21 =	vmax.f32 v22, v21;
	[tilespmem:s11+$0xFFFFFEF0] =	vst v27;
	v22 =	vmul.f32 v25, v28;
	v25 =	vld [tilespmem:s29+$0xFFFFFF70]  }
0x24d: {  	v23 =	vmax.f32 v23, v33;
	v21 =	vmul.f32 $1.442695020e+00, v21;
	v27 =	vld [tilespmem:s15+$0xFFFFFF20];
	v26 =	vmul.f32 v26, v30;
	[tilespmem:s11+$0xC0] =	vst v31  }
0x24e: {  	v23 =	vmul.f32 $1.442695020e+00, v23;
	(erf) = vpow2.f32 v17;
	[tilespmem:s11+$0xFFFFFF80] =	vst v22;
	v17 =	vld [tilespmem:s15+$0xC0]  }
0x24f: {  	v22 =	vmul.f32 v29, v11;
	(erf) = vpow2.f32 v21;
	v21 =	vld [tilespmem:s15+$0xFFFFFFA0];
	[tilespmem:s11+$0x10] =	vst v26  }
0x250: {  	(erf) = vpow2.f32 v23;
	v26 =	vld [tilespmem:s15+$0x20];
	v23 =	vmul.f32 v32, v6;
	v6 =	vmov v18  }
0x251: {  	v18 =	vbroadcast v12, $0x2;
	v28 =	vmul.f32 v34, v7;
	v7 =	vmov v19;
	v37 =	vpop (erf);
	[tilespmem:s9+$0x40] =	vst v22;
	v29 =	vld [tilespmem:s29+$0xFFFFFFF0]  }
0x252: {  	v19 =	vmul.f32 v1, v37;
	v27 =	vmul.f32 v13, v27;
	[tilespmem:s9+$0xFFFFFF30] =	vst v23;
	v30 =	vld [tilespmem:s20+$0x50]  }
0x253: {  	s11 =	sadd.s32 $0x240, s11;
	v33 =	vmul.f32 v25, v4;
	v4 =	vmovc v8;
	v8 =	vmov v24;
	v17 =	vmul.f32 v17, v18;
	v22 =	vld [tilespmem:s20+$0xFFFFFF60];
	[tilespmem:s9+$0xFFFFFFC0] =	vst v28  }
0x254: {  	s15 =	sadd.s32 $0x200, s15;
	[tilespmem:s11+$0x110] =	vst v19;
	v19 =	vmul.f32 v15, v21;
	v23 =	vld [tilespmem:s20+$0xFFFFFFE0]  }
0x255: {  	v28 =	vld [tilespmem:s15+$0x80];
	v24 =	vmul.f32 v14, v26;
	[tilespmem:s19+$0xD0] =	vst v17  }
0x256: {  	[tilespmem:s19+$0xFFFFFF00] =	vst v27;
	v26 =	vld [tilespmem:s21+$0xD0];
	v17 =	vmul.f32 v29, v2;
	v2 =	vmov v9;
	v9 =	vmov v20  }
0x257: {  	v20 =	vpop (erf);
	v29 =	vld [tilespmem:s21+$0xFFFFFF30];
	[tilespmem:s19+$0xFFFFFF90] =	vst v19;
	v19 =	vmul.f32 v30, v11;
	v11 =	vmov v16  }
0x258: {  	v34 =	vbroadcast v37, $0x0;
	v16 =	vmul.f32 v1, v20;
	v21 =	vpop (erf);
	v30 =	vld [tilespmem:s21+$0xFFFFFFB0];
	[tilespmem:s19+$0x20] =	vst v24  }
0x259: {  	v25 =	vbroadcast v20, $0x0;
	v31 =	vmul.f32 v1, v21;
	v24 =	vpop (erf);
	v36 =	vld [tilespmem:s21+$0x30];
	[tilespmem:s9+$0x50] =	vst v19  }
0x25a: {  	v19 =	vmul.f32 v1, v24;
	[tilespmem:s11+$0xFFFFFFF0] =	vst v16;
	v16 =	vmul.f32 v34, v28;
	v28 =	vld [tilespmem:s20+$0x60]  }
0x25b: {  	v27 =	vbroadcast v24, $0x0;
	v38 =	vld [tilespmem:s15+$0xFFFFFF80];
	[tilespmem:s11+$0x80] =	vst v31;
	v18 =	vmul.f32 v26, v18  }
0x25c: {  	v31 =	vbroadcast v24, $0x1;
	v26 =	vbroadcast v21, $0x0;
	v39 =	vld [tilespmem:s15+$0x0];
	[tilespmem:s11+$0x90] =	vst v16  }
0x25d: {  	v40 =	vbroadcast v21, $0x1;
	v16 =	vbroadcast v20, $0x1;
	v41 =	vld [tilespmem:s15+$0x90];
	[tilespmem:s19+$0xE0] =	vst v18  }
.Ltmp2:
0x25e: {  	v29 =	vmul.f32 v29, v13;
	v30 =	vmul.f32 v30, v15;
	v13 =	vmov v31;
	[tilespmem:s11+$0xFFFFFF60] =	vst v19;
	v32 =	vld [tilespmem:s21+$0xE0];
	(pc) =	sbr.rel @p1 .LBB2_7-.Ltmp2, $4  }
0x25f: {  	v18 =	vbroadcast v24, $0x2;
	v31 =	vmul.f32 v36, v14;
	v15 =	vmovc v16;
	v14 =	vmov v40;
	v35 =	vld [tilespmem:s15+$0xFFFFFF00];
	[tilespmem:s16+$0xFFFFFF50] =	vst v33  }
0x260: {  	v19 =	vbroadcast v20, $0x2;
	v16 =	vmul.f32 v25, v38;
	[tilespmem:s19+$0xFFFFFF10] =	vst v29;
	v29 =	vld [tilespmem:s29+$0x70];
	s29 =	smov.u32 s20;
	s20 =	smov.u32 s21;
	s21 =	smov.u32 s15  }
0x261: {  	v36 =	vmul.f32 v26, v39;
	v33 =	vld [tilespmem:s20+$0xFFFFFF40];
	[tilespmem:s19+$0xFFFFFFA0] =	vst v30;
	v30 =	vbroadcast v12, $0x3;
	v12 =	vmov v37  }
0x262: {  	s13 =	sadd.s32 $0x40, s13;
	[tilespmem:s11+$0xFFFFFF70] =	vst v16;
	v16 =	vbroadcast v21, $0x2;
	v37 =	vmul.f32 v34, v41;
	v34 =	vld [tilespmem:s20+$0xFFFFFFC0]  }
0x263: {  	_ = 	snop  }
0x264: {  	v35 =	vmul.f32 v27, v35;
	[tilespmem:s11+$0xA0] =	vst v37  }
0x265: {  	v37 =	vld [tilespmem:s15+$0xA0]  }
0x266: {  	[tilespmem:s11+$0xFFFFFEE0] =	vst v35  }
0x267: {  	v35 =	vld [tilespmem:s15+$0xFFFFFF10]  }
0x268: {  	[tilespmem:s11+$0x0] =	vst v36;
	v63 =	vbroadcast v12, $0x1;
	v38 =	vld [tilespmem:s15+$0xFFFFFF90]  }
0x269: {  	v39 =	vld [tilespmem:s15+$0x10]  }
0x26a: {  	v37 =	vmul.f32 v63, v37;
	_ =	sdelay $0x1  }
0x26b: {  	[tilespmem:s11+$0xB0] =	vst v37;
	v37 =	vmul.f32 v27, v35  }
0x26c: {  	v25 =	vmul.f32 v25, v38  }
0x26d: {  	v26 =	vmul.f32 v26, v39;
	[tilespmem:s11+$0xFFFFFEF0] =	vst v37  }
0x26e: {  	[tilespmem:s11+$0xFFFFFF80] =	vst v25;
	v27 =	vld [tilespmem:s15+$0xFFFFFF20]  }
0x26f: {  	v25 =	vld [tilespmem:s15+$0xFFFFFFA0];
	[tilespmem:s11+$0x10] =	vst v26  }
0x270: {  	v40 =	vld [tilespmem:s15+$0x20];
	_ =	sdelay $0x1  }
0x271: {  	[tilespmem:s19+$0x30] =	vst v31;
	v22 =	vmul.f32 v22, v4  }
0x272: {  	[tilespmem:s16+$0xFFFFFFE0] =	vst v17;
	v41 =	vmul.f32 v13, v27  }
0x273: {  	v55 =	vld [tilespmem:s20+$0x40];
	[tilespmem:s9+$0xFFFFFF40] =	vst v22;
	v25 =	vmul.f32 v15, v25  }
0x274: {  	v38 =	vld [tilespmem:s15+$0xB0];
	v43 =	vmul.f32 v14, v40;
	[tilespmem:s11+$0xFFFFFF00] =	vst v41  }
0x275: {  	v23 =	vmul.f32 v23, v2;
	[tilespmem:s11+$0xFFFFFF90] =	vst v25;
	v45 =	vld [tilespmem:s21+$0xFFFFFF30]  }
0x276: {  	v59 =	vmul.f32 v28, v3;
	v48 =	vld [tilespmem:s21+$0xFFFFFFB0];
	[tilespmem:s11+$0x20] =	vst v43  }
0x277: {  	[tilespmem:s9+$0xFFFFFFD0] =	vst v23;
	v5 =	vmul.f32 v29, v5;
	v49 =	vld [tilespmem:s21+$0x30]  }
0x278: {  	[tilespmem:s9+$0x60] =	vst v59;
	v39 =	vmul.f32 v32, v30  }
0x279: {  	[tilespmem:s16+$0x70] =	vst v5;
	v35 =	vmul.f32 v38, v63  }
0x27a: {  	v28 =	vmul.f32 v55, v11;
	v55 =	vld [tilespmem:s29+$0xFFFFFFF0];
	[tilespmem:s19+$0xF0] =	vst v39;
	v52 =	vmul.f32 v45, v13  }
0x27b: {  	v50 =	vld [tilespmem:s20+$0xF0];
	[tilespmem:s11+$0xC0] =	vst v35;
	v54 =	vmul.f32 v48, v15  }
0x27c: {  	v42 =	vld [tilespmem:s15+$0xC0];
	v56 =	vmul.f32 v49, v14;
	[tilespmem:s11+$0xFFFFFF10] =	vst v52  }
0x27d: {  	v44 =	vmul.f32 v33, v6;
	[tilespmem:s11+$0xFFFFFFA0] =	vst v54;
	v58 =	vld [tilespmem:s21+$0xFFFFFF40]  }
0x27e: {  	v46 =	vmul.f32 v34, v7;
	v60 =	vld [tilespmem:s21+$0xFFFFFFC0];
	[tilespmem:s11+$0x30] =	vst v56  }
0x27f: {  	v47 =	vbroadcast v12, $0x2;
	[tilespmem:s19+$0xFFFFFF20] =	vst v44;
	v61 =	vld [tilespmem:s21+$0x40]  }
0x280: {  	[tilespmem:s19+$0xFFFFFFB0] =	vst v46;
	v2 =	vmul.f32 v55, v2;
	v63 =	vld [tilespmem:s20+$0xFFFFFF50]  }
0x281: {  	[tilespmem:s19+$0x40] =	vst v28;
	v51 =	vmul.f32 v42, v47  }
0x282: {  	v34 =	vld [tilespmem:s20+$0x50];
	[tilespmem:s9+$0xFFFFFFE0] =	vst v2;
	v31 =	vmul.f32 v58, v18  }
0x283: {  	v57 =	vmul.f32 v50, v30;
	v30 =	vld [tilespmem:s20+$0xFFFFFFD0];
	[tilespmem:s11+$0xD0] =	vst v51;
	v33 =	vmul.f32 v60, v19  }
0x284: {  	v53 =	vld [tilespmem:s21+$0xD0];
	v13 =	vmul.f32 v61, v16;
	[tilespmem:s11+$0xFFFFFF20] =	vst v31  }
0x285: {  	v35 =	vmul.f32 v63, v6;
	[tilespmem:s11+$0xFFFFFFB0] =	vst v33;
	v14 =	vld [tilespmem:s21+$0xFFFFFF50]  }
0x286: {  	v37 =	vld [tilespmem:s21+$0xFFFFFFD0];
	[tilespmem:s11+$0x40] =	vst v13  }
0x287: {  	v43 =	vmul.f32 v34, v11;
	[tilespmem:s19+$0xFFFFFF30] =	vst v35;
	v39 =	vld [tilespmem:s21+$0x50]  }
0x288: {  	[tilespmem:s19+$0x100] =	vst v57;
	v38 =	vmul.f32 v30, v7;
	v42 =	vld [tilespmem:s20+$0xFFFFFF60]  }
0x289: {  	v40 =	vld [tilespmem:s29+$0xFFFFFF70];
	[tilespmem:s19+$0x50] =	vst v43;
	v62 =	vmul.f32 v53, v47  }
0x28a: {  	[tilespmem:s19+$0xFFFFFFC0] =	vst v38;
	v48 =	vld [tilespmem:s20+$0x60];
	v45 =	vmul.f32 v14, v18  }
0x28b: {  	v44 =	vld [tilespmem:s20+$0xFFFFFFE0];
	[tilespmem:s11+$0xE0] =	vst v62;
	v47 =	vmul.f32 v37, v19  }
0x28c: {  	v32 =	vld [tilespmem:s21+$0xE0];
	v49 =	vmul.f32 v39, v16;
	[tilespmem:s11+$0xFFFFFF30] =	vst v45  }
0x28d: {  	v52 =	vmul.f32 v42, v8;
	[tilespmem:s11+$0xFFFFFFC0] =	vst v47;
	v51 =	vld [tilespmem:s21+$0xFFFFFF60]  }
0x28e: {  	v50 =	vmul.f32 v40, v4;
	[tilespmem:s11+$0x50] =	vst v49;
	v14 =	vld [tilespmem:s21+$0xFFFFFFE0]  }
0x28f: {  	v36 =	vbroadcast v12, $0x3;
	v15 =	vmul.f32 v48, v10;
	[tilespmem:s19+$0xFFFFFF40] =	vst v52;
	v6 =	vld [tilespmem:s21+$0x60]  }
0x290: {  	[tilespmem:s9+$0xFFFFFF50] =	vst v50;
	v54 =	vbroadcast v24, $0x3;
	v53 =	vmul.f32 v44, v9;
	v59 =	vld [tilespmem:s20+$0xFFFFFF70]  }
0x291: {  	v57 =	vld [tilespmem:s29+$0x70];
	v56 =	vbroadcast v20, $0x3;
	[tilespmem:s19+$0x60] =	vst v15;
	v41 =	vmul.f32 v32, v36  }
0x292: {  	v61 =	vld [tilespmem:s20+$0x70];
	[tilespmem:s19+$0xFFFFFFD0] =	vst v53;
	v58 =	vbroadcast v21, $0x3;
	v7 =	vmul.f32 v51, v54  }
0x293: {  	v60 =	vld [tilespmem:s20+$0xFFFFFFF0];
	[tilespmem:s11+$0xF0] =	vst v41;
	v14 =	vmul.f32 v14, v56  }
0x294: {  	v46 =	vld [tilespmem:s21+$0xF0];
	v6 =	vmul.f32 v6, v58;
	[tilespmem:s11+$0xFFFFFF40] =	vst v7  }
0x295: {  	v2 =	vmul.f32 v59, v8;
	[tilespmem:s11+$0xFFFFFFD0] =	vst v14;
	v7 =	vld [tilespmem:s21+$0xFFFFFF70]  }
0x296: {  	v3 =	vmul.f32 v57, v3;
	[tilespmem:s11+$0x60] =	vst v6;
	v62 =	vld [tilespmem:s21+$0xFFFFFFF0]  }
0x297: {  	[tilespmem:s19+$0xFFFFFF50] =	vst v2;
	v2 =	vmul.f32 v61, v10;
	v63 =	vld [tilespmem:s21+$0x70]  }
0x298: {  	[tilespmem:s9+$0x70] =	vst v3;
	v3 =	vmul.f32 v60, v9  }
0x299: {  	[tilespmem:s19+$0x70] =	vst v2;
	v5 =	vmul.f32 v46, v36  }
0x29a: {  	[tilespmem:s19+$0xFFFFFFE0] =	vst v3;
	v3 =	vmul.f32 v7, v54  }
0x29b: {  	[tilespmem:s11+$0x100] =	vst v5;
	v2 =	vmul.f32 v62, v56  }
0x29c: {  	s30 =	sadd.s32 $0x1, s30;
	[tilespmem:s11+$0xFFFFFF50] =	vst v3;
	v3 =	vmul.f32 v63, v58  }
0x29d: {  	p1 =	sne.s32 s30, $0x3E;
	[tilespmem:s11+$0xFFFFFFE0] =	vst v2  }
.Ltmp3:
0x29e: {  	[tilespmem:s11+$0x70] =	vst v3;
	(pc) =	sbr.rel @p1 .LBB2_4-.Ltmp3, $4  }
0x29f: {  	[spmem:s2] =	stream.indirect.scatter.add.f32 [tilespmem:s0], [sflag:$0x7], $0x90, s18, s10, $0xb8;
	[tilespmem:$0x1F1D0] =	vst v63  }
0x2a0: {  	_ =	swait.ge [sflag:s4], $0x2D00  }
0x2a1: {  	[sflag:s4] =	ssyncset.done $0x0  }
0x2a2: {  	[sflag:s4] =	ssyncadd.s32 $0xFFFFD300  }
0x2a3: {  	_ =	swait.ge [sflag:s22], $0x2800  }
0x2a4: {  	[sflag:s22] =	ssyncset.done $0x0  }
0x2a5: {  	[sflag:s22] =	ssyncadd.s32 $0xFFFFD800  }
0x2a6: {  	_ =	swait.ge [sflag:s23], $0x500  }
0x2a7: {  	[sflag:s23] =	ssyncset.done $0x0  }
0x2a8: {  	[sflag:s23] =	ssyncadd.s32 $0xFFFFFB00  }
0x2a9: {  	_ =	swait.ge [sflag:s24], $0x500  }
0x2aa: {  	[sflag:s24] =	ssyncset.done $0x0  }
0x2ab: {  	s9 =	simm.s32 $0xC0;
	[sflag:s24] =	ssyncadd.s32 $0xFFFFFB00  }
0x2ac: {  	s11 =	simm.s32 $0x5C0;
	v2 =	vld [tilespmem:s9+$0x10]  }
0x2ad: {  	v3 =	vld [tilespmem:s11+$0x10];
	_ =	sdelay $0x4  }
0x2ae: {  	v2 =	vadd.f32 v3, v2;
	_ =	sdelay $0x1  }
0x2af: {  	v3 =	vmul.f32 $2.000000030e-01, v2;
	_ =	sdelay $0x1  }
0x2b0: {  	v2 =	vmax.f32 v2, v3  }
0x2b1: {  	v2 =	vmul.f32 $1.442695020e+00, v2;
	_ =	sdelay $0x1  }
0x2b2: {  	v4 =	vld [tilespmem:s9+$0x0];
	(erf) = vpow2.f32 v2  }
0x2b3: {  	v5 =	vld [tilespmem:s11+$0x0]  }
0x2b4: {  	v3 =	vld [tilespmem:s9+$0xFFFFFFF0]  }
0x2b5: {  	v2 =	vld [tilespmem:s11+$0xFFFFFFF0]  }
0x2b6: {  	v6 =	vld [tilespmem:s11+$0xFFFFFFE0]  }
0x2b7: {  	v7 =	vld [tilespmem:s9+$0xFFFFFFE0];
	_ =	sdelay $0x2  }
0x2b8: {  	v2 =	vadd.f32 v2, v3  }
0x2b9: {  	v3 =	vadd.f32 v5, v4;
	v5 =	vpop (erf)  }
0x2ba: {  	v6 =	vadd.f32 v6, v7;
	v4 =	vmul.f32 $2.000000030e-01, v2;
	v8 =	vmul.f32 v1, v5  }
0x2bb: {  	s16 =	simm.s32 $0x6660;
	v7 =	vmul.f32 $2.000000030e-01, v3  }
0x2bc: {  	s21 =	simm.s32 $0xBA0;
	v2 =	vmax.f32 v2, v4;
	v4 =	vmul.f32 $2.000000030e-01, v6;
	[tilespmem:s16+$0x110] =	vst v8  }
0x2bd: {  	v3 =	vmax.f32 v3, v7;
	v2 =	vmul.f32 $1.442695020e+00, v2;
	v7 =	vld [tilespmem:s21+$0x80]  }
0x2be: {  	v3 =	vmul.f32 $1.442695020e+00, v3;
	v4 =	vmax.f32 v6, v4  }
0x2bf: {  	(erf) = vpow2.f32 v2;
	v2 =	vmul.f32 $1.442695020e+00, v4  }
0x2c0: {  	v6 =	vbroadcast v5, $0x0;
	(erf) = vpow2.f32 v3  }
0x2c1: {  	(erf) = vpow2.f32 v2  }
0x2c2: {  	v2 =	vmul.f32 v6, v7;
	_ =	sdelay $0x1  }
0x2c3: {  	[tilespmem:s16+$0x90] =	vst v2  }
0x2c4: {  	v7 =	vld [tilespmem:s21+$0x90];
	_ =	sdelay $0x1  }
0x2c5: {  	s19 =	simm.s32 $0x100  }
0x2c6: {  	s20 =	simm.s32 $0x600;
	v9 =	vld [tilespmem:s19+$0x10];
	v2 =	vpop (erf)  }
0x2c7: {  	v11 =	vld [tilespmem:s20+$0x10];
	v8 =	vmul.f32 v1, v2;
	v3 =	vpop (erf)  }
0x2c8: {  	v4 =	vpop (erf);
	v6 =	vmul.f32 v6, v7  }
0x2c9: {  	[tilespmem:s16+$0xFFFFFFF0] =	vst v8;
	v7 =	vmul.f32 v1, v4  }
0x2ca: {  	v10 =	vmul.f32 v1, v3;
	v8 =	vld [tilespmem:s21+$0xFFFFFF80];
	[tilespmem:s16+$0xA0] =	vst v6  }
0x2cb: {  	[tilespmem:s16+$0xFFFFFF60] =	vst v7;
	v6 =	vld [tilespmem:s21+$0xA0]  }
0x2cc: {  	v9 =	vadd.f32 v11, v9;
	[tilespmem:s16+$0x80] =	vst v10;
	v7 =	vld [tilespmem:s21+$0xFFFFFF00]  }
0x2cd: {  	v15 =	vbroadcast v2, $0x0;
	v10 =	vld [tilespmem:s21+$0x0]  }
0x2ce: {  	v12 =	vld [tilespmem:s19+$0xFFFFFFF0];
	v14 =	vmul.f32 $2.000000030e-01, v9;
	v13 =	vbroadcast v5, $0x1  }
0x2cf: {  	v17 =	vld [tilespmem:s20+$0xFFFFFFF0];
	v16 =	vbroadcast v4, $0x0;
	v8 =	vmul.f32 v15, v8  }
0x2d0: {  	v19 =	vld [tilespmem:s19+$0x0];
	v18 =	vbroadcast v3, $0x0;
	v6 =	vmul.f32 v13, v6  }
0x2d1: {  	v9 =	vmax.f32 v9, v14;
	v14 =	vld [tilespmem:s20+$0x0];
	[tilespmem:s16+$0xFFFFFF70] =	vst v8;
	v7 =	vmul.f32 v16, v7  }
0x2d2: {  	v20 =	vld [tilespmem:s19+$0xFFFFFFE0];
	v9 =	vmul.f32 $1.442695020e+00, v9;
	[tilespmem:s16+$0xB0] =	vst v6;
	v6 =	vmul.f32 v18, v10  }
0x2d3: {  	v11 =	vld [tilespmem:s20+$0xFFFFFFE0];
	[tilespmem:s16+$0xFFFFFEE0] =	vst v7  }
0x2d4: {  	(erf) = vpow2.f32 v9;
	v7 =	vld [tilespmem:s21+$0xB0];
	[tilespmem:s16+$0x0] =	vst v6;
	v6 =	vadd.f32 v17, v12  }
0x2d5: {  	v9 =	vld [tilespmem:s21+$0xFFFFFF90]  }
0x2d6: {  	v10 =	vadd.f32 v14, v19;
	v8 =	vld [tilespmem:s21+$0xFFFFFF10];
	v14 =	vmul.f32 $2.000000030e-01, v6  }
0x2d7: {  	v12 =	vld [tilespmem:s21+$0x10]  }
0x2d8: {  	v11 =	vadd.f32 v11, v20;
	v17 =	vmul.f32 $2.000000030e-01, v10;
	v6 =	vmax.f32 v6, v14  }
0x2d9: {  	v7 =	vmul.f32 v7, v13;
	v6 =	vmul.f32 $1.442695020e+00, v6  }
0x2da: {  	v13 =	vmul.f32 $2.000000030e-01, v11  }
0x2db: {  	v9 =	vmul.f32 v15, v9;
	v10 =	vmax.f32 v10, v17;
	[tilespmem:s16+$0xC0] =	vst v7  }
0x2dc: {  	v8 =	vmul.f32 v16, v8;
	v7 =	vmax.f32 v11, v13;
	v11 =	vmul.f32 v18, v12;
	v12 =	vld [tilespmem:s21+$0xC0]  }
0x2dd: {  	v10 =	vmul.f32 $1.442695020e+00, v10;
	[tilespmem:s16+$0xFFFFFF80] =	vst v9;
	(erf) = vpow2.f32 v6;
	v6 =	vpop (erf)  }
0x2de: {  	[tilespmem:s16+$0xFFFFFEF0] =	vst v8;
	v7 =	vmul.f32 $1.442695020e+00, v7;
	v9 =	vmul.f32 v1, v6  }
0x2df: {  	s9 =	simm.s32 $0x68A0;
	(erf) = vpow2.f32 v10;
	v10 =	vld [tilespmem:s21+$0xFFFFFFA0];
	[tilespmem:s16+$0x10] =	vst v11;
	v11 =	vbroadcast v5, $0x2  }
0x2e0: {  	s29 =	simm.s32 $0xDA0;
	v8 =	vld [tilespmem:s21+$0xFFFFFF20];
	[tilespmem:s9+$0x110] =	vst v9  }
0x2e1: {  	(erf) = vpow2.f32 v7;
	v9 =	vmul.f32 v12, v11;
	v12 =	vld [tilespmem:s29+$0x80]  }
0x2e2: {  	v14 =	vbroadcast v2, $0x1  }
0x2e3: {  	v13 =	vbroadcast v4, $0x1;
	v7 =	vld [tilespmem:s21+$0x20];
	[tilespmem:s16+$0xD0] =	vst v9  }
0x2e4: {  	v16 =	vbroadcast v6, $0x0;
	v9 =	vmul.f32 v14, v10;
	v10 =	vld [tilespmem:s21+$0xD0]  }
0x2e5: {  	s30 =	simm.s32 $0x140;
	v8 =	vmul.f32 v13, v8  }
0x2e6: {  	s12 =	simm.s32 $0x640;
	v23 =	vld [tilespmem:s30+$0xFFFFFFF0];
	v15 =	vbroadcast v3, $0x1;
	[tilespmem:s16+$0xFFFFFF90] =	vst v9;
	v9 =	vmul.f32 v16, v12  }
0x2e7: {  	v26 =	vld [tilespmem:s12+$0xFFFFFFF0];
	[tilespmem:s16+$0xFFFFFF00] =	vst v8  }
0x2e8: {  	v17 =	vmul.f32 v15, v7;
	v18 =	vld [tilespmem:s21+$0xFFFFFF30];
	v7 =	vpop (erf);
	[tilespmem:s9+$0x90] =	vst v9  }
0x2e9: {  	v8 =	vpop (erf);
	v12 =	vmul.f32 v1, v7;
	v10 =	vmul.f32 v10, v11;
	v11 =	vld [tilespmem:s29+$0x90]  }
0x2ea: {  	v27 =	vld [tilespmem:s30+$0x0];
	v9 =	vpop (erf)  }
0x2eb: {  	v30 =	vld [tilespmem:s12+$0x0];
	[tilespmem:s9+$0xFFFFFFF0] =	vst v12;
	v12 =	vmul.f32 v1, v9  }
0x2ec: {  	s14 =	simm.s32 $0x680;
	v33 =	vld [tilespmem:s30+$0xFFFFFFE0]  }
0x2ed: {  	v36 =	vld [tilespmem:s14+$0xFFFFFFE0];
	[tilespmem:s9+$0xFFFFFF60] =	vst v12;
	v12 =	vmul.f32 v18, v13  }
0x2ee: {  	v11 =	vmul.f32 v16, v11;
	v16 =	vld [tilespmem:s30+$0x10]  }
0x2ef: {  	[tilespmem:s16+$0xFFFFFF10] =	vst v12;
	v12 =	vld [tilespmem:s12+$0x10]  }
0x2f0: {  	v19 =	vld [tilespmem:s21+$0xFFFFFFB0];
	[tilespmem:s9+$0xA0] =	vst v11  }
0x2f1: {  	[tilespmem:s16+$0x20] =	vst v17;
	v11 =	vld [tilespmem:s29+$0xA0]  }
0x2f2: {  	v20 =	vld [tilespmem:s21+$0x30];
	v17 =	vmul.f32 v1, v8  }
0x2f3: {  	v25 =	vbroadcast v2, $0x2;
	v13 =	vld [tilespmem:s29+$0xFFFFFF00]  }
0x2f4: {  	v22 =	vbroadcast v4, $0x2;
	v24 =	vbroadcast v6, $0x1;
	[tilespmem:s9+$0x80] =	vst v17;
	v21 =	vld [tilespmem:s29+$0xFFFFFF80];
	v12 =	vadd.f32 v12, v16  }
0x2f5: {  	v17 =	vld [tilespmem:s29+$0x0];
	v14 =	vmul.f32 v19, v14;
	v16 =	vbroadcast v9, $0x0  }
0x2f6: {  	[tilespmem:s16+$0xE0] =	vst v10;
	v18 =	vld [tilespmem:s21+$0xFFFFFF40];
	v11 =	vmul.f32 v24, v11;
	v28 =	vmul.f32 $2.000000030e-01, v12  }
0x2f7: {  	v29 =	vbroadcast v7, $0x0;
	v15 =	vmul.f32 v20, v15;
	v10 =	vld [tilespmem:s21+$0xE0];
	[tilespmem:s16+$0xFFFFFFA0] =	vst v14  }
0x2f8: {  	v32 =	vbroadcast v8, $0x0;
	v19 =	vld [tilespmem:s12+$0xFFFFFFE0];
	v13 =	vmul.f32 v16, v13;
	[tilespmem:s9+$0xB0] =	vst v11;
	v11 =	vmax.f32 v12, v28  }
0x2f9: {  	[tilespmem:s16+$0x30] =	vst v15;
	v14 =	vld [tilespmem:s21+$0xFFFFFFC0];
	v12 =	vmul.f32 v29, v21;
	v11 =	vmul.f32 $1.442695020e+00, v11  }
0x2fa: {  	v17 =	vmul.f32 v32, v17;
	[tilespmem:s9+$0xFFFFFEE0] =	vst v13;
	v21 =	vbroadcast v5, $0x3;
	v5 =	vadd.f32 v26, v23;
	v13 =	vld [tilespmem:s29+$0xB0]  }
0x2fb: {  	v20 =	vld [tilespmem:s29+$0xFFFFFF10];
	[tilespmem:s9+$0xFFFFFF70] =	vst v12;
	v12 =	vmul.f32 v18, v22;
	(erf) = vpow2.f32 v11  }
0x2fc: {  	[tilespmem:s9+$0x0] =	vst v17;
	v18 =	vadd.f32 v30, v27;
	v10 =	vmul.f32 v10, v21;
	v15 =	vmul.f32 $2.000000030e-01, v5;
	v17 =	vld [tilespmem:s29+$0xFFFFFF90]  }
0x2fd: {  	v31 =	vbroadcast v3, $0x2;
	v23 =	vld [tilespmem:s29+$0x10];
	[tilespmem:s16+$0xFFFFFF20] =	vst v12;
	v12 =	vadd.f32 v19, v33  }
0x2fe: {  	v19 =	vld [tilespmem:s21+$0x40];
	v26 =	vmul.f32 $2.000000030e-01, v18;
	[tilespmem:s16+$0xF0] =	vst v10;
	v10 =	vmul.f32 v14, v25;
	v5 =	vmax.f32 v5, v15  }
0x2ff: {  	s31 =	simm.s32 $0x180;
	v15 =	vld [tilespmem:s21+$0xFFFFFF50];
	v5 =	vmul.f32 $1.442695020e+00, v5;
	v13 =	vmul.f32 v13, v24  }
0x300: {  	v38 =	vld [tilespmem:s31+$0xFFFFFFF0];
	v14 =	vmul.f32 v16, v20;
	v16 =	vmul.f32 $2.000000030e-01, v12;
	v18 =	vmax.f32 v18, v26;
	[tilespmem:s16+$0xFFFFFFB0] =	vst v10  }
0x301: {  	[tilespmem:s9+$0xC0] =	vst v13;
	v10 =	vmul.f32 v29, v17;
	v13 =	vmul.f32 $1.442695020e+00, v18;
	v18 =	vld [tilespmem:s21+$0xFFFFFFD0]  }
0x302: {  	v11 =	vbroadcast v9, $0x1;
	[tilespmem:s9+$0xFFFFFEF0] =	vst v14;
	v14 =	vmul.f32 v32, v23;
	v17 =	vld [tilespmem:s29+$0xC0]  }
0x303: {  	(erf) = vpow2.f32 v5;
	v12 =	vmax.f32 v12, v16;
	v5 =	vld [tilespmem:s29+$0xFFFFFF20];
	[tilespmem:s9+$0xFFFFFF80] =	vst v10;
	v10 =	vmul.f32 v19, v31  }
0x304: {  	v12 =	vmul.f32 $1.442695020e+00, v12;
	[tilespmem:s9+$0x10] =	vst v14;
	v14 =	vmul.f32 v15, v22;
	v19 =	vld [tilespmem:s29+$0xFFFFFFA0];
	v16 =	vpop (erf)  }
0x305: {  	(erf) = vpow2.f32 v13;
	v13 =	vld [tilespmem:s29+$0x20];
	[tilespmem:s16+$0x40] =	vst v10;
	v10 =	vmul.f32 v1, v16  }
0x306: {  	s19 =	simm.s32 $0x6AE0;
	v15 =	vbroadcast v6, $0x2;
	(erf) = vpow2.f32 v12;
	v12 =	vld [tilespmem:s21+$0x50]  }
0x307: {  	v39 =	vld [tilespmem:s14+$0xFFFFFFF0];
	s20 =	simm.s32 $0xFA0;
	v23 =	vbroadcast v8, $0x1;
	v18 =	vmul.f32 v18, v25;
	[tilespmem:s19+$0x110] =	vst v10  }
0x308: {  	[tilespmem:s16+$0xFFFFFF30] =	vst v14;
	v14 =	vmul.f32 v17, v15;
	v17 =	vbroadcast v7, $0x1;
	v24 =	vld [tilespmem:s20+$0x80]  }
0x309: {  	v20 =	vld [tilespmem:s21+$0xF0];
	v5 =	vmul.f32 v11, v5;
	[tilespmem:s16+$0xFFFFFFC0] =	vst v18  }
0x30a: {  	v22 =	vld [tilespmem:s21+$0xFFFFFF60];
	[tilespmem:s9+$0xD0] =	vst v14;
	v14 =	vmul.f32 v17, v19;
	v13 =	vmul.f32 v23, v13  }
0x30b: {  	[tilespmem:s9+$0xFFFFFF00] =	vst v5;
	v19 =	vbroadcast v16, $0x0;
	v18 =	vld [tilespmem:s29+$0xD0];
	v12 =	vmul.f32 v12, v31  }
0x30c: {  	v5 =	vld [tilespmem:s29+$0xFFFFFF30];
	[tilespmem:s9+$0xFFFFFF90] =	vst v14  }
0x30d: {  	v25 =	vld [tilespmem:s21+$0xFFFFFFE0];
	v10 =	vpop (erf);
	[tilespmem:s16+$0x50] =	vst v12;
	v12 =	vmul.f32 v19, v24  }
0x30e: {  	v14 =	vmul.f32 v1, v10;
	[tilespmem:s9+$0x20] =	vst v13;
	v26 =	vld [tilespmem:s29+$0xFFFFFFB0]  }
0x30f: {  	v49 =	vbroadcast v7, $0x2;
	v34 =	vbroadcast v8, $0x2;
	v27 =	vld [tilespmem:s29+$0x30];
	v13 =	vpop (erf);
	[tilespmem:s19+$0x90] =	vst v12  }
0x310: {  	[tilespmem:s19+$0xFFFFFFF0] =	vst v14;
	v35 =	vbroadcast v13, $0x0;
	v14 =	vmul.f32 v18, v15;
	v18 =	vld [tilespmem:s20+$0x90]  }
0x311: {  	v24 =	vld [tilespmem:s21+$0x60];
	v28 =	vpop (erf);
	v15 =	vmul.f32 v1, v13;
	v11 =	vmul.f32 v5, v11  }
0x312: {  	v29 =	vld [tilespmem:s20+$0xFFFFFF80];
	v12 =	vmul.f32 v1, v28;
	[tilespmem:s9+$0xE0] =	vst v14;
	v14 =	vbroadcast v4, $0x3  }
0x313: {  	[tilespmem:s19+$0x80] =	vst v15;
	v4 =	vmul.f32 v26, v17;
	v26 =	vbroadcast v6, $0x3;
	v6 =	vld [tilespmem:s31+$0x10]  }
0x314: {  	v15 =	vbroadcast v2, $0x3;
	[tilespmem:s9+$0xFFFFFF10] =	vst v11;
	v2 =	vbroadcast v7, $0x3;
	v7 =	vld [tilespmem:s14+$0x10]  }
0x315: {  	v5 =	vbroadcast v3, $0x3;
	v30 =	vld [tilespmem:s29+$0xE0];
	[tilespmem:s19+$0xFFFFFF60] =	vst v12;
	v3 =	vmul.f32 v19, v18  }
0x316: {  	v11 =	vbroadcast v9, $0x2;
	v23 =	vmul.f32 v27, v23;
	v31 =	vld [tilespmem:s20+$0x0];
	[tilespmem:s9+$0xFFFFFFA0] =	vst v4  }
0x317: {  	v12 =	vld [tilespmem:s20+$0xFFFFFF00];
	v4 =	vbroadcast v9, $0x3;
	v22 =	vmul.f32 v22, v14;
	[tilespmem:s19+$0xA0] =	vst v3  }
0x318: {  	v25 =	vmul.f32 v25, v15;
	v24 =	vmul.f32 v24, v5;
	v9 =	vld [tilespmem:s20+$0xA0]  }
0x319: {  	v27 =	vld [tilespmem:s31+$0xFFFFFFE0];
	[tilespmem:s9+$0x30] =	vst v23;
	v3 =	vbroadcast v8, $0x3;
	v8 =	vmul.f32 v20, v21  }
0x31a: {  	v17 =	vld [tilespmem:s29+$0xFFFFFF40];
	[tilespmem:s16+$0xFFFFFF40] =	vst v22;
	v18 =	vmul.f32 v30, v26;
	v21 =	vbroadcast v28, $0x0  }
0x31b: {  	v50 =	vld [tilespmem:s29+$0xFFFFFFC0];
	v40 =	vadd.f32 v7, v6;
	[tilespmem:s16+$0x100] =	vst v8;
	v8 =	vmul.f32 v35, v31;
	v31 =	vbroadcast v16, $0x1  }
0x31c: {  	v20 =	vbroadcast v10, $0x0;
	[tilespmem:s9+$0xF0] =	vst v18;
	v7 =	vmul.f32 v21, v12;
	v12 =	vld [tilespmem:s31+$0x0]  }
0x31d: {  	v51 =	vmul.f32 $2.000000030e-01, v40;
	[tilespmem:s19+$0x0] =	vst v8;
	v8 =	vmul.f32 v31, v9;
	v9 =	vld [tilespmem:s14+$0x0]  }
0x31e: {  	v19 =	vbroadcast v10, $0x1;
	v30 =	vld [tilespmem:s29+$0xF0];
	v37 =	vmul.f32 v20, v29;
	[tilespmem:s19+$0xFFFFFEE0] =	vst v7  }
0x31f: {  	v6 =	vbroadcast v28, $0x2;
	v52 =	vld [tilespmem:s20+$0xFFFFFF10];
	[tilespmem:s19+$0xB0] =	vst v8;
	v8 =	vmul.f32 v17, v11;
	v17 =	vmax.f32 v40, v51  }
0x320: {  	v18 =	vbroadcast v28, $0x1;
	[tilespmem:s19+$0xFFFFFF70] =	vst v37;
	v17 =	vmul.f32 $1.442695020e+00, v17;
	v23 =	vld [tilespmem:s20+$0xB0]  }
0x321: {  	v33 =	vmul.f32 v50, v49;
	v29 =	vbroadcast v13, $0x1;
	v53 =	vld [tilespmem:s20+$0xFFFFFF90];
	[tilespmem:s9+$0xFFFFFF20] =	vst v8;
	v8 =	vadd.f32 v39, v38  }
0x322: {  	[tilespmem:s16+$0xFFFFFFD0] =	vst v25;
	v7 =	vbroadcast v10, $0x2;
	v9 =	vadd.f32 v9, v12;
	(erf) = vpow2.f32 v17;
	v12 =	vld [tilespmem:s20+$0x10]  }
0x323: {  	[tilespmem:s16+$0x60] =	vst v24;
	v24 =	vld [tilespmem:s21+$0xFFFFFFF0];
	v17 =	vmul.f32 v30, v26;
	v26 =	vadd.f32 v36, v27;
	v22 =	vmul.f32 $2.000000030e-01, v8  }
0x324: {  	[tilespmem:s9+$0xFFFFFFB0] =	vst v33;
	v21 =	vmul.f32 v21, v52;
	v27 =	vld [tilespmem:s29+$0x40];
	v25 =	vmul.f32 $2.000000030e-01, v9  }
0x325: {  	v30 =	vld [tilespmem:s29+$0xFFFFFF50];
	[tilespmem:s9+$0x100] =	vst v17;
	v17 =	vmul.f32 $2.000000030e-01, v26;
	v8 =	vmax.f32 v8, v22;
	v22 =	vmul.f32 v23, v31  }
0x326: {  	v20 =	vmul.f32 v20, v53;
	[tilespmem:s19+$0xFFFFFEF0] =	vst v21;
	v23 =	vld [tilespmem:s29+$0xFFFFFFD0];
	v8 =	vmul.f32 $1.442695020e+00, v8;
	v9 =	vmax.f32 v9, v25  }
0x327: {  	v21 =	vld [tilespmem:s21+$0xFFFFFF70];
	v17 =	vmax.f32 v26, v17;
	v9 =	vmul.f32 $1.442695020e+00, v9;
	v12 =	vmul.f32 v35, v12;
	[tilespmem:s19+$0xC0] =	vst v22  }
0x328: {  	[tilespmem:s19+$0xFFFFFF80] =	vst v20;
	v17 =	vmul.f32 $1.442695020e+00, v17;
	(erf) = vpow2.f32 v8;
	v20 =	vld [tilespmem:s20+$0xC0]  }
0x329: {  	v25 =	vld [tilespmem:s20+$0xFFFFFF20];
	v8 =	vmul.f32 v27, v34;
	(erf) = vpow2.f32 v9  }
0x32a: {  	v26 =	vld [tilespmem:s20+$0xFFFFFFA0];
	[tilespmem:s19+$0x10] =	vst v12;
	v9 =	vmul.f32 v30, v11;
	(erf) = vpow2.f32 v17  }
0x32b: {  	v30 =	vbroadcast v16, $0x2;
	v17 =	vld [tilespmem:s20+$0x20];
	v23 =	vmul.f32 v23, v49;
	[tilespmem:s9+$0x40] =	vst v8;
	v12 =	vpop (erf)  }
0x32c: {  	v54 =	vmul.f32 v21, v14;
	[tilespmem:s9+$0xFFFFFF30] =	vst v9;
	v31 =	vld [tilespmem:s29+$0x50];
	v27 =	vmul.f32 v1, v12  }
0x32d: {  	s11 =	simm.s32 $0x6D20;
	v11 =	vbroadcast v13, $0x2;
	v22 =	vld [tilespmem:s29+$0xFFFFFF60];
	[tilespmem:s9+$0xFFFFFFC0] =	vst v23;
	v20 =	vmul.f32 v20, v30  }
0x32e: {  	s15 =	simm.s32 $0x11A0;
	v9 =	vbroadcast v10, $0x3;
	v25 =	vmul.f32 v18, v25;
	v23 =	vld [tilespmem:s29+$0xFFFFFFE0];
	[tilespmem:s11+$0x110] =	vst v27  }
0x32f: {  	v10 =	vbroadcast v13, $0x3;
	v13 =	vmul.f32 v19, v26;
	v26 =	vld [tilespmem:s15+$0x80];
	[tilespmem:s19+$0xD0] =	vst v20  }
0x330: {  	v8 =	vbroadcast v28, $0x3;
	[tilespmem:s19+$0xFFFFFF00] =	vst v25;
	v14 =	vmul.f32 v29, v17;
	v55 =	vld [tilespmem:s20+$0xD0]  }
0x331: {  	v57 =	vbroadcast v12, $0x0;
	[tilespmem:s19+$0xFFFFFF90] =	vst v13;
	v56 =	vld [tilespmem:s20+$0xFFFFFF30];
	v13 =	vmul.f32 v31, v34;
	v20 =	vpop (erf)  }
0x332: {  	v17 =	vmul.f32 v24, v15;
	v31 =	vld [tilespmem:s20+$0xFFFFFFB0];
	[tilespmem:s19+$0x20] =	vst v14;
	v15 =	vmul.f32 v1, v20;
	v21 =	vpop (erf)  }
0x333: {  	v25 =	vbroadcast v20, $0x0;
	v58 =	vld [tilespmem:s20+$0x30];
	[tilespmem:s9+$0x50] =	vst v13;
	v14 =	vmul.f32 v1, v21;
	v24 =	vpop (erf)  }
0x334: {  	v28 =	vld [tilespmem:s29+$0x60];
	v59 =	vmul.f32 v1, v24;
	[tilespmem:s11+$0xFFFFFFF0] =	vst v15;
	v15 =	vmul.f32 v57, v26  }
0x335: {  	v27 =	vbroadcast v24, $0x0;
	v60 =	vld [tilespmem:s15+$0xFFFFFF80];
	[tilespmem:s11+$0x80] =	vst v14;
	v30 =	vmul.f32 v55, v30  }
0x336: {  	v13 =	vbroadcast v24, $0x1;
	v26 =	vbroadcast v21, $0x0;
	v61 =	vld [tilespmem:s15+$0x0];
	[tilespmem:s11+$0x90] =	vst v15  }
0x337: {  	v14 =	vbroadcast v21, $0x1;
	v63 =	vmul.f32 v31, v19;
	v62 =	vld [tilespmem:s15+$0x90];
	[tilespmem:s19+$0xE0] =	vst v30  }
0x338: {  	v19 =	vbroadcast v20, $0x2;
	[tilespmem:s11+$0xFFFFFF60] =	vst v59;
	v30 =	vmul.f32 v56, v18;
	v32 =	vld [tilespmem:s20+$0xE0]  }
0x339: {  	[tilespmem:s16+$0xFFFFFF50] =	vst v54;
	v15 =	vbroadcast v20, $0x1;
	v35 =	vld [tilespmem:s15+$0xFFFFFF00];
	v18 =	vbroadcast v24, $0x2  }
0x33a: {  	v31 =	vmul.f32 v58, v29;
	v29 =	vld [tilespmem:s21+$0x70];
	[tilespmem:s19+$0xFFFFFF10] =	vst v30;
	v38 =	vmul.f32 v25, v60  }
0x33b: {  	[tilespmem:s19+$0xFFFFFFA0] =	vst v63;
	v30 =	vbroadcast v16, $0x3;
	v33 =	vld [tilespmem:s20+$0xFFFFFF40];
	v36 =	vmul.f32 v26, v61  }
0x33c: {  	s13 =	simm.s32 $0x1C0;
	s12 =	simm.s32 $0xC;
	s21 =	simm.s32 $0x11A0;
	v34 =	vld [tilespmem:s20+$0xFFFFFFC0];
	v16 =	vbroadcast v21, $0x2;
	[tilespmem:s11+$0xFFFFFF70] =	vst v38;
	v37 =	vmul.f32 v57, v62  }
.LBB2_10:
0x33d: {  	v38 =	vld [tilespmem:s13+$0x10];
	v24 =	vbroadcast v24, $0x3;
	[tilespmem:s11+$0x0] =	vst v36;
	s14 =	sadd.s32 $0x40, s14;
	v32 =	vmul.f32 v32, v30  }
0x33e: {  	v20 =	vbroadcast v20, $0x3;
	v36 =	vld [tilespmem:s14+$0x10];
	v35 =	vmul.f32 v27, v35;
	[tilespmem:s11+$0xA0] =	vst v37  }
0x33f: {  	s12 =	sadd.s32 $0x4, s12;
	v21 =	vbroadcast v21, $0x3;
	v22 =	vmul.f32 v22, v4;
	v37 =	vld [tilespmem:s15+$0xA0];
	[tilespmem:s19+$0xF0] =	vst v32  }
0x340: {  	v23 =	vmul.f32 v23, v2;
	p1 =	slt.u32 s12, $0x4C;
	[tilespmem:s11+$0xFFFFFEE0] =	vst v35;
	v32 =	vmul.f32 v33, v6;
	v33 =	vld [tilespmem:s20+$0xF0]  }
0x341: {  	v28 =	vmul.f32 v28, v3;
	v35 =	vld [tilespmem:s14+$0xFFFFFFE0];
	v34 =	vmul.f32 v34, v7;
	[tilespmem:s19+$0x30] =	vst v31  }
0x342: {  	v39 =	vbroadcast v12, $0x1;
	v29 =	vmul.f32 v29, v5;
	v5 =	vmovc v3;
	v3 =	vmovc v10;
	v10 =	vmov v21;
	v31 =	vld [tilespmem:s13+$0xFFFFFFF0];
	[tilespmem:s19+$0xFFFFFF20] =	vst v32  }
0x343: {  	v21 =	vld [tilespmem:s14+$0xFFFFFFF0];
	v32 =	vadd.f32 v36, v38;
	[tilespmem:s19+$0xFFFFFFB0] =	vst v34  }
0x344: {  	v34 =	vld [tilespmem:s13+$0x0];
	v36 =	vmul.f32 v39, v37;
	[tilespmem:s9+$0xFFFFFF40] =	vst v22  }
0x345: {  	v22 =	vld [tilespmem:s14+$0x0];
	v37 =	vmul.f32 $2.000000030e-01, v32;
	v30 =	vmul.f32 v33, v30;
	[tilespmem:s9+$0xFFFFFFD0] =	vst v23  }
0x346: {  	v23 =	vld [tilespmem:s13+$0xFFFFFFE0];
	[tilespmem:s11+$0xB0] =	vst v36  }
0x347: {  	v32 =	vmax.f32 v32, v37;
	v33 =	vld [tilespmem:s15+$0xFFFFFF10];
	[tilespmem:s19+$0x100] =	vst v30  }
0x348: {  	v21 =	vadd.f32 v21, v31;
	v30 =	vmul.f32 $1.442695020e+00, v32;
	v31 =	vld [tilespmem:s15+$0xB0];
	[tilespmem:s9+$0x60] =	vst v28  }
0x349: {  	v28 =	vld [tilespmem:s15+$0xFFFFFF90];
	[tilespmem:s16+$0xFFFFFFE0] =	vst v17  }
0x34a: {  	v17 =	vmul.f32 $2.000000030e-01, v21;
	v22 =	vadd.f32 v22, v34;
	(erf) = vpow2.f32 v30;
	v30 =	vld [tilespmem:s15+$0x10];
	[tilespmem:s16+$0x70] =	vst v29;
	s16 =	smov.u32 s9;
	s9 =	smov.u32 s19;
	s19 =	smov.u32 s11  }
0x34b: {  	v23 =	vadd.f32 v35, v23;
	v29 =	vld [tilespmem:s20+$0x40]  }
0x34c: {  	v17 =	vmax.f32 v21, v17;
	v21 =	vmul.f32 $2.000000030e-01, v22;
	v27 =	vmul.f32 v27, v33;
	v32 =	vld [tilespmem:s20+$0xFFFFFF50]  }
0x34d: {  	v33 =	vmul.f32 $2.000000030e-01, v23;
	v31 =	vmul.f32 v31, v39;
	v34 =	vld [tilespmem:s20+$0xFFFFFFD0]  }
0x34e: {  	v17 =	vmul.f32 $1.442695020e+00, v17;
	v21 =	vmax.f32 v22, v21;
	[tilespmem:s11+$0xFFFFFEF0] =	vst v27;
	v22 =	vmul.f32 v25, v28;
	v25 =	vld [tilespmem:s29+$0xFFFFFF70]  }
0x34f: {  	v23 =	vmax.f32 v23, v33;
	v21 =	vmul.f32 $1.442695020e+00, v21;
	v27 =	vld [tilespmem:s15+$0xFFFFFF20];
	v26 =	vmul.f32 v26, v30;
	[tilespmem:s11+$0xC0] =	vst v31  }
0x350: {  	v23 =	vmul.f32 $1.442695020e+00, v23;
	(erf) = vpow2.f32 v17;
	[tilespmem:s11+$0xFFFFFF80] =	vst v22;
	v17 =	vld [tilespmem:s15+$0xC0]  }
0x351: {  	v22 =	vmul.f32 v29, v11;
	(erf) = vpow2.f32 v21;
	v21 =	vld [tilespmem:s15+$0xFFFFFFA0];
	[tilespmem:s11+$0x10] =	vst v26  }
0x352: {  	(erf) = vpow2.f32 v23;
	v26 =	vld [tilespmem:s15+$0x20];
	v23 =	vmul.f32 v32, v6;
	v6 =	vmov v18  }
0x353: {  	v18 =	vbroadcast v12, $0x2;
	v28 =	vmul.f32 v34, v7;
	v7 =	vmov v19;
	v37 =	vpop (erf);
	[tilespmem:s9+$0x40] =	vst v22;
	v29 =	vld [tilespmem:s29+$0xFFFFFFF0]  }
0x354: {  	v19 =	vmul.f32 v1, v37;
	v27 =	vmul.f32 v13, v27;
	[tilespmem:s9+$0xFFFFFF30] =	vst v23;
	v30 =	vld [tilespmem:s20+$0x50]  }
0x355: {  	s11 =	sadd.s32 $0x240, s11;
	v33 =	vmul.f32 v25, v4;
	v4 =	vmovc v8;
	v8 =	vmov v24;
	v17 =	vmul.f32 v17, v18;
	v22 =	vld [tilespmem:s20+$0xFFFFFF60];
	[tilespmem:s9+$0xFFFFFFC0] =	vst v28  }
0x356: {  	s15 =	sadd.s32 $0x200, s15;
	[tilespmem:s11+$0x110] =	vst v19;
	v19 =	vmul.f32 v15, v21;
	v23 =	vld [tilespmem:s20+$0xFFFFFFE0]  }
0x357: {  	v28 =	vld [tilespmem:s15+$0x80];
	v24 =	vmul.f32 v14, v26;
	[tilespmem:s19+$0xD0] =	vst v17  }
0x358: {  	[tilespmem:s19+$0xFFFFFF00] =	vst v27;
	v26 =	vld [tilespmem:s21+$0xD0];
	v17 =	vmul.f32 v29, v2;
	v2 =	vmov v9;
	v9 =	vmov v20  }
0x359: {  	v20 =	vpop (erf);
	v29 =	vld [tilespmem:s21+$0xFFFFFF30];
	[tilespmem:s19+$0xFFFFFF90] =	vst v19;
	v19 =	vmul.f32 v30, v11;
	v11 =	vmov v16  }
0x35a: {  	v34 =	vbroadcast v37, $0x0;
	v16 =	vmul.f32 v1, v20;
	v21 =	vpop (erf);
	v30 =	vld [tilespmem:s21+$0xFFFFFFB0];
	[tilespmem:s19+$0x20] =	vst v24  }
0x35b: {  	v25 =	vbroadcast v20, $0x0;
	v31 =	vmul.f32 v1, v21;
	v24 =	vpop (erf);
	v36 =	vld [tilespmem:s21+$0x30];
	[tilespmem:s9+$0x50] =	vst v19  }
0x35c: {  	v19 =	vmul.f32 v1, v24;
	[tilespmem:s11+$0xFFFFFFF0] =	vst v16;
	v16 =	vmul.f32 v34, v28;
	v28 =	vld [tilespmem:s20+$0x60]  }
0x35d: {  	v27 =	vbroadcast v24, $0x0;
	v38 =	vld [tilespmem:s15+$0xFFFFFF80];
	[tilespmem:s11+$0x80] =	vst v31;
	v18 =	vmul.f32 v26, v18  }
0x35e: {  	v31 =	vbroadcast v24, $0x1;
	v26 =	vbroadcast v21, $0x0;
	v39 =	vld [tilespmem:s15+$0x0];
	[tilespmem:s11+$0x90] =	vst v16  }
0x35f: {  	v40 =	vbroadcast v21, $0x1;
	v16 =	vbroadcast v20, $0x1;
	v41 =	vld [tilespmem:s15+$0x90];
	[tilespmem:s19+$0xE0] =	vst v18  }
.Ltmp4:
0x360: {  	v29 =	vmul.f32 v29, v13;
	v30 =	vmul.f32 v30, v15;
	v13 =	vmov v31;
	[tilespmem:s11+$0xFFFFFF60] =	vst v19;
	v32 =	vld [tilespmem:s21+$0xE0];
	(pc) =	sbr.rel @p1 .LBB2_10-.Ltmp4, $4  }
0x361: {  	v18 =	vbroadcast v24, $0x2;
	v31 =	vmul.f32 v36, v14;
	v15 =	vmovc v16;
	v14 =	vmov v40;
	v35 =	vld [tilespmem:s15+$0xFFFFFF00];
	[tilespmem:s16+$0xFFFFFF50] =	vst v33  }
0x362: {  	v19 =	vbroadcast v20, $0x2;
	v16 =	vmul.f32 v25, v38;
	[tilespmem:s19+$0xFFFFFF10] =	vst v29;
	v29 =	vld [tilespmem:s29+$0x70];
	s29 =	smov.u32 s20;
	s20 =	smov.u32 s21;
	s21 =	smov.u32 s15  }
0x363: {  	v36 =	vmul.f32 v26, v39;
	v33 =	vld [tilespmem:s20+$0xFFFFFF40];
	[tilespmem:s19+$0xFFFFFFA0] =	vst v30;
	v30 =	vbroadcast v12, $0x3;
	v12 =	vmov v37  }
0x364: {  	s13 =	sadd.s32 $0x40, s13;
	[tilespmem:s11+$0xFFFFFF70] =	vst v16;
	v16 =	vbroadcast v21, $0x2;
	v37 =	vmul.f32 v34, v41;
	v34 =	vld [tilespmem:s20+$0xFFFFFFC0]  }
0x365: {  	_ = 	snop  }
0x366: {  	v35 =	vmul.f32 v27, v35;
	[tilespmem:s11+$0xA0] =	vst v37  }
0x367: {  	v37 =	vld [tilespmem:s15+$0xA0]  }
0x368: {  	[tilespmem:s11+$0xFFFFFEE0] =	vst v35  }
0x369: {  	v35 =	vld [tilespmem:s15+$0xFFFFFF10]  }
0x36a: {  	[tilespmem:s11+$0x0] =	vst v36;
	v63 =	vbroadcast v12, $0x1;
	v38 =	vld [tilespmem:s15+$0xFFFFFF90]  }
0x36b: {  	v39 =	vld [tilespmem:s15+$0x10]  }
0x36c: {  	v37 =	vmul.f32 v63, v37;
	_ =	sdelay $0x1  }
0x36d: {  	[tilespmem:s11+$0xB0] =	vst v37;
	v37 =	vmul.f32 v27, v35  }
0x36e: {  	v25 =	vmul.f32 v25, v38  }
0x36f: {  	v26 =	vmul.f32 v26, v39;
	[tilespmem:s11+$0xFFFFFEF0] =	vst v37  }
0x370: {  	[tilespmem:s11+$0xFFFFFF80] =	vst v25;
	v27 =	vld [tilespmem:s15+$0xFFFFFF20]  }
0x371: {  	v25 =	vld [tilespmem:s15+$0xFFFFFFA0];
	[tilespmem:s11+$0x10] =	vst v26  }
0x372: {  	v40 =	vld [tilespmem:s15+$0x20];
	_ =	sdelay $0x1  }
0x373: {  	[tilespmem:s19+$0x30] =	vst v31;
	v22 =	vmul.f32 v22, v4  }
0x374: {  	[tilespmem:s16+$0xFFFFFFE0] =	vst v17;
	v41 =	vmul.f32 v13, v27  }
0x375: {  	v55 =	vld [tilespmem:s20+$0x40];
	[tilespmem:s9+$0xFFFFFF40] =	vst v22;
	v25 =	vmul.f32 v15, v25  }
0x376: {  	v38 =	vld [tilespmem:s15+$0xB0];
	v43 =	vmul.f32 v14, v40;
	[tilespmem:s11+$0xFFFFFF00] =	vst v41  }
0x377: {  	v23 =	vmul.f32 v23, v2;
	[tilespmem:s11+$0xFFFFFF90] =	vst v25;
	v45 =	vld [tilespmem:s21+$0xFFFFFF30]  }
0x378: {  	v59 =	vmul.f32 v28, v3;
	v48 =	vld [tilespmem:s21+$0xFFFFFFB0];
	[tilespmem:s11+$0x20] =	vst v43  }
0x379: {  	[tilespmem:s9+$0xFFFFFFD0] =	vst v23;
	v5 =	vmul.f32 v29, v5;
	v49 =	vld [tilespmem:s21+$0x30]  }
0x37a: {  	[tilespmem:s9+$0x60] =	vst v59;
	v39 =	vmul.f32 v32, v30  }
0x37b: {  	[tilespmem:s16+$0x70] =	vst v5;
	v35 =	vmul.f32 v38, v63  }
0x37c: {  	v28 =	vmul.f32 v55, v11;
	v55 =	vld [tilespmem:s29+$0xFFFFFFF0];
	[tilespmem:s19+$0xF0] =	vst v39;
	v52 =	vmul.f32 v45, v13  }
0x37d: {  	v50 =	vld [tilespmem:s20+$0xF0];
	[tilespmem:s11+$0xC0] =	vst v35;
	v54 =	vmul.f32 v48, v15  }
0x37e: {  	v42 =	vld [tilespmem:s15+$0xC0];
	v56 =	vmul.f32 v49, v14;
	[tilespmem:s11+$0xFFFFFF10] =	vst v52  }
0x37f: {  	v44 =	vmul.f32 v33, v6;
	[tilespmem:s11+$0xFFFFFFA0] =	vst v54;
	v58 =	vld [tilespmem:s21+$0xFFFFFF40]  }
0x380: {  	v46 =	vmul.f32 v34, v7;
	v60 =	vld [tilespmem:s21+$0xFFFFFFC0];
	[tilespmem:s11+$0x30] =	vst v56  }
0x381: {  	v47 =	vbroadcast v12, $0x2;
	[tilespmem:s19+$0xFFFFFF20] =	vst v44;
	v61 =	vld [tilespmem:s21+$0x40]  }
0x382: {  	[tilespmem:s19+$0xFFFFFFB0] =	vst v46;
	v2 =	vmul.f32 v55, v2;
	v63 =	vld [tilespmem:s20+$0xFFFFFF50]  }
0x383: {  	[tilespmem:s19+$0x40] =	vst v28;
	v51 =	vmul.f32 v42, v47  }
0x384: {  	v34 =	vld [tilespmem:s20+$0x50];
	[tilespmem:s9+$0xFFFFFFE0] =	vst v2;
	v31 =	vmul.f32 v58, v18  }
0x385: {  	v57 =	vmul.f32 v50, v30;
	v30 =	vld [tilespmem:s20+$0xFFFFFFD0];
	[tilespmem:s11+$0xD0] =	vst v51;
	v33 =	vmul.f32 v60, v19  }
0x386: {  	v53 =	vld [tilespmem:s21+$0xD0];
	v13 =	vmul.f32 v61, v16;
	[tilespmem:s11+$0xFFFFFF20] =	vst v31  }
0x387: {  	v35 =	vmul.f32 v63, v6;
	[tilespmem:s11+$0xFFFFFFB0] =	vst v33;
	v14 =	vld [tilespmem:s21+$0xFFFFFF50]  }
0x388: {  	v37 =	vld [tilespmem:s21+$0xFFFFFFD0];
	[tilespmem:s11+$0x40] =	vst v13  }
0x389: {  	v43 =	vmul.f32 v34, v11;
	[tilespmem:s19+$0xFFFFFF30] =	vst v35;
	v39 =	vld [tilespmem:s21+$0x50]  }
0x38a: {  	[tilespmem:s19+$0x100] =	vst v57;
	v38 =	vmul.f32 v30, v7;
	v42 =	vld [tilespmem:s20+$0xFFFFFF60]  }
0x38b: {  	v40 =	vld [tilespmem:s29+$0xFFFFFF70];
	[tilespmem:s19+$0x50] =	vst v43;
	v62 =	vmul.f32 v53, v47  }
0x38c: {  	[tilespmem:s19+$0xFFFFFFC0] =	vst v38;
	v48 =	vld [tilespmem:s20+$0x60];
	v45 =	vmul.f32 v14, v18  }
0x38d: {  	v44 =	vld [tilespmem:s20+$0xFFFFFFE0];
	[tilespmem:s11+$0xE0] =	vst v62;
	v47 =	vmul.f32 v37, v19  }
0x38e: {  	v32 =	vld [tilespmem:s21+$0xE0];
	v49 =	vmul.f32 v39, v16;
	[tilespmem:s11+$0xFFFFFF30] =	vst v45  }
0x38f: {  	v52 =	vmul.f32 v42, v8;
	[tilespmem:s11+$0xFFFFFFC0] =	vst v47;
	v51 =	vld [tilespmem:s21+$0xFFFFFF60]  }
0x390: {  	v50 =	vmul.f32 v40, v4;
	[tilespmem:s11+$0x50] =	vst v49;
	v14 =	vld [tilespmem:s21+$0xFFFFFFE0]  }
0x391: {  	v36 =	vbroadcast v12, $0x3;
	v15 =	vmul.f32 v48, v10;
	[tilespmem:s19+$0xFFFFFF40] =	vst v52;
	v6 =	vld [tilespmem:s21+$0x60]  }
0x392: {  	[tilespmem:s9+$0xFFFFFF50] =	vst v50;
	v54 =	vbroadcast v24, $0x3;
	v53 =	vmul.f32 v44, v9;
	v59 =	vld [tilespmem:s20+$0xFFFFFF70]  }
0x393: {  	v57 =	vld [tilespmem:s29+$0x70];
	v56 =	vbroadcast v20, $0x3;
	[tilespmem:s19+$0x60] =	vst v15;
	v41 =	vmul.f32 v32, v36  }
0x394: {  	v61 =	vld [tilespmem:s20+$0x70];
	[tilespmem:s19+$0xFFFFFFD0] =	vst v53;
	v58 =	vbroadcast v21, $0x3;
	v7 =	vmul.f32 v51, v54  }
0x395: {  	v60 =	vld [tilespmem:s20+$0xFFFFFFF0];
	[tilespmem:s11+$0xF0] =	vst v41;
	v14 =	vmul.f32 v14, v56  }
0x396: {  	v46 =	vld [tilespmem:s21+$0xF0];
	v6 =	vmul.f32 v6, v58;
	[tilespmem:s11+$0xFFFFFF40] =	vst v7  }
0x397: {  	v2 =	vmul.f32 v59, v8;
	[tilespmem:s11+$0xFFFFFFD0] =	vst v14;
	v7 =	vld [tilespmem:s21+$0xFFFFFF70]  }
0x398: {  	v3 =	vmul.f32 v57, v3;
	[tilespmem:s11+$0x60] =	vst v6;
	v62 =	vld [tilespmem:s21+$0xFFFFFFF0]  }
0x399: {  	[tilespmem:s19+$0xFFFFFF50] =	vst v2;
	v2 =	vmul.f32 v61, v10;
	v63 =	vld [tilespmem:s21+$0x70]  }
0x39a: {  	[tilespmem:s9+$0x70] =	vst v3;
	v3 =	vmul.f32 v60, v9  }
0x39b: {  	[tilespmem:s19+$0x70] =	vst v2;
	v5 =	vmul.f32 v46, v36  }
0x39c: {  	[tilespmem:s19+$0xFFFFFFE0] =	vst v3;
	v3 =	vmul.f32 v7, v54  }
0x39d: {  	[tilespmem:s11+$0x100] =	vst v5;
	v2 =	vmul.f32 v62, v56  }
0x39e: {  	[tilespmem:s11+$0xFFFFFF50] =	vst v3;
	v3 =	vmul.f32 v63, v58  }
0x39f: {  	[tilespmem:s11+$0xFFFFFFE0] =	vst v2  }
0x3a0: {  	[tilespmem:s11+$0x70] =	vst v3  }
0x3a1: {  	[spmem:s2] =	stream.indirect.scatter.add.f32 [tilespmem:s0], [sflag:$0x7], $0x90, s10, s10, $0xb8;
	[tilespmem:$0x1F1D0] =	vst v63  }
0x3a2: {  	_ =	swait.ge [sflag:s4], $0x2D00  }
0x3a3: {  	[sflag:s4] =	ssyncset.done $0x0  }
0x3a4: {  	[sflag:s4] =	ssyncadd.s32 $0xFFFFD300  }
0x3a5: {  	s21 =	stileid.u32;
	[bflag:$0x0] =	sbarrier.arrive $0xFFFF  }
0x3a6: {  	s9 =	sshll.u32 s21, $0x6;
	s29 =	rddreg [dreg:$0x9]  }
0x3a7: {  	s9 =	sor.u32 $0x1C07, s9;
	s12 =	rddreg [dreg:$0x14]  }
0x3a8: {  	[hbm:s29], [sflag:s9] =	dma.local [spmem:s12], $0x2BE0  }
0x3a9: {  	_ =	swait.ge [sflag:s4], $0x2BE0  }
0x3aa: {  	[sflag:s4] =	ssyncset.done $0x0;
	s15 =	rddreg [dreg:$0x4]  }
0x3ab: {  	s12 =	rddreg [dreg:$0xa];
	[sflag:s4] =	ssyncadd.s32 $0xFFFFD420;
	s11 =	sshrl.u32 @!p0 s15, $0x3  }
0x3ac: {  	[hbm:s12], [sflag:s9] =	dma.local @!p0 [spmem:s11], $0x120  }
0x3ad: {  	s9 =	simm.s32 @!p0 $0x7  }
0x3ae: {  	_ =	swait.ge @!p0 [sflag:s9], $0x120  }
0x3af: {  	s30 =	rddreg [dreg:$0x1a]  }
0x3b0: {  	s31 =	rddreg [dreg:$0xc];
	s12 =	sadd.s32 $0x1, s30  }
0x3b1: {  	p1 =	sne.s32 s12, s31  }
.Ltmp5:
0x3b2: {  	_ = 	snop;
	(pc) =	sbr.rel @p1 .LBB2_1-.Ltmp5, $3  }
0x3b3: {  	_ =	sdelay $0x1  }
0x3b4: {  	[sflag:s9] =	ssyncset.done @!p0 $0x0  }
0x3b5: {  	[sflag:s9] =	ssyncadd.s32 @!p0 $0xFFFFFEE0  }
0x3b6: {  	_ =	sfence.sel $0x180000  }
0x3b7: {  	[bflag:$0x0] =	sbarrier.arrive $0xFFFF  }
0x3b8: {  	_ =	strace $0x90000047  }
0x3b9: {  	s0 =	stileid.u32;
	[bflag:$0x2] =	sbarrier.arrive $0xFFFF  }
0x3ba: {  	p0 =	sne.s32 s0, $0x0;
	s0 =	rddreg [dreg:$0x3]  }
0x3bb: {  	s0 =	sadd.s32 @!p0 $0x100000, s0  }
0x3bc: {  	[sflag:s0] =	ssyncadd.tile.s32 @!p0 $0x1;
	_ =	shalt  }
.Lfunc_end2:
_tile_overlayer_lowered:
.L_overlay_start_2:
0x3bd: {  	(tag) =	ssettag $0x2  }
0x3be: {  	s0 =	rddreg [dreg:$0x0];
	s2 =	stileid.u32  }
0x3bf: {  	s1 =	rddreg [dreg:$0x1];
	p0 =	sne.s32 s2, $0x0  }
0x3c0: {  	s3 =	rddreg [dreg:$0x2];
	[bflag:$0x3] =	sbarrier.arrive $0xFFFF;
	s2 =	simm.s32 @!p0 $0x1C07  }
0x3c1: {  	[timem:s3], [sflag:s2] =	dma.local @!p0 [hbm:s0], s1  }
0x3c2: {  	s0 =	simm.s32 @!p0 $0x7  }
0x3c3: {  	_ =	swait.ge @!p0 [sflag:s0], s1  }
0x3c4: {  	s1 =	ssub.s32 @!p0 $0x0, s1;
	[sflag:s0] =	ssyncset.done @!p0 $0x0  }
0x3c5: {  	[sflag:s0] =	ssyncadd.s32 @!p0 s1  }
0x3c6: {  	[bflag:$0x3] =	sbarrier.arrive $0xFFFF  }
0x3c7: {  	_ =	shalt  }

</sc_bundles>
